<compile_context>
chip_gen: v7x
topology: tpu7x:2x2x1
jax: 0.10.2.dev20260603
libtpu: 0.0.44.dev20260713+nightly
codegen_flags: <defaults>
</compile_context>

<pallas_src>
import functools

import jax
import jax.numpy as jnp
from jax import lax
from jax.experimental import pallas as pl
from jax.experimental.pallas import tpu as pltpu
from jax.experimental.pallas import tpu_sc as plsc

_N = 10000
_E = 320000
_D = 128

_NC = 2
_NS = 16
_NW = _NC * _NS
_CH = 128
_C = 79
_EP = _NW * _C * _CH
_DUMMY = _N

_ACC_ROWS = 10240
_OUT_PER_TILE = _ACC_ROWS // _NS

_DEG_PER_TILE = 632
_DEGP = _NS * _DEG_PER_TILE



def _sc_degree_impl(dst_hbm, deg_hbm, dst_v, zeros_v, ones_v, acc):
    cid = lax.axis_index("c")
    sid = lax.axis_index("s")

    def _fill(i, _):
        zeros_v[pl.ds(i * 16, 16)] = jnp.zeros((16,), jnp.float32)
        return 0
    lax.fori_loop(0, 640 // 16, _fill, 0)

    def _fill1(i, _):
        ones_v[pl.ds(i * 16, 16)] = jnp.ones((16,), jnp.float32)
        return 0
    lax.fori_loop(0, _CH // 16, _fill1, 0)

    pltpu.sync_copy(zeros_v.at[pl.ds(0, _DEG_PER_TILE)],
                    acc.at[pl.ds(sid * _DEG_PER_TILE, _DEG_PER_TILE)])
    plsc.subcore_barrier()

    wid = sid * _NC + cid
    pltpu.sync_copy(dst_hbm.at[wid], dst_v)

    def _body(j, _):
        pltpu.sync_copy(ones_v, acc.at[dst_v.at[j]], add=True)
        return 0
    lax.fori_loop(0, _C, _body, 0)
    plsc.subcore_barrier()

    pltpu.sync_copy(acc.at[pl.ds(sid * _DEG_PER_TILE, _DEG_PER_TILE)],
                    zeros_v.at[pl.ds(0, _DEG_PER_TILE)])
    pltpu.sync_copy(zeros_v.at[pl.ds(0, _DEG_PER_TILE)],
                    deg_hbm.at[pl.ds(cid * _DEGP + sid * _DEG_PER_TILE,
                                     _DEG_PER_TILE)])


def _sc_neighbor_sum_impl(hs_hbm, src_hbm, dst_hbm, out_hbm,
                          src_v, dst_v, buf, acc, sem):
    cid = lax.axis_index("c")
    sid = lax.axis_index("s")

    def _fill(i, _):
        r = i // 8
        c = lax.rem(i, 8) * 16
        buf[r, pl.ds(c, 16)] = jnp.zeros((16,), jnp.float32)
        return 0
    lax.fori_loop(0, _CH * 8, _fill, 0)

    zb = sid * _OUT_PER_TILE
    for t in range(_OUT_PER_TILE // _CH):
        pltpu.sync_copy(buf, acc.at[pl.ds(zb + t * _CH, _CH)])
    plsc.subcore_barrier()

    wid = sid * _NC + cid
    pltpu.sync_copy(src_hbm.at[wid], src_v)
    pltpu.sync_copy(dst_hbm.at[wid], dst_v)

    def _body(j, _):
        pltpu.async_copy(hs_hbm.at[src_v.at[j]], buf, sem).wait()
        pltpu.sync_copy(buf, acc.at[dst_v.at[j]], add=True)
        return 0
    lax.fori_loop(0, _C, _body, 0)
    plsc.subcore_barrier()

    ob = sid * _OUT_PER_TILE
    for t in range(_OUT_PER_TILE // _CH):
        pltpu.sync_copy(acc.at[pl.ds(ob + t * _CH, _CH)], buf)
        pltpu.sync_copy(buf, out_hbm.at[cid, pl.ds(ob + t * _CH, _CH)])



_BLK = 1000
_GRID = _N // _BLK


def _tc_first_body(d0_ref, d1_ref, x_ref, w_ref, hs_ref, dinv_ref):
    deg = d0_ref[...] + d1_ref[...] + 1.0
    dinv = lax.rsqrt(jnp.maximum(deg, 1.0))
    h = jnp.dot(x_ref[...], w_ref[...], preferred_element_type=jnp.float32)
    hs_ref[...] = dinv * h
    dinv_ref[...] = dinv


def _tc_mid_body(p0_ref, p1_ref, hs_ref, dinv_ref, b_ref, w_ref, out_ref):
    dinv = dinv_ref[...]
    agg = p0_ref[...] + p1_ref[...] + hs_ref[...]
    t = jnp.maximum(dinv * agg + b_ref[...], 0.0)
    out_ref[...] = dinv * jnp.dot(t, w_ref[...], preferred_element_type=jnp.float32)


def _tc_final_body(p0_ref, p1_ref, hs_ref, dinv_ref, b_ref, out_ref):
    agg = p0_ref[...] + p1_ref[...] + hs_ref[...]
    out_ref[...] = dinv_ref[...] * agg + b_ref[...]


_row_spec = pl.BlockSpec((_BLK, _D), lambda i: (i, 0))
_col_spec = pl.BlockSpec((_BLK, 1), lambda i: (i, 0))
_w_spec = pl.BlockSpec((_D, _D), lambda i: (0, 0))
_b_spec = pl.BlockSpec((1, _D), lambda i: (0, 0))

_tc_first = pl.pallas_call(
    _tc_first_body,
    grid=(_GRID,),
    in_specs=[_col_spec, _col_spec, _row_spec, _w_spec],
    out_specs=[_row_spec, _col_spec],
    out_shape=[jax.ShapeDtypeStruct((_N, _D), jnp.float32),
               jax.ShapeDtypeStruct((_N, 1), jnp.float32)],
)

_tc_mid = pl.pallas_call(
    _tc_mid_body,
    grid=(_GRID,),
    in_specs=[_row_spec, _row_spec, _row_spec, _col_spec, _b_spec, _w_spec],
    out_specs=_row_spec,
    out_shape=jax.ShapeDtypeStruct((_N, _D), jnp.float32),
)

_tc_final = pl.pallas_call(
    _tc_final_body,
    grid=(_GRID,),
    in_specs=[_row_spec, _row_spec, _row_spec, _col_spec, _b_spec],
    out_specs=_row_spec,
    out_shape=jax.ShapeDtypeStruct((_N, _D), jnp.float32),
)


@functools.lru_cache(maxsize=1)
def _sc_kernels():
    mesh = plsc.VectorSubcoreMesh(
        core_axis_name="c", subcore_axis_name="s",
        num_cores=_NC, num_subcores=_NS)
    sc_degree = pl.kernel(
        _sc_degree_impl,
        out_type=jax.ShapeDtypeStruct((_NC * _DEGP,), jnp.float32),
        mesh=mesh,
        scratch_types=[
            pltpu.VMEM((_C, _CH), jnp.int32),
            pltpu.VMEM((640,), jnp.float32),
            pltpu.VMEM((_CH,), jnp.float32),
            pltpu.VMEM_SHARED((_DEGP,), jnp.float32),
        ],
    )
    sc_neighbor_sum = pl.kernel(
        _sc_neighbor_sum_impl,
        out_type=jax.ShapeDtypeStruct((_NC, _ACC_ROWS, _D), jnp.float32),
        mesh=mesh,
        scratch_types=[
            pltpu.VMEM((_C, _CH), jnp.int32),
            pltpu.VMEM((_C, _CH), jnp.int32),
            pltpu.VMEM((_CH, _D), jnp.float32),
            pltpu.VMEM_SHARED((_ACC_ROWS, _D), jnp.float32),
            pltpu.SemaphoreType.DMA,
        ],
    )
    return sc_degree, sc_neighbor_sum



def kernel(x, edge_index, W1, b1, W2, b2, W3, b3):
    src = edge_index[0]
    dst = edge_index[1]
    pad = _EP - _E
    srcp = jnp.concatenate(
        [src, jnp.zeros((pad,), jnp.int32)]).reshape(_NW, _C, _CH)
    dstp = jnp.concatenate(
        [dst, jnp.full((pad,), _DUMMY, jnp.int32)]).reshape(_NW, _C, _CH)

    _sc_degree, _sc_neighbor_sum = _sc_kernels()
    deg2 = _sc_degree(dstp).reshape(_NC, _DEGP)
    d0 = deg2[0, :_N, None]
    d1 = deg2[1, :_N, None]

    b1r = b1.reshape(1, _D)
    b2r = b2.reshape(1, _D)
    b3r = b3.reshape(1, _D)

    hs1, dinv = _tc_first(d0, d1, x, W1)
    parts = _sc_neighbor_sum(hs1, srcp, dstp)
    hs2 = _tc_mid(parts[0, :_N], parts[1, :_N], hs1, dinv, b1r, W2)
    parts = _sc_neighbor_sum(hs2, srcp, dstp)
    hs3 = _tc_mid(parts[0, :_N], parts[1, :_N], hs2, dinv, b2r, W3)
    parts = _sc_neighbor_sum(hs3, srcp, dstp)
    return _tc_final(parts[0, :_N], parts[1, :_N], hs3, dinv, b3r)

# --- scband reference (transcript-rebuilt; emitter-appended) ---
"""Pipeline reference for scband-gnndecoder-39779987095912 (READ-ONLY COPY).

The authoritative reference and input builder live on the scoring server;
editing this copy changes nothing except your own understanding.
"""

import jax, jax.numpy as jnp
import numpy as np

N = 10000
E = 320000
D_IN = 128
D_HID = 128
D_OUT = 128


def setup_inputs(seed: int = 0) -> dict:
    key = jax.random.key(seed)
    ks = jax.random.split(key, 8)
    x = jax.random.normal(ks[0], (N, D_IN), dtype=jnp.float32)
    edge_index = jax.random.randint(ks[1], (2, E), 0, N, dtype=jnp.int32)
    # GCNConv learned parameters (glorot-ish scaling)
    W1 = jax.random.normal(ks[2], (D_IN, D_HID), dtype=jnp.float32) * (1.0 / np.sqrt(D_IN))
    b1 = jnp.zeros((D_HID,), dtype=jnp.float32)
    W2 = jax.random.normal(ks[3], (D_HID, D_HID), dtype=jnp.float32) * (1.0 / np.sqrt(D_HID))
    b2 = jnp.zeros((D_HID,), dtype=jnp.float32)
    W3 = jax.random.normal(ks[4], (D_HID, D_OUT), dtype=jnp.float32) * (1.0 / np.sqrt(D_HID))
    b3 = jnp.zeros((D_OUT,), dtype=jnp.float32)
    return {"x": x, "edge_index": edge_index, "W1": W1, "b1": b1, "W2": W2, "b2": b2, "W3": W3, "b3": b3}


def _gcn_conv(x, edge_index, W, b):
    """Standard GCNConv: D^{-1/2} (A + I) D^{-1/2} X W + b."""
    n = x.shape[0]
    h = x @ W
    src = edge_index[0]
    dst = edge_index[1]
    loop = jnp.arange(n, dtype=src.dtype)
    src = jnp.concatenate([src, loop])
    dst = jnp.concatenate([dst, loop])
    deg = jnp.zeros((n,), dtype=x.dtype).at[dst].add(1.0)
    dinv = jax.lax.rsqrt(jnp.maximum(deg, 1.0))
    norm = dinv[src] * dinv[dst]
    msg = h[src] * norm[:, None]
    out = jax.ops.segment_sum(msg, dst, num_segments=n)
    return out + b


def reference(x, edge_index, W1, b1, W2, b2, W3, b3):
    # Dropout is identity in eval mode.
    h = _gcn_conv(x, edge_index, W1, b1)
    h = jax.nn.relu(h)
    h = _gcn_conv(h, edge_index, W2, b2)
    h = jax.nn.relu(h)
    out = _gcn_conv(h, edge_index, W3, b3)
    return out

if __name__ == "__main__":
    import jax
    _d = setup_inputs()
    print(jax.jit(kernel)(*tuple(_d.values())))

</pallas_src>

<mosaic_0001>
#map = affine_map<(d0, d1) -> (0, 0, 0)>
#map1 = affine_map<(d0, d1) -> (0)>
module attributes {stable_mosaic.version = 14 : i64} {
  func.func @_sc_degree_impl(%arg0: i32, %arg1: i32, %arg2: memref<32x79x128xi32, #tpu.memory_space<hbm>>, %arg3: memref<20224xf32, #tpu.memory_space<hbm>>, %arg4: memref<79x128xi32, #tpu.memory_space<vmem>>, %arg5: memref<640xf32, #tpu.memory_space<vmem>>, %arg6: memref<128xf32, #tpu.memory_space<vmem>>, %arg7: memref<10112xf32, #tpu.memory_space<vmem_shared>>) attributes {dimension_semantics = [#tpu.dimension_semantics<core_parallel>, #tpu.dimension_semantics<subcore_parallel>], iteration_bounds = array<i64: 2, 16>, scalar_prefetch = 0 : i64, scratch_operands = 4 : i64, tpu.core_type = #tpu.core_type<sc_vector_subcore>, window_params = [{transform_indices = #map}, {transform_indices = #map1}]} {
    %scan3A = arith.constant 0 : i32
    %scan3A_0 = arith.constant 0 : i32
    %scan3A_1 = arith.constant 40 : i32
    %scan3A_2 = arith.addi %scan3A_0, %scan3A_1 : i32
    %scan3A_3 = arith.constant 1 : i32
    %scan3A_4 = scf.for %scan3A_31 = %scan3A_0 to %scan3A_2 step %scan3A_3 iter_args(%scan3A_32 = %scan3A) -> (i32)  : i32 {
      %broadcast_in_dim3A = arith.constant 0.000000e+00 : f32
      %broadcast_in_dim3A_33 = vector.broadcast %broadcast_in_dim3A : f32 to vector<16xf32>
      %mul3A_34 = arith.constant 16 : i32
      %mul3A_35 = arith.muli %scan3A_31, %mul3A_34 : i32
      %swap3A = arith.index_cast %mul3A_35 : i32 to index
      %swap3A_36 = tpu.vector_load %arg5[%swap3A] {strides = array<i32>} : memref<640xf32, #tpu.memory_space<vmem>>, vector<16xf32>,
      %swap3A_37 = vector.shape_cast %swap3A_36 : vector<16xf32> to vector<16xf32>
      %swap3A_38 = vector.shape_cast %broadcast_in_dim3A_33 : vector<16xf32> to vector<16xf32>
      tpu.vector_store %arg5[%swap3A], %swap3A_38 {strides = array<i32>} : memref<640xf32, #tpu.memory_space<vmem>>, vector<16xf32>,
      %scan3A_39 = arith.constant 0 : i32
      scf.yield %scan3A_39 : i32
    }
    %scan3A_5 = arith.constant 40 : i32
    %scan3A_6 = arith.constant 0 : i32
    %scan3A_7 = arith.constant 0 : i32
    %scan3A_8 = arith.constant 8 : i32
    %scan3A_9 = arith.addi %scan3A_7, %scan3A_8 : i32
    %scan3A_10 = arith.constant 1 : i32
    %scan3A_11 = scf.for %scan3A_31 = %scan3A_7 to %scan3A_9 step %scan3A_10 iter_args(%scan3A_32 = %scan3A_6) -> (i32)  : i32 {
      %broadcast_in_dim3A = arith.constant 1.000000e+00 : f32
      %broadcast_in_dim3A_33 = vector.broadcast %broadcast_in_dim3A : f32 to vector<16xf32>
      %mul3A_34 = arith.constant 16 : i32
      %mul3A_35 = arith.muli %scan3A_31, %mul3A_34 : i32
      %swap3A = arith.index_cast %mul3A_35 : i32 to index
      %swap3A_36 = tpu.vector_load %arg6[%swap3A] {strides = array<i32>} : memref<128xf32, #tpu.memory_space<vmem>>, vector<16xf32>,
      %swap3A_37 = vector.shape_cast %swap3A_36 : vector<16xf32> to vector<16xf32>
      %swap3A_38 = vector.shape_cast %broadcast_in_dim3A_33 : vector<16xf32> to vector<16xf32>
      tpu.vector_store %arg6[%swap3A], %swap3A_38 {strides = array<i32>} : memref<128xf32, #tpu.memory_space<vmem>>, vector<16xf32>,
      %scan3A_39 = arith.constant 0 : i32
      scf.yield %scan3A_39 : i32
    }
    %scan3A_12 = arith.constant 8 : i32
    %mul3A = arith.constant 632 : i32
    %mul3A_13 = arith.muli %arg1, %mul3A : i32
    "tpu.region"() ({
      %run_scoped3A = tpu.sem_alloc : memref<!tpu.dma_semaphore, #tpu.memory_space<semaphore_mem>>
      %dma_start3A = arith.constant 0 : i32
      %dma_start3A_31 = tpu.memref_slice %arg5[%dma_start3A] : memref<640xf32, #tpu.memory_space<vmem>> -> memref<632xf32, #tpu.memory_space<vmem>>
      %dma_start3A_32 = tpu.memref_slice %arg7[%mul3A_13] : memref<10112xf32, #tpu.memory_space<vmem_shared>> -> memref<632xf32, #tpu.memory_space<vmem_shared>>
      %dma_start3A_33 = tpu.memref_slice %arg7[%mul3A_13] : memref<10112xf32, #tpu.memory_space<vmem_shared>> -> memref<632xf32, #tpu.memory_space<vmem_shared>>
      %dma_start3A_34 = arith.constant 0 : i32
      %dma_start3A_35 = tpu.memref_slice %arg5[%dma_start3A_34] : memref<640xf32, #tpu.memory_space<vmem>> -> memref<632xf32, #tpu.memory_space<vmem>>
      tpu.enqueue_dma source(%dma_start3A_35 : memref<632xf32, #tpu.memory_space<vmem>>) target(%dma_start3A_33 : memref<632xf32, #tpu.memory_space<vmem_shared>>) target_semaphore(%run_scoped3A : memref<!tpu.dma_semaphore, #tpu.memory_space<semaphore_mem>>)
      %dma_wait3A = arith.constant 0 : i32
      %dma_wait3A_36 = tpu.memref_slice %arg5[%dma_wait3A] : memref<640xf32, #tpu.memory_space<vmem>> -> memref<632xf32, #tpu.memory_space<vmem>>
      %dma_wait3A_37 = tpu.memref_slice %arg7[%mul3A_13] : memref<10112xf32, #tpu.memory_space<vmem_shared>> -> memref<632xf32, #tpu.memory_space<vmem_shared>>
      %dma_wait3A_38 = tpu.memref_slice %arg7[%mul3A_13] : memref<10112xf32, #tpu.memory_space<vmem_shared>> -> memref<632xf32, #tpu.memory_space<vmem_shared>>
      %dma_wait3A_39 = arith.constant 0 : i32
      %dma_wait3A_40 = tpu.memref_slice %arg5[%dma_wait3A_39] : memref<640xf32, #tpu.memory_space<vmem>> -> memref<632xf32, #tpu.memory_space<vmem>>
      tpu.wait_dma2 semaphore(%run_scoped3A : memref<!tpu.dma_semaphore, #tpu.memory_space<semaphore_mem>>) src(%dma_wait3A_40 : memref<632xf32, #tpu.memory_space<vmem>>) dst(%dma_wait3A_38 : memref<632xf32, #tpu.memory_space<vmem_shared>>)
      tpu.yield
    }) : () -> ()
    %barrier3A = arith.constant 0 : index
    tpu.barrier barrier_id(%barrier3A)
    %mul3A_14 = arith.constant 2 : i32
    %mul3A_15 = arith.muli %arg1, %mul3A_14 : i32
    %add3A = arith.addi %mul3A_15, %arg0 : i32
    "tpu.region"() ({
      %run_scoped3A = tpu.sem_alloc : memref<!tpu.dma_semaphore, #tpu.memory_space<semaphore_mem>>
      %dma_start3A = arith.constant 0 : i32
      %dma_start3A_31 = arith.constant 0 : i32
      %dma_start3A_32 = tpu.memref_slice %arg2[%add3A, %dma_start3A, %dma_start3A_31] : memref<32x79x128xi32, #tpu.memory_space<hbm>> -> memref<1x79x128xi32, #tpu.memory_space<hbm>>
      %dma_start3A_33 = tpu.memref_squeeze %dma_start3A_32 : memref<1x79x128xi32, #tpu.memory_space<hbm>> -> memref<79x128xi32, #tpu.memory_space<hbm>>
      %dma_start3A_34 = arith.constant 0 : i32
      %dma_start3A_35 = arith.constant 0 : i32
      %dma_start3A_36 = tpu.memref_slice %arg2[%add3A, %dma_start3A_34, %dma_start3A_35] : memref<32x79x128xi32, #tpu.memory_space<hbm>> -> memref<1x79x128xi32, #tpu.memory_space<hbm>>
      %dma_start3A_37 = tpu.memref_squeeze %dma_start3A_36 : memref<1x79x128xi32, #tpu.memory_space<hbm>> -> memref<79x128xi32, #tpu.memory_space<hbm>>
      tpu.enqueue_dma source(%dma_start3A_37 : memref<79x128xi32, #tpu.memory_space<hbm>>) target(%arg4 : memref<79x128xi32, #tpu.memory_space<vmem>>) target_semaphore(%run_scoped3A : memref<!tpu.dma_semaphore, #tpu.memory_space<semaphore_mem>>)
      %dma_wait3A = arith.constant 0 : i32
      %dma_wait3A_38 = arith.constant 0 : i32
      %dma_wait3A_39 = tpu.memref_slice %arg2[%add3A, %dma_wait3A, %dma_wait3A_38] : memref<32x79x128xi32, #tpu.memory_space<hbm>> -> memref<1x79x128xi32, #tpu.memory_space<hbm>>
      %dma_wait3A_40 = tpu.memref_squeeze %dma_wait3A_39 : memref<1x79x128xi32, #tpu.memory_space<hbm>> -> memref<79x128xi32, #tpu.memory_space<hbm>>
      %dma_wait3A_41 = arith.constant 0 : i32
      %dma_wait3A_42 = arith.constant 0 : i32
      %dma_wait3A_43 = tpu.memref_slice %arg2[%add3A, %dma_wait3A_41, %dma_wait3A_42] : memref<32x79x128xi32, #tpu.memory_space<hbm>> -> memref<1x79x128xi32, #tpu.memory_space<hbm>>
      %dma_wait3A_44 = tpu.memref_squeeze %dma_wait3A_43 : memref<1x79x128xi32, #tpu.memory_space<hbm>> -> memref<79x128xi32, #tpu.memory_space<hbm>>
      tpu.wait_dma2 semaphore(%run_scoped3A : memref<!tpu.dma_semaphore, #tpu.memory_space<semaphore_mem>>) src(%dma_wait3A_44 : memref<79x128xi32, #tpu.memory_space<hbm>>) dst(%arg4 : memref<79x128xi32, #tpu.memory_space<vmem>>)
      tpu.yield
    }) : () -> ()
    %scan3A_16 = arith.constant 0 : i32
    %scan3A_17 = arith.constant 0 : i32
    %scan3A_18 = arith.constant 79 : i32
    %scan3A_19 = arith.addi %scan3A_17, %scan3A_18 : i32
    %scan3A_20 = arith.constant 1 : i32
    %scan3A_21 = scf.for %scan3A_31 = %scan3A_17 to %scan3A_19 step %scan3A_20 iter_args(%scan3A_32 = %scan3A_16) -> (i32)  : i32 {
      "tpu.region"() ({
        %run_scoped3A = tpu.sem_alloc : memref<!tpu.dma_semaphore, #tpu.memory_space<semaphore_mem>>
        %dma_start3A = arith.constant 0 : i32
        %dma_start3A_34 = tpu.memref_slice %arg4[%scan3A_31, %dma_start3A] : memref<79x128xi32, #tpu.memory_space<vmem>> -> memref<1x128xi32, #tpu.memory_space<vmem>>
        %dma_start3A_35 = tpu.memref_squeeze %dma_start3A_34 : memref<1x128xi32, #tpu.memory_space<vmem>> -> memref<128xi32, #tpu.memory_space<vmem>>
        %dma_start3A_36 = arith.constant 0 : i32
        %dma_start3A_37 = tpu.memref_slice %arg7[%dma_start3A_36] : memref<10112xf32, #tpu.memory_space<vmem_shared>> -> memref<10112xf32, #tpu.memory_space<vmem_shared>>
        tpu.enqueue_indirect_dma source(%arg6 : memref<128xf32, #tpu.memory_space<vmem>>) target(%dma_start3A_37 : memref<10112xf32, #tpu.memory_space<vmem_shared>>) offsets(%dma_start3A_35 : memref<128xi32, #tpu.memory_space<vmem>>) semaphore(%run_scoped3A : memref<!tpu.dma_semaphore, #tpu.memory_space<semaphore_mem>>) {add = true}
        %dma_wait3A = arith.constant 0 : i32
        %dma_wait3A_38 = tpu.memref_slice %arg4[%scan3A_31, %dma_wait3A] : memref<79x128xi32, #tpu.memory_space<vmem>> -> memref<1x128xi32, #tpu.memory_space<vmem>>
        %dma_wait3A_39 = tpu.memref_squeeze %dma_wait3A_38 : memref<1x128xi32, #tpu.memory_space<vmem>> -> memref<128xi32, #tpu.memory_space<vmem>>
        %dma_wait3A_40 = arith.constant 0 : i32
        %dma_wait3A_41 = tpu.memref_slice %arg7[%dma_wait3A_40] : memref<10112xf32, #tpu.memory_space<vmem_shared>> -> memref<10112xf32, #tpu.memory_space<vmem_shared>>
        tpu.wait_indirect_dma semaphore(%run_scoped3A : memref<!tpu.dma_semaphore, #tpu.memory_space<semaphore_mem>>) src(%arg6 : memref<128xf32, #tpu.memory_space<vmem>>) dst(%dma_wait3A_41 : memref<10112xf32, #tpu.memory_space<vmem_shared>>)
        tpu.yield
      }) : () -> ()
      %scan3A_33 = arith.constant 0 : i32
      scf.yield %scan3A_33 : i32
    }
    %scan3A_22 = arith.constant 79 : i32
    %barrier3A_23 = arith.constant 0 : index
    tpu.barrier barrier_id(%barrier3A_23)
    %mul3A_24 = arith.constant 632 : i32
    %mul3A_25 = arith.muli %arg1, %mul3A_24 : i32
    "tpu.region"() ({
      %run_scoped3A = tpu.sem_alloc : memref<!tpu.dma_semaphore, #tpu.memory_space<semaphore_mem>>
      %dma_start3A = arith.constant 0 : i32
      %dma_start3A_31 = tpu.memref_slice %arg5[%dma_start3A] : memref<640xf32, #tpu.memory_space<vmem>> -> memref<632xf32, #tpu.memory_space<vmem>>
      %dma_start3A_32 = tpu.memref_slice %arg7[%mul3A_25] : memref<10112xf32, #tpu.memory_space<vmem_shared>> -> memref<632xf32, #tpu.memory_space<vmem_shared>>
      %dma_start3A_33 = arith.constant 0 : i32
      %dma_start3A_34 = tpu.memref_slice %arg5[%dma_start3A_33] : memref<640xf32, #tpu.memory_space<vmem>> -> memref<632xf32, #tpu.memory_space<vmem>>
      %dma_start3A_35 = tpu.memref_slice %arg7[%mul3A_25] : memref<10112xf32, #tpu.memory_space<vmem_shared>> -> memref<632xf32, #tpu.memory_space<vmem_shared>>
      tpu.enqueue_dma source(%dma_start3A_35 : memref<632xf32, #tpu.memory_space<vmem_shared>>) target(%dma_start3A_34 : memref<632xf32, #tpu.memory_space<vmem>>) target_semaphore(%run_scoped3A : memref<!tpu.dma_semaphore, #tpu.memory_space<semaphore_mem>>)
      %dma_wait3A = arith.constant 0 : i32
      %dma_wait3A_36 = tpu.memref_slice %arg5[%dma_wait3A] : memref<640xf32, #tpu.memory_space<vmem>> -> memref<632xf32, #tpu.memory_space<vmem>>
      %dma_wait3A_37 = tpu.memref_slice %arg7[%mul3A_25] : memref<10112xf32, #tpu.memory_space<vmem_shared>> -> memref<632xf32, #tpu.memory_space<vmem_shared>>
      %dma_wait3A_38 = arith.constant 0 : i32
      %dma_wait3A_39 = tpu.memref_slice %arg5[%dma_wait3A_38] : memref<640xf32, #tpu.memory_space<vmem>> -> memref<632xf32, #tpu.memory_space<vmem>>
      %dma_wait3A_40 = tpu.memref_slice %arg7[%mul3A_25] : memref<10112xf32, #tpu.memory_space<vmem_shared>> -> memref<632xf32, #tpu.memory_space<vmem_shared>>
      tpu.wait_dma2 semaphore(%run_scoped3A : memref<!tpu.dma_semaphore, #tpu.memory_space<semaphore_mem>>) src(%dma_wait3A_40 : memref<632xf32, #tpu.memory_space<vmem_shared>>) dst(%dma_wait3A_39 : memref<632xf32, #tpu.memory_space<vmem>>)
      tpu.yield
    }) : () -> ()
    %mul3A_26 = arith.constant 10112 : i32
    %mul3A_27 = arith.muli %arg0, %mul3A_26 : i32
    %mul3A_28 = arith.constant 632 : i32
    %mul3A_29 = arith.muli %arg1, %mul3A_28 : i32
    %add3A_30 = arith.addi %mul3A_27, %mul3A_29 : i32
    "tpu.region"() ({
      %run_scoped3A = tpu.sem_alloc : memref<!tpu.dma_semaphore, #tpu.memory_space<semaphore_mem>>
      %dma_start3A = arith.constant 0 : i32
      %dma_start3A_31 = tpu.memref_slice %arg5[%dma_start3A] : memref<640xf32, #tpu.memory_space<vmem>> -> memref<632xf32, #tpu.memory_space<vmem>>
      %dma_start3A_32 = tpu.memref_slice %arg3[%add3A_30] : memref<20224xf32, #tpu.memory_space<hbm>> -> memref<632xf32, #tpu.memory_space<hbm>>
      %dma_start3A_33 = tpu.memref_slice %arg3[%add3A_30] : memref<20224xf32, #tpu.memory_space<hbm>> -> memref<632xf32, #tpu.memory_space<hbm>>
      %dma_start3A_34 = arith.constant 0 : i32
      %dma_start3A_35 = tpu.memref_slice %arg5[%dma_start3A_34] : memref<640xf32, #tpu.memory_space<vmem>> -> memref<632xf32, #tpu.memory_space<vmem>>
      tpu.enqueue_dma source(%dma_start3A_35 : memref<632xf32, #tpu.memory_space<vmem>>) target(%dma_start3A_33 : memref<632xf32, #tpu.memory_space<hbm>>) target_semaphore(%run_scoped3A : memref<!tpu.dma_semaphore, #tpu.memory_space<semaphore_mem>>)
      %dma_wait3A = arith.constant 0 : i32
      %dma_wait3A_36 = tpu.memref_slice %arg5[%dma_wait3A] : memref<640xf32, #tpu.memory_space<vmem>> -> memref<632xf32, #tpu.memory_space<vmem>>
      %dma_wait3A_37 = tpu.memref_slice %arg3[%add3A_30] : memref<20224xf32, #tpu.memory_space<hbm>> -> memref<632xf32, #tpu.memory_space<hbm>>
      %dma_wait3A_38 = tpu.memref_slice %arg3[%add3A_30] : memref<20224xf32, #tpu.memory_space<hbm>> -> memref<632xf32, #tpu.memory_space<hbm>>
      %dma_wait3A_39 = arith.constant 0 : i32
      %dma_wait3A_40 = tpu.memref_slice %arg5[%dma_wait3A_39] : memref<640xf32, #tpu.memory_space<vmem>> -> memref<632xf32, #tpu.memory_space<vmem>>
      tpu.wait_dma2 semaphore(%run_scoped3A : memref<!tpu.dma_semaphore, #tpu.memory_space<semaphore_mem>>) src(%dma_wait3A_40 : memref<632xf32, #tpu.memory_space<vmem>>) dst(%dma_wait3A_38 : memref<632xf32, #tpu.memory_space<hbm>>)
      tpu.yield
    }) : () -> ()
    return
  }
}

#map = affine_map<(d0, d1) -> (0, 0)>
#map1 = affine_map<(d0, d1) -> (0, 0, 0)>
module attributes {stable_mosaic.version = 14 : i64} {
  func.func @_sc_neighbor_sum_impl(%arg0: i32, %arg1: i32, %arg2: memref<10000x128xf32, #tpu.memory_space<hbm>>, %arg3: memref<32x79x128xi32, #tpu.memory_space<hbm>>, %arg4: memref<32x79x128xi32, #tpu.memory_space<hbm>>, %arg5: memref<2x10240x128xf32, #tpu.memory_space<hbm>>, %arg6: memref<79x128xi32, #tpu.memory_space<vmem>>, %arg7: memref<79x128xi32, #tpu.memory_space<vmem>>, %arg8: memref<128x128xf32, #tpu.memory_space<vmem>>, %arg9: memref<10240x128xf32, #tpu.memory_space<vmem_shared>>, %arg10: memref<!tpu.dma_semaphore, #tpu.memory_space<semaphore_mem>>) attributes {dimension_semantics = [#tpu.dimension_semantics<core_parallel>, #tpu.dimension_semantics<subcore_parallel>], iteration_bounds = array<i64: 2, 16>, scalar_prefetch = 0 : i64, scratch_operands = 5 : i64, tpu.core_type = #tpu.core_type<sc_vector_subcore>, window_params = [{transform_indices = #map}, {transform_indices = #map1}, {transform_indices = #map1}, {transform_indices = #map1}]} {
    %scan3A = arith.constant 0 : i32
    %scan3A_0 = arith.constant 0 : i32
    %scan3A_1 = arith.constant 1024 : i32
    %scan3A_2 = arith.addi %scan3A_0, %scan3A_1 : i32
    %scan3A_3 = arith.constant 1 : i32
    %scan3A_4 = scf.for %scan3A_49 = %scan3A_0 to %scan3A_2 step %scan3A_3 iter_args(%scan3A_50 = %scan3A) -> (i32)  : i32 {
      %jit3A = arith.constant 8 : i32
      %div3A = arith.divsi %scan3A_49, %jit3A : i32
      %sign3A = arith.constant 0 : i32
      %sign3A_51 = arith.cmpi sgt, %scan3A_49, %sign3A : i32
      %sign3A_52 = arith.extui %sign3A_51 : i1 to i32
      %sign3A_53 = arith.constant 0 : i32
      %sign3A_54 = arith.cmpi slt, %scan3A_49, %sign3A_53 : i32
      %sign3A_55 = arith.extui %sign3A_54 : i1 to i32
      %sign3A_56 = arith.subi %sign3A_52, %sign3A_55 : i32
      %sign3A_57 = arith.constant 0 : i32
      %sign3A_58 = arith.cmpi sgt, %jit3A, %sign3A_57 : i32
      %sign3A_59 = arith.extui %sign3A_58 : i1 to i32
      %sign3A_60 = arith.constant 0 : i32
      %sign3A_61 = arith.cmpi slt, %jit3A, %sign3A_60 : i32
      %sign3A_62 = arith.extui %sign3A_61 : i1 to i32
      %sign3A_63 = arith.subi %sign3A_59, %sign3A_62 : i32
      %ne3A = arith.cmpi ne, %sign3A_56, %sign3A_63 : i32
      %rem3A = arith.remsi %scan3A_49, %jit3A : i32
      %ne3A_64 = arith.constant 0 : i32
      %ne3A_65 = arith.cmpi ne, %rem3A, %ne3A_64 : i32
      %and3A = arith.andi %ne3A, %ne3A_65 : i1
      %sub3A = arith.constant 1 : i32
      %sub3A_66 = arith.subi %div3A, %sub3A : i32
      %select_n3A = arith.select %and3A, %sub3A_66, %div3A : i32
      %rem3A_67 = arith.constant 8 : i32
      %rem3A_68 = arith.remsi %scan3A_49, %rem3A_67 : i32
      %mul3A_69 = arith.constant 16 : i32
      %mul3A_70 = arith.muli %rem3A_68, %mul3A_69 : i32
      %broadcast_in_dim3A = arith.constant 0.000000e+00 : f32
      %broadcast_in_dim3A_71 = vector.broadcast %broadcast_in_dim3A : f32 to vector<16xf32>
      %swap3A = arith.index_cast %select_n3A : i32 to index
      %swap3A_72 = arith.index_cast %mul3A_70 : i32 to index
      %swap3A_73 = tpu.vector_load %arg8[%swap3A, %swap3A_72] {strides = array<i32>} : memref<128x128xf32, #tpu.memory_space<vmem>>, vector<1x16xf32>,
      %swap3A_74 = vector.shape_cast %swap3A_73 : vector<1x16xf32> to vector<16xf32>
      %swap3A_75 = vector.shape_cast %broadcast_in_dim3A_71 : vector<16xf32> to vector<1x16xf32>
      tpu.vector_store %arg8[%swap3A, %swap3A_72], %swap3A_75 {strides = array<i32>} : memref<128x128xf32, #tpu.memory_space<vmem>>, vector<1x16xf32>,
      %scan3A_76 = arith.constant 0 : i32
      scf.yield %scan3A_76 : i32
    }
    %scan3A_5 = arith.constant 1024 : i32
    %mul3A = arith.constant 640 : i32
    %mul3A_6 = arith.muli %arg1, %mul3A : i32
    %add3A = arith.constant 0 : i32
    %add3A_7 = arith.addi %mul3A_6, %add3A : i32
    "tpu.region"() ({
      %run_scoped3A = tpu.sem_alloc : memref<!tpu.dma_semaphore, #tpu.memory_space<semaphore_mem>>
      %dma_start3A = arith.constant 0 : i32
      %dma_start3A_49 = tpu.memref_slice %arg9[%add3A_7, %dma_start3A] : memref<10240x128xf32, #tpu.memory_space<vmem_shared>> -> memref<128x128xf32, #tpu.memory_space<vmem_shared>>
      %dma_start3A_50 = arith.constant 0 : i32
      %dma_start3A_51 = tpu.memref_slice %arg9[%add3A_7, %dma_start3A_50] : memref<10240x128xf32, #tpu.memory_space<vmem_shared>> -> memref<128x128xf32, #tpu.memory_space<vmem_shared>>
      tpu.enqueue_dma source(%arg8 : memref<128x128xf32, #tpu.memory_space<vmem>>) target(%dma_start3A_51 : memref<128x128xf32, #tpu.memory_space<vmem_shared>>) target_semaphore(%run_scoped3A : memref<!tpu.dma_semaphore, #tpu.memory_space<semaphore_mem>>)
      %dma_wait3A = arith.constant 0 : i32
      %dma_wait3A_52 = tpu.memref_slice %arg9[%add3A_7, %dma_wait3A] : memref<10240x128xf32, #tpu.memory_space<vmem_shared>> -> memref<128x128xf32, #tpu.memory_space<vmem_shared>>
      %dma_wait3A_53 = arith.constant 0 : i32
      %dma_wait3A_54 = tpu.memref_slice %arg9[%add3A_7, %dma_wait3A_53] : memref<10240x128xf32, #tpu.memory_space<vmem_shared>> -> memref<128x128xf32, #tpu.memory_space<vmem_shared>>
      tpu.wait_dma2 semaphore(%run_scoped3A : memref<!tpu.dma_semaphore, #tpu.memory_space<semaphore_mem>>) src(%arg8 : memref<128x128xf32, #tpu.memory_space<vmem>>) dst(%dma_wait3A_54 : memref<128x128xf32, #tpu.memory_space<vmem_shared>>)
      tpu.yield
    }) : () -> ()
    %add3A_8 = arith.constant 128 : i32
    %add3A_9 = arith.addi %mul3A_6, %add3A_8 : i32
    "tpu.region"() ({
      %run_scoped3A = tpu.sem_alloc : memref<!tpu.dma_semaphore, #tpu.memory_space<semaphore_mem>>
      %dma_start3A = arith.constant 0 : i32
      %dma_start3A_49 = tpu.memref_slice %arg9[%add3A_9, %dma_start3A] : memref<10240x128xf32, #tpu.memory_space<vmem_shared>> -> memref<128x128xf32, #tpu.memory_space<vmem_shared>>
      %dma_start3A_50 = arith.constant 0 : i32
      %dma_start3A_51 = tpu.memref_slice %arg9[%add3A_9, %dma_start3A_50] : memref<10240x128xf32, #tpu.memory_space<vmem_shared>> -> memref<128x128xf32, #tpu.memory_space<vmem_shared>>
      tpu.enqueue_dma source(%arg8 : memref<128x128xf32, #tpu.memory_space<vmem>>) target(%dma_start3A_51 : memref<128x128xf32, #tpu.memory_space<vmem_shared>>) target_semaphore(%run_scoped3A : memref<!tpu.dma_semaphore, #tpu.memory_space<semaphore_mem>>)
      %dma_wait3A = arith.constant 0 : i32
      %dma_wait3A_52 = tpu.memref_slice %arg9[%add3A_9, %dma_wait3A] : memref<10240x128xf32, #tpu.memory_space<vmem_shared>> -> memref<128x128xf32, #tpu.memory_space<vmem_shared>>
      %dma_wait3A_53 = arith.constant 0 : i32
      %dma_wait3A_54 = tpu.memref_slice %arg9[%add3A_9, %dma_wait3A_53] : memref<10240x128xf32, #tpu.memory_space<vmem_shared>> -> memref<128x128xf32, #tpu.memory_space<vmem_shared>>
      tpu.wait_dma2 semaphore(%run_scoped3A : memref<!tpu.dma_semaphore, #tpu.memory_space<semaphore_mem>>) src(%arg8 : memref<128x128xf32, #tpu.memory_space<vmem>>) dst(%dma_wait3A_54 : memref<128x128xf32, #tpu.memory_space<vmem_shared>>)
      tpu.yield
    }) : () -> ()
    %add3A_10 = arith.constant 256 : i32
    %add3A_11 = arith.addi %mul3A_6, %add3A_10 : i32
    "tpu.region"() ({
      %run_scoped3A = tpu.sem_alloc : memref<!tpu.dma_semaphore, #tpu.memory_space<semaphore_mem>>
      %dma_start3A = arith.constant 0 : i32
      %dma_start3A_49 = tpu.memref_slice %arg9[%add3A_11, %dma_start3A] : memref<10240x128xf32, #tpu.memory_space<vmem_shared>> -> memref<128x128xf32, #tpu.memory_space<vmem_shared>>
      %dma_start3A_50 = arith.constant 0 : i32
      %dma_start3A_51 = tpu.memref_slice %arg9[%add3A_11, %dma_start3A_50] : memref<10240x128xf32, #tpu.memory_space<vmem_shared>> -> memref<128x128xf32, #tpu.memory_space<vmem_shared>>
      tpu.enqueue_dma source(%arg8 : memref<128x128xf32, #tpu.memory_space<vmem>>) target(%dma_start3A_51 : memref<128x128xf32, #tpu.memory_space<vmem_shared>>) target_semaphore(%run_scoped3A : memref<!tpu.dma_semaphore, #tpu.memory_space<semaphore_mem>>)
      %dma_wait3A = arith.constant 0 : i32
      %dma_wait3A_52 = tpu.memref_slice %arg9[%add3A_11, %dma_wait3A] : memref<10240x128xf32, #tpu.memory_space<vmem_shared>> -> memref<128x128xf32, #tpu.memory_space<vmem_shared>>
      %dma_wait3A_53 = arith.constant 0 : i32
      %dma_wait3A_54 = tpu.memref_slice %arg9[%add3A_11, %dma_wait3A_53] : memref<10240x128xf32, #tpu.memory_space<vmem_shared>> -> memref<128x128xf32, #tpu.memory_space<vmem_shared>>
      tpu.wait_dma2 semaphore(%run_scoped3A : memref<!tpu.dma_semaphore, #tpu.memory_space<semaphore_mem>>) src(%arg8 : memref<128x128xf32, #tpu.memory_space<vmem>>) dst(%dma_wait3A_54 : memref<128x128xf32, #tpu.memory_space<vmem_shared>>)
      tpu.yield
    }) : () -> ()
    %add3A_12 = arith.constant 384 : i32
    %add3A_13 = arith.addi %mul3A_6, %add3A_12 : i32
    "tpu.region"() ({
      %run_scoped3A = tpu.sem_alloc : memref<!tpu.dma_semaphore, #tpu.memory_space<semaphore_mem>>
      %dma_start3A = arith.constant 0 : i32
      %dma_start3A_49 = tpu.memref_slice %arg9[%add3A_13, %dma_start3A] : memref<10240x128xf32, #tpu.memory_space<vmem_shared>> -> memref<128x128xf32, #tpu.memory_space<vmem_shared>>
      %dma_start3A_50 = arith.constant 0 : i32
      %dma_start3A_51 = tpu.memref_slice %arg9[%add3A_13, %dma_start3A_50] : memref<10240x128xf32, #tpu.memory_space<vmem_shared>> -> memref<128x128xf32, #tpu.memory_space<vmem_shared>>
      tpu.enqueue_dma source(%arg8 : memref<128x128xf32, #tpu.memory_space<vmem>>) target(%dma_start3A_51 : memref<128x128xf32, #tpu.memory_space<vmem_shared>>) target_semaphore(%run_scoped3A : memref<!tpu.dma_semaphore, #tpu.memory_space<semaphore_mem>>)
      %dma_wait3A = arith.constant 0 : i32
      %dma_wait3A_52 = tpu.memref_slice %arg9[%add3A_13, %dma_wait3A] : memref<10240x128xf32, #tpu.memory_space<vmem_shared>> -> memref<128x128xf32, #tpu.memory_space<vmem_shared>>
      %dma_wait3A_53 = arith.constant 0 : i32
      %dma_wait3A_54 = tpu.memref_slice %arg9[%add3A_13, %dma_wait3A_53] : memref<10240x128xf32, #tpu.memory_space<vmem_shared>> -> memref<128x128xf32, #tpu.memory_space<vmem_shared>>
      tpu.wait_dma2 semaphore(%run_scoped3A : memref<!tpu.dma_semaphore, #tpu.memory_space<semaphore_mem>>) src(%arg8 : memref<128x128xf32, #tpu.memory_space<vmem>>) dst(%dma_wait3A_54 : memref<128x128xf32, #tpu.memory_space<vmem_shared>>)
      tpu.yield
    }) : () -> ()
    %add3A_14 = arith.constant 512 : i32
    %add3A_15 = arith.addi %mul3A_6, %add3A_14 : i32
    "tpu.region"() ({
      %run_scoped3A = tpu.sem_alloc : memref<!tpu.dma_semaphore, #tpu.memory_space<semaphore_mem>>
      %dma_start3A = arith.constant 0 : i32
      %dma_start3A_49 = tpu.memref_slice %arg9[%add3A_15, %dma_start3A] : memref<10240x128xf32, #tpu.memory_space<vmem_shared>> -> memref<128x128xf32, #tpu.memory_space<vmem_shared>>
      %dma_start3A_50 = arith.constant 0 : i32
      %dma_start3A_51 = tpu.memref_slice %arg9[%add3A_15, %dma_start3A_50] : memref<10240x128xf32, #tpu.memory_space<vmem_shared>> -> memref<128x128xf32, #tpu.memory_space<vmem_shared>>
      tpu.enqueue_dma source(%arg8 : memref<128x128xf32, #tpu.memory_space<vmem>>) target(%dma_start3A_51 : memref<128x128xf32, #tpu.memory_space<vmem_shared>>) target_semaphore(%run_scoped3A : memref<!tpu.dma_semaphore, #tpu.memory_space<semaphore_mem>>)
      %dma_wait3A = arith.constant 0 : i32
      %dma_wait3A_52 = tpu.memref_slice %arg9[%add3A_15, %dma_wait3A] : memref<10240x128xf32, #tpu.memory_space<vmem_shared>> -> memref<128x128xf32, #tpu.memory_space<vmem_shared>>
      %dma_wait3A_53 = arith.constant 0 : i32
      %dma_wait3A_54 = tpu.memref_slice %arg9[%add3A_15, %dma_wait3A_53] : memref<10240x128xf32, #tpu.memory_space<vmem_shared>> -> memref<128x128xf32, #tpu.memory_space<vmem_shared>>
      tpu.wait_dma2 semaphore(%run_scoped3A : memref<!tpu.dma_semaphore, #tpu.memory_space<semaphore_mem>>) src(%arg8 : memref<128x128xf32, #tpu.memory_space<vmem>>) dst(%dma_wait3A_54 : memref<128x128xf32, #tpu.memory_space<vmem_shared>>)
      tpu.yield
    }) : () -> ()
    %barrier3A = arith.constant 0 : index
    tpu.barrier barrier_id(%barrier3A)
    %mul3A_16 = arith.constant 2 : i32
    %mul3A_17 = arith.muli %arg1, %mul3A_16 : i32
    %add3A_18 = arith.addi %mul3A_17, %arg0 : i32
    "tpu.region"() ({
      %run_scoped3A = tpu.sem_alloc : memref<!tpu.dma_semaphore, #tpu.memory_space<semaphore_mem>>
      %dma_start3A = arith.constant 0 : i32
      %dma_start3A_49 = arith.constant 0 : i32
      %dma_start3A_50 = tpu.memref_slice %arg3[%add3A_18, %dma_start3A, %dma_start3A_49] : memref<32x79x128xi32, #tpu.memory_space<hbm>> -> memref<1x79x128xi32, #tpu.memory_space<hbm>>
      %dma_start3A_51 = tpu.memref_squeeze %dma_start3A_50 : memref<1x79x128xi32, #tpu.memory_space<hbm>> -> memref<79x128xi32, #tpu.memory_space<hbm>>
      %dma_start3A_52 = arith.constant 0 : i32
      %dma_start3A_53 = arith.constant 0 : i32
      %dma_start3A_54 = tpu.memref_slice %arg3[%add3A_18, %dma_start3A_52, %dma_start3A_53] : memref<32x79x128xi32, #tpu.memory_space<hbm>> -> memref<1x79x128xi32, #tpu.memory_space<hbm>>
      %dma_start3A_55 = tpu.memref_squeeze %dma_start3A_54 : memref<1x79x128xi32, #tpu.memory_space<hbm>> -> memref<79x128xi32, #tpu.memory_space<hbm>>
      tpu.enqueue_dma source(%dma_start3A_55 : memref<79x128xi32, #tpu.memory_space<hbm>>) target(%arg6 : memref<79x128xi32, #tpu.memory_space<vmem>>) target_semaphore(%run_scoped3A : memref<!tpu.dma_semaphore, #tpu.memory_space<semaphore_mem>>)
      %dma_wait3A = arith.constant 0 : i32
      %dma_wait3A_56 = arith.constant 0 : i32
      %dma_wait3A_57 = tpu.memref_slice %arg3[%add3A_18, %dma_wait3A, %dma_wait3A_56] : memref<32x79x128xi32, #tpu.memory_space<hbm>> -> memref<1x79x128xi32, #tpu.memory_space<hbm>>
      %dma_wait3A_58 = tpu.memref_squeeze %dma_wait3A_57 : memref<1x79x128xi32, #tpu.memory_space<hbm>> -> memref<79x128xi32, #tpu.memory_space<hbm>>
      %dma_wait3A_59 = arith.constant 0 : i32
      %dma_wait3A_60 = arith.constant 0 : i32
      %dma_wait3A_61 = tpu.memref_slice %arg3[%add3A_18, %dma_wait3A_59, %dma_wait3A_60] : memref<32x79x128xi32, #tpu.memory_space<hbm>> -> memref<1x79x128xi32, #tpu.memory_space<hbm>>
      %dma_wait3A_62 = tpu.memref_squeeze %dma_wait3A_61 : memref<1x79x128xi32, #tpu.memory_space<hbm>> -> memref<79x128xi32, #tpu.memory_space<hbm>>
      tpu.wait_dma2 semaphore(%run_scoped3A : memref<!tpu.dma_semaphore, #tpu.memory_space<semaphore_mem>>) src(%dma_wait3A_62 : memref<79x128xi32, #tpu.memory_space<hbm>>) dst(%arg6 : memref<79x128xi32, #tpu.memory_space<vmem>>)
      tpu.yield
    }) : () -> ()
    "tpu.region"() ({
      %run_scoped3A = tpu.sem_alloc : memref<!tpu.dma_semaphore, #tpu.memory_space<semaphore_mem>>
      %dma_start3A = arith.constant 0 : i32
      %dma_start3A_49 = arith.constant 0 : i32
      %dma_start3A_50 = tpu.memref_slice %arg4[%add3A_18, %dma_start3A, %dma_start3A_49] : memref<32x79x128xi32, #tpu.memory_space<hbm>> -> memref<1x79x128xi32, #tpu.memory_space<hbm>>
      %dma_start3A_51 = tpu.memref_squeeze %dma_start3A_50 : memref<1x79x128xi32, #tpu.memory_space<hbm>> -> memref<79x128xi32, #tpu.memory_space<hbm>>
      %dma_start3A_52 = arith.constant 0 : i32
      %dma_start3A_53 = arith.constant 0 : i32
      %dma_start3A_54 = tpu.memref_slice %arg4[%add3A_18, %dma_start3A_52, %dma_start3A_53] : memref<32x79x128xi32, #tpu.memory_space<hbm>> -> memref<1x79x128xi32, #tpu.memory_space<hbm>>
      %dma_start3A_55 = tpu.memref_squeeze %dma_start3A_54 : memref<1x79x128xi32, #tpu.memory_space<hbm>> -> memref<79x128xi32, #tpu.memory_space<hbm>>
      tpu.enqueue_dma source(%dma_start3A_55 : memref<79x128xi32, #tpu.memory_space<hbm>>) target(%arg7 : memref<79x128xi32, #tpu.memory_space<vmem>>) target_semaphore(%run_scoped3A : memref<!tpu.dma_semaphore, #tpu.memory_space<semaphore_mem>>)
      %dma_wait3A = arith.constant 0 : i32
      %dma_wait3A_56 = arith.constant 0 : i32
      %dma_wait3A_57 = tpu.memref_slice %arg4[%add3A_18, %dma_wait3A, %dma_wait3A_56] : memref<32x79x128xi32, #tpu.memory_space<hbm>> -> memref<1x79x128xi32, #tpu.memory_space<hbm>>
      %dma_wait3A_58 = tpu.memref_squeeze %dma_wait3A_57 : memref<1x79x128xi32, #tpu.memory_space<hbm>> -> memref<79x128xi32, #tpu.memory_space<hbm>>
      %dma_wait3A_59 = arith.constant 0 : i32
      %dma_wait3A_60 = arith.constant 0 : i32
      %dma_wait3A_61 = tpu.memref_slice %arg4[%add3A_18, %dma_wait3A_59, %dma_wait3A_60] : memref<32x79x128xi32, #tpu.memory_space<hbm>> -> memref<1x79x128xi32, #tpu.memory_space<hbm>>
      %dma_wait3A_62 = tpu.memref_squeeze %dma_wait3A_61 : memref<1x79x128xi32, #tpu.memory_space<hbm>> -> memref<79x128xi32, #tpu.memory_space<hbm>>
      tpu.wait_dma2 semaphore(%run_scoped3A : memref<!tpu.dma_semaphore, #tpu.memory_space<semaphore_mem>>) src(%dma_wait3A_62 : memref<79x128xi32, #tpu.memory_space<hbm>>) dst(%arg7 : memref<79x128xi32, #tpu.memory_space<vmem>>)
      tpu.yield
    }) : () -> ()
    %scan3A_19 = arith.constant 0 : i32
    %scan3A_20 = arith.constant 0 : i32
    %scan3A_21 = arith.constant 79 : i32
    %scan3A_22 = arith.addi %scan3A_20, %scan3A_21 : i32
    %scan3A_23 = arith.constant 1 : i32
    %scan3A_24 = scf.for %scan3A_49 = %scan3A_20 to %scan3A_22 step %scan3A_23 iter_args(%scan3A_50 = %scan3A_19) -> (i32)  : i32 {
      %dma_start3A = arith.constant 0 : i32
      %dma_start3A_51 = tpu.memref_slice %arg6[%scan3A_49, %dma_start3A] : memref<79x128xi32, #tpu.memory_space<vmem>> -> memref<1x128xi32, #tpu.memory_space<vmem>>
      %dma_start3A_52 = tpu.memref_squeeze %dma_start3A_51 : memref<1x128xi32, #tpu.memory_space<vmem>> -> memref<128xi32, #tpu.memory_space<vmem>>
      %dma_start3A_53 = arith.constant 0 : i32
      %dma_start3A_54 = arith.constant 0 : i32
      %dma_start3A_55 = tpu.memref_slice %arg2[%dma_start3A_53, %dma_start3A_54] : memref<10000x128xf32, #tpu.memory_space<hbm>> -> memref<10000x128xf32, #tpu.memory_space<hbm>>
      tpu.enqueue_indirect_dma source(%dma_start3A_55 : memref<10000x128xf32, #tpu.memory_space<hbm>>) target(%arg8 : memref<128x128xf32, #tpu.memory_space<vmem>>) offsets(%dma_start3A_52 : memref<128xi32, #tpu.memory_space<vmem>>) semaphore(%arg10 : memref<!tpu.dma_semaphore, #tpu.memory_space<semaphore_mem>>)
      %dma_wait3A = arith.constant 0 : i32
      %dma_wait3A_56 = tpu.memref_slice %arg6[%scan3A_49, %dma_wait3A] : memref<79x128xi32, #tpu.memory_space<vmem>> -> memref<1x128xi32, #tpu.memory_space<vmem>>
      %dma_wait3A_57 = tpu.memref_squeeze %dma_wait3A_56 : memref<1x128xi32, #tpu.memory_space<vmem>> -> memref<128xi32, #tpu.memory_space<vmem>>
      %dma_wait3A_58 = arith.constant 0 : i32
      %dma_wait3A_59 = arith.constant 0 : i32
      %dma_wait3A_60 = tpu.memref_slice %arg2[%dma_wait3A_58, %dma_wait3A_59] : memref<10000x128xf32, #tpu.memory_space<hbm>> -> memref<10000x128xf32, #tpu.memory_space<hbm>>
      tpu.wait_indirect_dma semaphore(%arg10 : memref<!tpu.dma_semaphore, #tpu.memory_space<semaphore_mem>>) src(%dma_wait3A_60 : memref<10000x128xf32, #tpu.memory_space<hbm>>) dst(%arg8 : memref<128x128xf32, #tpu.memory_space<vmem>>)
      "tpu.region"() ({
        %run_scoped3A = tpu.sem_alloc : memref<!tpu.dma_semaphore, #tpu.memory_space<semaphore_mem>>
        %dma_start3A_62 = arith.constant 0 : i32
        %dma_start3A_63 = tpu.memref_slice %arg7[%scan3A_49, %dma_start3A_62] : memref<79x128xi32, #tpu.memory_space<vmem>> -> memref<1x128xi32, #tpu.memory_space<vmem>>
        %dma_start3A_64 = tpu.memref_squeeze %dma_start3A_63 : memref<1x128xi32, #tpu.memory_space<vmem>> -> memref<128xi32, #tpu.memory_space<vmem>>
        %dma_start3A_65 = arith.constant 0 : i32
        %dma_start3A_66 = arith.constant 0 : i32
        %dma_start3A_67 = tpu.memref_slice %arg9[%dma_start3A_65, %dma_start3A_66] : memref<10240x128xf32, #tpu.memory_space<vmem_shared>> -> memref<10240x128xf32, #tpu.memory_space<vmem_shared>>
        tpu.enqueue_indirect_dma source(%arg8 : memref<128x128xf32, #tpu.memory_space<vmem>>) target(%dma_start3A_67 : memref<10240x128xf32, #tpu.memory_space<vmem_shared>>) offsets(%dma_start3A_64 : memref<128xi32, #tpu.memory_space<vmem>>) semaphore(%run_scoped3A : memref<!tpu.dma_semaphore, #tpu.memory_space<semaphore_mem>>) {add = true}
        %dma_wait3A_68 = arith.constant 0 : i32
        %dma_wait3A_69 = tpu.memref_slice %arg7[%scan3A_49, %dma_wait3A_68] : memref<79x128xi32, #tpu.memory_space<vmem>> -> memref<1x128xi32, #tpu.memory_space<vmem>>
        %dma_wait3A_70 = tpu.memref_squeeze %dma_wait3A_69 : memref<1x128xi32, #tpu.memory_space<vmem>> -> memref<128xi32, #tpu.memory_space<vmem>>
        %dma_wait3A_71 = arith.constant 0 : i32
        %dma_wait3A_72 = arith.constant 0 : i32
        %dma_wait3A_73 = tpu.memref_slice %arg9[%dma_wait3A_71, %dma_wait3A_72] : memref<10240x128xf32, #tpu.memory_space<vmem_shared>> -> memref<10240x128xf32, #tpu.memory_space<vmem_shared>>
        tpu.wait_indirect_dma semaphore(%run_scoped3A : memref<!tpu.dma_semaphore, #tpu.memory_space<semaphore_mem>>) src(%arg8 : memref<128x128xf32, #tpu.memory_space<vmem>>) dst(%dma_wait3A_73 : memref<10240x128xf32, #tpu.memory_space<vmem_shared>>)
        tpu.yield
      }) : () -> ()
      %scan3A_61 = arith.constant 0 : i32
      scf.yield %scan3A_61 : i32
    }
    %scan3A_25 = arith.constant 79 : i32
    %barrier3A_26 = arith.constant 0 : index
    tpu.barrier barrier_id(%barrier3A_26)
    %mul3A_27 = arith.constant 640 : i32
    %mul3A_28 = arith.muli %arg1, %mul3A_27 : i32
    %add3A_29 = arith.constant 0 : i32
    %add3A_30 = arith.addi %mul3A_28, %add3A_29 : i32
    "tpu.region"() ({
      %run_scoped3A = tpu.sem_alloc : memref<!tpu.dma_semaphore, #tpu.memory_space<semaphore_mem>>
      %dma_start3A = arith.constant 0 : i32
      %dma_start3A_49 = tpu.memref_slice %arg9[%add3A_30, %dma_start3A] : memref<10240x128xf32, #tpu.memory_space<vmem_shared>> -> memref<128x128xf32, #tpu.memory_space<vmem_shared>>
      %dma_start3A_50 = arith.constant 0 : i32
      %dma_start3A_51 = tpu.memref_slice %arg9[%add3A_30, %dma_start3A_50] : memref<10240x128xf32, #tpu.memory_space<vmem_shared>> -> memref<128x128xf32, #tpu.memory_space<vmem_shared>>
      tpu.enqueue_dma source(%dma_start3A_51 : memref<128x128xf32, #tpu.memory_space<vmem_shared>>) target(%arg8 : memref<128x128xf32, #tpu.memory_space<vmem>>) target_semaphore(%run_scoped3A : memref<!tpu.dma_semaphore, #tpu.memory_space<semaphore_mem>>)
      %dma_wait3A = arith.constant 0 : i32
      %dma_wait3A_52 = tpu.memref_slice %arg9[%add3A_30, %dma_wait3A] : memref<10240x128xf32, #tpu.memory_space<vmem_shared>> -> memref<128x128xf32, #tpu.memory_space<vmem_shared>>
      %dma_wait3A_53 = arith.constant 0 : i32
      %dma_wait3A_54 = tpu.memref_slice %arg9[%add3A_30, %dma_wait3A_53] : memref<10240x128xf32, #tpu.memory_space<vmem_shared>> -> memref<128x128xf32, #tpu.memory_space<vmem_shared>>
      tpu.wait_dma2 semaphore(%run_scoped3A : memref<!tpu.dma_semaphore, #tpu.memory_space<semaphore_mem>>) src(%dma_wait3A_54 : memref<128x128xf32, #tpu.memory_space<vmem_shared>>) dst(%arg8 : memref<128x128xf32, #tpu.memory_space<vmem>>)
      tpu.yield
    }) : () -> ()
    %add3A_31 = arith.constant 0 : i32
    %add3A_32 = arith.addi %mul3A_28, %add3A_31 : i32
    "tpu.region"() ({
      %run_scoped3A = tpu.sem_alloc : memref<!tpu.dma_semaphore, #tpu.memory_space<semaphore_mem>>
      %dma_start3A = arith.constant 0 : i32
      %dma_start3A_49 = tpu.memref_slice %arg5[%arg0, %add3A_32, %dma_start3A] : memref<2x10240x128xf32, #tpu.memory_space<hbm>> -> memref<1x128x128xf32, #tpu.memory_space<hbm>>
      %dma_start3A_50 = tpu.memref_squeeze %dma_start3A_49 : memref<1x128x128xf32, #tpu.memory_space<hbm>> -> memref<128x128xf32, #tpu.memory_space<hbm>>
      %dma_start3A_51 = arith.constant 0 : i32
      %dma_start3A_52 = tpu.memref_slice %arg5[%arg0, %add3A_32, %dma_start3A_51] : memref<2x10240x128xf32, #tpu.memory_space<hbm>> -> memref<1x128x128xf32, #tpu.memory_space<hbm>>
      %dma_start3A_53 = tpu.memref_squeeze %dma_start3A_52 : memref<1x128x128xf32, #tpu.memory_space<hbm>> -> memref<128x128xf32, #tpu.memory_space<hbm>>
      tpu.enqueue_dma source(%arg8 : memref<128x128xf32, #tpu.memory_space<vmem>>) target(%dma_start3A_53 : memref<128x128xf32, #tpu.memory_space<hbm>>) target_semaphore(%run_scoped3A : memref<!tpu.dma_semaphore, #tpu.memory_space<semaphore_mem>>)
      %dma_wait3A = arith.constant 0 : i32
      %dma_wait3A_54 = tpu.memref_slice %arg5[%arg0, %add3A_32, %dma_wait3A] : memref<2x10240x128xf32, #tpu.memory_space<hbm>> -> memref<1x128x128xf32, #tpu.memory_space<hbm>>
      %dma_wait3A_55 = tpu.memref_squeeze %dma_wait3A_54 : memref<1x128x128xf32, #tpu.memory_space<hbm>> -> memref<128x128xf32, #tpu.memory_space<hbm>>
      %dma_wait3A_56 = arith.constant 0 : i32
      %dma_wait3A_57 = tpu.memref_slice %arg5[%arg0, %add3A_32, %dma_wait3A_56] : memref<2x10240x128xf32, #tpu.memory_space<hbm>> -> memref<1x128x128xf32, #tpu.memory_space<hbm>>
      %dma_wait3A_58 = tpu.memref_squeeze %dma_wait3A_57 : memref<1x128x128xf32, #tpu.memory_space<hbm>> -> memref<128x128xf32, #tpu.memory_space<hbm>>
      tpu.wait_dma2 semaphore(%run_scoped3A : memref<!tpu.dma_semaphore, #tpu.memory_space<semaphore_mem>>) src(%arg8 : memref<128x128xf32, #tpu.memory_space<vmem>>) dst(%dma_wait3A_58 : memref<128x128xf32, #tpu.memory_space<hbm>>)
      tpu.yield
    }) : () -> ()
    %add3A_33 = arith.constant 128 : i32
    %add3A_34 = arith.addi %mul3A_28, %add3A_33 : i32
    "tpu.region"() ({
      %run_scoped3A = tpu.sem_alloc : memref<!tpu.dma_semaphore, #tpu.memory_space<semaphore_mem>>
      %dma_start3A = arith.constant 0 : i32
      %dma_start3A_49 = tpu.memref_slice %arg9[%add3A_34, %dma_start3A] : memref<10240x128xf32, #tpu.memory_space<vmem_shared>> -> memref<128x128xf32, #tpu.memory_space<vmem_shared>>
      %dma_start3A_50 = arith.constant 0 : i32
      %dma_start3A_51 = tpu.memref_slice %arg9[%add3A_34, %dma_start3A_50] : memref<10240x128xf32, #tpu.memory_space<vmem_shared>> -> memref<128x128xf32, #tpu.memory_space<vmem_shared>>
      tpu.enqueue_dma source(%dma_start3A_51 : memref<128x128xf32, #tpu.memory_space<vmem_shared>>) target(%arg8 : memref<128x128xf32, #tpu.memory_space<vmem>>) target_semaphore(%run_scoped3A : memref<!tpu.dma_semaphore, #tpu.memory_space<semaphore_mem>>)
      %dma_wait3A = arith.constant 0 : i32
      %dma_wait3A_52 = tpu.memref_slice %arg9[%add3A_34, %dma_wait3A] : memref<10240x128xf32, #tpu.memory_space<vmem_shared>> -> memref<128x128xf32, #tpu.memory_space<vmem_shared>>
      %dma_wait3A_53 = arith.constant 0 : i32
      %dma_wait3A_54 = tpu.memref_slice %arg9[%add3A_34, %dma_wait3A_53] : memref<10240x128xf32, #tpu.memory_space<vmem_shared>> -> memref<128x128xf32, #tpu.memory_space<vmem_shared>>
      tpu.wait_dma2 semaphore(%run_scoped3A : memref<!tpu.dma_semaphore, #tpu.memory_space<semaphore_mem>>) src(%dma_wait3A_54 : memref<128x128xf32, #tpu.memory_space<vmem_shared>>) dst(%arg8 : memref<128x128xf32, #tpu.memory_space<vmem>>)
      tpu.yield
    }) : () -> ()
    %add3A_35 = arith.constant 128 : i32
    %add3A_36 = arith.addi %mul3A_28, %add3A_35 : i32
    "tpu.region"() ({
      %run_scoped3A = tpu.sem_alloc : memref<!tpu.dma_semaphore, #tpu.memory_space<semaphore_mem>>
      %dma_start3A = arith.constant 0 : i32
      %dma_start3A_49 = tpu.memref_slice %arg5[%arg0, %add3A_36, %dma_start3A] : memref<2x10240x128xf32, #tpu.memory_space<hbm>> -> memref<1x128x128xf32, #tpu.memory_space<hbm>>
      %dma_start3A_50 = tpu.memref_squeeze %dma_start3A_49 : memref<1x128x128xf32, #tpu.memory_space<hbm>> -> memref<128x128xf32, #tpu.memory_space<hbm>>
      %dma_start3A_51 = arith.constant 0 : i32
      %dma_start3A_52 = tpu.memref_slice %arg5[%arg0, %add3A_36, %dma_start3A_51] : memref<2x10240x128xf32, #tpu.memory_space<hbm>> -> memref<1x128x128xf32, #tpu.memory_space<hbm>>
      %dma_start3A_53 = tpu.memref_squeeze %dma_start3A_52 : memref<1x128x128xf32, #tpu.memory_space<hbm>> -> memref<128x128xf32, #tpu.memory_space<hbm>>
      tpu.enqueue_dma source(%arg8 : memref<128x128xf32, #tpu.memory_space<vmem>>) target(%dma_start3A_53 : memref<128x128xf32, #tpu.memory_space<hbm>>) target_semaphore(%run_scoped3A : memref<!tpu.dma_semaphore, #tpu.memory_space<semaphore_mem>>)
      %dma_wait3A = arith.constant 0 : i32
      %dma_wait3A_54 = tpu.memref_slice %arg5[%arg0, %add3A_36, %dma_wait3A] : memref<2x10240x128xf32, #tpu.memory_space<hbm>> -> memref<1x128x128xf32, #tpu.memory_space<hbm>>
      %dma_wait3A_55 = tpu.memref_squeeze %dma_wait3A_54 : memref<1x128x128xf32, #tpu.memory_space<hbm>> -> memref<128x128xf32, #tpu.memory_space<hbm>>
      %dma_wait3A_56 = arith.constant 0 : i32
      %dma_wait3A_57 = tpu.memref_slice %arg5[%arg0, %add3A_36, %dma_wait3A_56] : memref<2x10240x128xf32, #tpu.memory_space<hbm>> -> memref<1x128x128xf32, #tpu.memory_space<hbm>>
      %dma_wait3A_58 = tpu.memref_squeeze %dma_wait3A_57 : memref<1x128x128xf32, #tpu.memory_space<hbm>> -> memref<128x128xf32, #tpu.memory_space<hbm>>
      tpu.wait_dma2 semaphore(%run_scoped3A : memref<!tpu.dma_semaphore, #tpu.memory_space<semaphore_mem>>) src(%arg8 : memref<128x128xf32, #tpu.memory_space<vmem>>) dst(%dma_wait3A_58 : memref<128x128xf32, #tpu.memory_space<hbm>>)
      tpu.yield
    }) : () -> ()
    %add3A_37 = arith.constant 256 : i32
    %add3A_38 = arith.addi %mul3A_28, %add3A_37 : i32
    "tpu.region"() ({
      %run_scoped3A = tpu.sem_alloc : memref<!tpu.dma_semaphore, #tpu.memory_space<semaphore_mem>>
      %dma_start3A = arith.constant 0 : i32
      %dma_start3A_49 = tpu.memref_slice %arg9[%add3A_38, %dma_start3A] : memref<10240x128xf32, #tpu.memory_space<vmem_shared>> -> memref<128x128xf32, #tpu.memory_space<vmem_shared>>
      %dma_start3A_50 = arith.constant 0 : i32
      %dma_start3A_51 = tpu.memref_slice %arg9[%add3A_38, %dma_start3A_50] : memref<10240x128xf32, #tpu.memory_space<vmem_shared>> -> memref<128x128xf32, #tpu.memory_space<vmem_shared>>
      tpu.enqueue_dma source(%dma_start3A_51 : memref<128x128xf32, #tpu.memory_space<vmem_shared>>) target(%arg8 : memref<128x128xf32, #tpu.memory_space<vmem>>) target_semaphore(%run_scoped3A : memref<!tpu.dma_semaphore, #tpu.memory_space<semaphore_mem>>)
      %dma_wait3A = arith.constant 0 : i32
      %dma_wait3A_52 = tpu.memref_slice %arg9[%add3A_38, %dma_wait3A] : memref<10240x128xf32, #tpu.memory_space<vmem_shared>> -> memref<128x128xf32, #tpu.memory_space<vmem_shared>>
      %dma_wait3A_53 = arith.constant 0 : i32
      %dma_wait3A_54 = tpu.memref_slice %arg9[%add3A_38, %dma_wait3A_53] : memref<10240x128xf32, #tpu.memory_space<vmem_shared>> -> memref<128x128xf32, #tpu.memory_space<vmem_shared>>
      tpu.wait_dma2 semaphore(%run_scoped3A : memref<!tpu.dma_semaphore, #tpu.memory_space<semaphore_mem>>) src(%dma_wait3A_54 : memref<128x128xf32, #tpu.memory_space<vmem_shared>>) dst(%arg8 : memref<128x128xf32, #tpu.memory_space<vmem>>)
      tpu.yield
    }) : () -> ()
    %add3A_39 = arith.constant 256 : i32
    %add3A_40 = arith.addi %mul3A_28, %add3A_39 : i32
    "tpu.region"() ({
      %run_scoped3A = tpu.sem_alloc : memref<!tpu.dma_semaphore, #tpu.memory_space<semaphore_mem>>
      %dma_start3A = arith.constant 0 : i32
      %dma_start3A_49 = tpu.memref_slice %arg5[%arg0, %add3A_40, %dma_start3A] : memref<2x10240x128xf32, #tpu.memory_space<hbm>> -> memref<1x128x128xf32, #tpu.memory_space<hbm>>
      %dma_start3A_50 = tpu.memref_squeeze %dma_start3A_49 : memref<1x128x128xf32, #tpu.memory_space<hbm>> -> memref<128x128xf32, #tpu.memory_space<hbm>>
      %dma_start3A_51 = arith.constant 0 : i32
      %dma_start3A_52 = tpu.memref_slice %arg5[%arg0, %add3A_40, %dma_start3A_51] : memref<2x10240x128xf32, #tpu.memory_space<hbm>> -> memref<1x128x128xf32, #tpu.memory_space<hbm>>
      %dma_start3A_53 = tpu.memref_squeeze %dma_start3A_52 : memref<1x128x128xf32, #tpu.memory_space<hbm>> -> memref<128x128xf32, #tpu.memory_space<hbm>>
      tpu.enqueue_dma source(%arg8 : memref<128x128xf32, #tpu.memory_space<vmem>>) target(%dma_start3A_53 : memref<128x128xf32, #tpu.memory_space<hbm>>) target_semaphore(%run_scoped3A : memref<!tpu.dma_semaphore, #tpu.memory_space<semaphore_mem>>)
      %dma_wait3A = arith.constant 0 : i32
      %dma_wait3A_54 = tpu.memref_slice %arg5[%arg0, %add3A_40, %dma_wait3A] : memref<2x10240x128xf32, #tpu.memory_space<hbm>> -> memref<1x128x128xf32, #tpu.memory_space<hbm>>
      %dma_wait3A_55 = tpu.memref_squeeze %dma_wait3A_54 : memref<1x128x128xf32, #tpu.memory_space<hbm>> -> memref<128x128xf32, #tpu.memory_space<hbm>>
      %dma_wait3A_56 = arith.constant 0 : i32
      %dma_wait3A_57 = tpu.memref_slice %arg5[%arg0, %add3A_40, %dma_wait3A_56] : memref<2x10240x128xf32, #tpu.memory_space<hbm>> -> memref<1x128x128xf32, #tpu.memory_space<hbm>>
      %dma_wait3A_58 = tpu.memref_squeeze %dma_wait3A_57 : memref<1x128x128xf32, #tpu.memory_space<hbm>> -> memref<128x128xf32, #tpu.memory_space<hbm>>
      tpu.wait_dma2 semaphore(%run_scoped3A : memref<!tpu.dma_semaphore, #tpu.memory_space<semaphore_mem>>) src(%arg8 : memref<128x128xf32, #tpu.memory_space<vmem>>) dst(%dma_wait3A_58 : memref<128x128xf32, #tpu.memory_space<hbm>>)
      tpu.yield
    }) : () -> ()
    %add3A_41 = arith.constant 384 : i32
    %add3A_42 = arith.addi %mul3A_28, %add3A_41 : i32
    "tpu.region"() ({
      %run_scoped3A = tpu.sem_alloc : memref<!tpu.dma_semaphore, #tpu.memory_space<semaphore_mem>>
      %dma_start3A = arith.constant 0 : i32
      %dma_start3A_49 = tpu.memref_slice %arg9[%add3A_42, %dma_start3A] : memref<10240x128xf32, #tpu.memory_space<vmem_shared>> -> memref<128x128xf32, #tpu.memory_space<vmem_shared>>
      %dma_start3A_50 = arith.constant 0 : i32
      %dma_start3A_51 = tpu.memref_slice %arg9[%add3A_42, %dma_start3A_50] : memref<10240x128xf32, #tpu.memory_space<vmem_shared>> -> memref<128x128xf32, #tpu.memory_space<vmem_shared>>
      tpu.enqueue_dma source(%dma_start3A_51 : memref<128x128xf32, #tpu.memory_space<vmem_shared>>) target(%arg8 : memref<128x128xf32, #tpu.memory_space<vmem>>) target_semaphore(%run_scoped3A : memref<!tpu.dma_semaphore, #tpu.memory_space<semaphore_mem>>)
      %dma_wait3A = arith.constant 0 : i32
      %dma_wait3A_52 = tpu.memref_slice %arg9[%add3A_42, %dma_wait3A] : memref<10240x128xf32, #tpu.memory_space<vmem_shared>> -> memref<128x128xf32, #tpu.memory_space<vmem_shared>>
      %dma_wait3A_53 = arith.constant 0 : i32
      %dma_wait3A_54 = tpu.memref_slice %arg9[%add3A_42, %dma_wait3A_53] : memref<10240x128xf32, #tpu.memory_space<vmem_shared>> -> memref<128x128xf32, #tpu.memory_space<vmem_shared>>
      tpu.wait_dma2 semaphore(%run_scoped3A : memref<!tpu.dma_semaphore, #tpu.memory_space<semaphore_mem>>) src(%dma_wait3A_54 : memref<128x128xf32, #tpu.memory_space<vmem_shared>>) dst(%arg8 : memref<128x128xf32, #tpu.memory_space<vmem>>)
      tpu.yield
    }) : () -> ()
    %add3A_43 = arith.constant 384 : i32
    %add3A_44 = arith.addi %mul3A_28, %add3A_43 : i32
    "tpu.region"() ({
      %run_scoped3A = tpu.sem_alloc : memref<!tpu.dma_semaphore, #tpu.memory_space<semaphore_mem>>
      %dma_start3A = arith.constant 0 : i32
      %dma_start3A_49 = tpu.memref_slice %arg5[%arg0, %add3A_44, %dma_start3A] : memref<2x10240x128xf32, #tpu.memory_space<hbm>> -> memref<1x128x128xf32, #tpu.memory_space<hbm>>
      %dma_start3A_50 = tpu.memref_squeeze %dma_start3A_49 : memref<1x128x128xf32, #tpu.memory_space<hbm>> -> memref<128x128xf32, #tpu.memory_space<hbm>>
      %dma_start3A_51 = arith.constant 0 : i32
      %dma_start3A_52 = tpu.memref_slice %arg5[%arg0, %add3A_44, %dma_start3A_51] : memref<2x10240x128xf32, #tpu.memory_space<hbm>> -> memref<1x128x128xf32, #tpu.memory_space<hbm>>
      %dma_start3A_53 = tpu.memref_squeeze %dma_start3A_52 : memref<1x128x128xf32, #tpu.memory_space<hbm>> -> memref<128x128xf32, #tpu.memory_space<hbm>>
      tpu.enqueue_dma source(%arg8 : memref<128x128xf32, #tpu.memory_space<vmem>>) target(%dma_start3A_53 : memref<128x128xf32, #tpu.memory_space<hbm>>) target_semaphore(%run_scoped3A : memref<!tpu.dma_semaphore, #tpu.memory_space<semaphore_mem>>)
      %dma_wait3A = arith.constant 0 : i32
      %dma_wait3A_54 = tpu.memref_slice %arg5[%arg0, %add3A_44, %dma_wait3A] : memref<2x10240x128xf32, #tpu.memory_space<hbm>> -> memref<1x128x128xf32, #tpu.memory_space<hbm>>
      %dma_wait3A_55 = tpu.memref_squeeze %dma_wait3A_54 : memref<1x128x128xf32, #tpu.memory_space<hbm>> -> memref<128x128xf32, #tpu.memory_space<hbm>>
      %dma_wait3A_56 = arith.constant 0 : i32
      %dma_wait3A_57 = tpu.memref_slice %arg5[%arg0, %add3A_44, %dma_wait3A_56] : memref<2x10240x128xf32, #tpu.memory_space<hbm>> -> memref<1x128x128xf32, #tpu.memory_space<hbm>>
      %dma_wait3A_58 = tpu.memref_squeeze %dma_wait3A_57 : memref<1x128x128xf32, #tpu.memory_space<hbm>> -> memref<128x128xf32, #tpu.memory_space<hbm>>
      tpu.wait_dma2 semaphore(%run_scoped3A : memref<!tpu.dma_semaphore, #tpu.memory_space<semaphore_mem>>) src(%arg8 : memref<128x128xf32, #tpu.memory_space<vmem>>) dst(%dma_wait3A_58 : memref<128x128xf32, #tpu.memory_space<hbm>>)
      tpu.yield
    }) : () -> ()
    %add3A_45 = arith.constant 512 : i32
    %add3A_46 = arith.addi %mul3A_28, %add3A_45 : i32
    "tpu.region"() ({
      %run_scoped3A = tpu.sem_alloc : memref<!tpu.dma_semaphore, #tpu.memory_space<semaphore_mem>>
      %dma_start3A = arith.constant 0 : i32
      %dma_start3A_49 = tpu.memref_slice %arg9[%add3A_46, %dma_start3A] : memref<10240x128xf32, #tpu.memory_space<vmem_shared>> -> memref<128x128xf32, #tpu.memory_space<vmem_shared>>
      %dma_start3A_50 = arith.constant 0 : i32
      %dma_start3A_51 = tpu.memref_slice %arg9[%add3A_46, %dma_start3A_50] : memref<10240x128xf32, #tpu.memory_space<vmem_shared>> -> memref<128x128xf32, #tpu.memory_space<vmem_shared>>
      tpu.enqueue_dma source(%dma_start3A_51 : memref<128x128xf32, #tpu.memory_space<vmem_shared>>) target(%arg8 : memref<128x128xf32, #tpu.memory_space<vmem>>) target_semaphore(%run_scoped3A : memref<!tpu.dma_semaphore, #tpu.memory_space<semaphore_mem>>)
      %dma_wait3A = arith.constant 0 : i32
      %dma_wait3A_52 = tpu.memref_slice %arg9[%add3A_46, %dma_wait3A] : memref<10240x128xf32, #tpu.memory_space<vmem_shared>> -> memref<128x128xf32, #tpu.memory_space<vmem_shared>>
      %dma_wait3A_53 = arith.constant 0 : i32
      %dma_wait3A_54 = tpu.memref_slice %arg9[%add3A_46, %dma_wait3A_53] : memref<10240x128xf32, #tpu.memory_space<vmem_shared>> -> memref<128x128xf32, #tpu.memory_space<vmem_shared>>
      tpu.wait_dma2 semaphore(%run_scoped3A : memref<!tpu.dma_semaphore, #tpu.memory_space<semaphore_mem>>) src(%dma_wait3A_54 : memref<128x128xf32, #tpu.memory_space<vmem_shared>>) dst(%arg8 : memref<128x128xf32, #tpu.memory_space<vmem>>)
      tpu.yield
    }) : () -> ()
    %add3A_47 = arith.constant 512 : i32
    %add3A_48 = arith.addi %mul3A_28, %add3A_47 : i32
    "tpu.region"() ({
      %run_scoped3A = tpu.sem_alloc : memref<!tpu.dma_semaphore, #tpu.memory_space<semaphore_mem>>
      %dma_start3A = arith.constant 0 : i32
      %dma_start3A_49 = tpu.memref_slice %arg5[%arg0, %add3A_48, %dma_start3A] : memref<2x10240x128xf32, #tpu.memory_space<hbm>> -> memref<1x128x128xf32, #tpu.memory_space<hbm>>
      %dma_start3A_50 = tpu.memref_squeeze %dma_start3A_49 : memref<1x128x128xf32, #tpu.memory_space<hbm>> -> memref<128x128xf32, #tpu.memory_space<hbm>>
      %dma_start3A_51 = arith.constant 0 : i32
      %dma_start3A_52 = tpu.memref_slice %arg5[%arg0, %add3A_48, %dma_start3A_51] : memref<2x10240x128xf32, #tpu.memory_space<hbm>> -> memref<1x128x128xf32, #tpu.memory_space<hbm>>
      %dma_start3A_53 = tpu.memref_squeeze %dma_start3A_52 : memref<1x128x128xf32, #tpu.memory_space<hbm>> -> memref<128x128xf32, #tpu.memory_space<hbm>>
      tpu.enqueue_dma source(%arg8 : memref<128x128xf32, #tpu.memory_space<vmem>>) target(%dma_start3A_53 : memref<128x128xf32, #tpu.memory_space<hbm>>) target_semaphore(%run_scoped3A : memref<!tpu.dma_semaphore, #tpu.memory_space<semaphore_mem>>)
      %dma_wait3A = arith.constant 0 : i32
      %dma_wait3A_54 = tpu.memref_slice %arg5[%arg0, %add3A_48, %dma_wait3A] : memref<2x10240x128xf32, #tpu.memory_space<hbm>> -> memref<1x128x128xf32, #tpu.memory_space<hbm>>
      %dma_wait3A_55 = tpu.memref_squeeze %dma_wait3A_54 : memref<1x128x128xf32, #tpu.memory_space<hbm>> -> memref<128x128xf32, #tpu.memory_space<hbm>>
      %dma_wait3A_56 = arith.constant 0 : i32
      %dma_wait3A_57 = tpu.memref_slice %arg5[%arg0, %add3A_48, %dma_wait3A_56] : memref<2x10240x128xf32, #tpu.memory_space<hbm>> -> memref<1x128x128xf32, #tpu.memory_space<hbm>>
      %dma_wait3A_58 = tpu.memref_squeeze %dma_wait3A_57 : memref<1x128x128xf32, #tpu.memory_space<hbm>> -> memref<128x128xf32, #tpu.memory_space<hbm>>
      tpu.wait_dma2 semaphore(%run_scoped3A : memref<!tpu.dma_semaphore, #tpu.memory_space<semaphore_mem>>) src(%arg8 : memref<128x128xf32, #tpu.memory_space<vmem>>) dst(%dma_wait3A_58 : memref<128x128xf32, #tpu.memory_space<hbm>>)
      tpu.yield
    }) : () -> ()
    return
  }
}

#map = affine_map<(d0, d1) -> (0, 0)>
#map1 = affine_map<(d0, d1) -> (0, 0, 0)>
module attributes {stable_mosaic.version = 14 : i64} {
  func.func @_sc_neighbor_sum_impl(%arg0: i32, %arg1: i32, %arg2: memref<10000x128xf32, #tpu.memory_space<hbm>>, %arg3: memref<32x79x128xi32, #tpu.memory_space<hbm>>, %arg4: memref<32x79x128xi32, #tpu.memory_space<hbm>>, %arg5: memref<2x10240x128xf32, #tpu.memory_space<hbm>>, %arg6: memref<79x128xi32, #tpu.memory_space<vmem>>, %arg7: memref<79x128xi32, #tpu.memory_space<vmem>>, %arg8: memref<128x128xf32, #tpu.memory_space<vmem>>, %arg9: memref<10240x128xf32, #tpu.memory_space<vmem_shared>>, %arg10: memref<!tpu.dma_semaphore, #tpu.memory_space<semaphore_mem>>) attributes {dimension_semantics = [#tpu.dimension_semantics<core_parallel>, #tpu.dimension_semantics<subcore_parallel>], iteration_bounds = array<i64: 2, 16>, scalar_prefetch = 0 : i64, scratch_operands = 5 : i64, tpu.core_type = #tpu.core_type<sc_vector_subcore>, window_params = [{transform_indices = #map}, {transform_indices = #map1}, {transform_indices = #map1}, {transform_indices = #map1}]} {
    %scan3A = arith.constant 0 : i32
    %scan3A_0 = arith.constant 0 : i32
    %scan3A_1 = arith.constant 1024 : i32
    %scan3A_2 = arith.addi %scan3A_0, %scan3A_1 : i32
    %scan3A_3 = arith.constant 1 : i32
    %scan3A_4 = scf.for %scan3A_49 = %scan3A_0 to %scan3A_2 step %scan3A_3 iter_args(%scan3A_50 = %scan3A) -> (i32)  : i32 {
      %jit3A = arith.constant 8 : i32
      %div3A = arith.divsi %scan3A_49, %jit3A : i32
      %sign3A = arith.constant 0 : i32
      %sign3A_51 = arith.cmpi sgt, %scan3A_49, %sign3A : i32
      %sign3A_52 = arith.extui %sign3A_51 : i1 to i32
      %sign3A_53 = arith.constant 0 : i32
      %sign3A_54 = arith.cmpi slt, %scan3A_49, %sign3A_53 : i32
      %sign3A_55 = arith.extui %sign3A_54 : i1 to i32
      %sign3A_56 = arith.subi %sign3A_52, %sign3A_55 : i32
      %sign3A_57 = arith.constant 0 : i32
      %sign3A_58 = arith.cmpi sgt, %jit3A, %sign3A_57 : i32
      %sign3A_59 = arith.extui %sign3A_58 : i1 to i32
      %sign3A_60 = arith.constant 0 : i32
      %sign3A_61 = arith.cmpi slt, %jit3A, %sign3A_60 : i32
      %sign3A_62 = arith.extui %sign3A_61 : i1 to i32
      %sign3A_63 = arith.subi %sign3A_59, %sign3A_62 : i32
      %ne3A = arith.cmpi ne, %sign3A_56, %sign3A_63 : i32
      %rem3A = arith.remsi %scan3A_49, %jit3A : i32
      %ne3A_64 = arith.constant 0 : i32
      %ne3A_65 = arith.cmpi ne, %rem3A, %ne3A_64 : i32
      %and3A = arith.andi %ne3A, %ne3A_65 : i1
      %sub3A = arith.constant 1 : i32
      %sub3A_66 = arith.subi %div3A, %sub3A : i32
      %select_n3A = arith.select %and3A, %sub3A_66, %div3A : i32
      %rem3A_67 = arith.constant 8 : i32
      %rem3A_68 = arith.remsi %scan3A_49, %rem3A_67 : i32
      %mul3A_69 = arith.constant 16 : i32
      %mul3A_70 = arith.muli %rem3A_68, %mul3A_69 : i32
      %broadcast_in_dim3A = arith.constant 0.000000e+00 : f32
      %broadcast_in_dim3A_71 = vector.broadcast %broadcast_in_dim3A : f32 to vector<16xf32>
      %swap3A = arith.index_cast %select_n3A : i32 to index
      %swap3A_72 = arith.index_cast %mul3A_70 : i32 to index
      %swap3A_73 = tpu.vector_load %arg8[%swap3A, %swap3A_72] {strides = array<i32>} : memref<128x128xf32, #tpu.memory_space<vmem>>, vector<1x16xf32>,
      %swap3A_74 = vector.shape_cast %swap3A_73 : vector<1x16xf32> to vector<16xf32>
      %swap3A_75 = vector.shape_cast %broadcast_in_dim3A_71 : vector<16xf32> to vector<1x16xf32>
      tpu.vector_store %arg8[%swap3A, %swap3A_72], %swap3A_75 {strides = array<i32>} : memref<128x128xf32, #tpu.memory_space<vmem>>, vector<1x16xf32>,
      %scan3A_76 = arith.constant 0 : i32
      scf.yield %scan3A_76 : i32
    }
    %scan3A_5 = arith.constant 1024 : i32
    %mul3A = arith.constant 640 : i32
    %mul3A_6 = arith.muli %arg1, %mul3A : i32
    %add3A = arith.constant 0 : i32
    %add3A_7 = arith.addi %mul3A_6, %add3A : i32
    "tpu.region"() ({
      %run_scoped3A = tpu.sem_alloc : memref<!tpu.dma_semaphore, #tpu.memory_space<semaphore_mem>>
      %dma_start3A = arith.constant 0 : i32
      %dma_start3A_49 = tpu.memref_slice %arg9[%add3A_7, %dma_start3A] : memref<10240x128xf32, #tpu.memory_space<vmem_shared>> -> memref<128x128xf32, #tpu.memory_space<vmem_shared>>
      %dma_start3A_50 = arith.constant 0 : i32
      %dma_start3A_51 = tpu.memref_slice %arg9[%add3A_7, %dma_start3A_50] : memref<10240x128xf32, #tpu.memory_space<vmem_shared>> -> memref<128x128xf32, #tpu.memory_space<vmem_shared>>
      tpu.enqueue_dma source(%arg8 : memref<128x128xf32, #tpu.memory_space<vmem>>) target(%dma_start3A_51 : memref<128x128xf32, #tpu.memory_space<vmem_shared>>) target_semaphore(%run_scoped3A : memref<!tpu.dma_semaphore, #tpu.memory_space<semaphore_mem>>)
      %dma_wait3A = arith.constant 0 : i32
      %dma_wait3A_52 = tpu.memref_slice %arg9[%add3A_7, %dma_wait3A] : memref<10240x128xf32, #tpu.memory_space<vmem_shared>> -> memref<128x128xf32, #tpu.memory_space<vmem_shared>>
      %dma_wait3A_53 = arith.constant 0 : i32
      %dma_wait3A_54 = tpu.memref_slice %arg9[%add3A_7, %dma_wait3A_53] : memref<10240x128xf32, #tpu.memory_space<vmem_shared>> -> memref<128x128xf32, #tpu.memory_space<vmem_shared>>
      tpu.wait_dma2 semaphore(%run_scoped3A : memref<!tpu.dma_semaphore, #tpu.memory_space<semaphore_mem>>) src(%arg8 : memref<128x128xf32, #tpu.memory_space<vmem>>) dst(%dma_wait3A_54 : memref<128x128xf32, #tpu.memory_space<vmem_shared>>)
      tpu.yield
    }) : () -> ()
    %add3A_8 = arith.constant 128 : i32
    %add3A_9 = arith.addi %mul3A_6, %add3A_8 : i32
    "tpu.region"() ({
      %run_scoped3A = tpu.sem_alloc : memref<!tpu.dma_semaphore, #tpu.memory_space<semaphore_mem>>
      %dma_start3A = arith.constant 0 : i32
      %dma_start3A_49 = tpu.memref_slice %arg9[%add3A_9, %dma_start3A] : memref<10240x128xf32, #tpu.memory_space<vmem_shared>> -> memref<128x128xf32, #tpu.memory_space<vmem_shared>>
      %dma_start3A_50 = arith.constant 0 : i32
      %dma_start3A_51 = tpu.memref_slice %arg9[%add3A_9, %dma_start3A_50] : memref<10240x128xf32, #tpu.memory_space<vmem_shared>> -> memref<128x128xf32, #tpu.memory_space<vmem_shared>>
      tpu.enqueue_dma source(%arg8 : memref<128x128xf32, #tpu.memory_space<vmem>>) target(%dma_start3A_51 : memref<128x128xf32, #tpu.memory_space<vmem_shared>>) target_semaphore(%run_scoped3A : memref<!tpu.dma_semaphore, #tpu.memory_space<semaphore_mem>>)
      %dma_wait3A = arith.constant 0 : i32
      %dma_wait3A_52 = tpu.memref_slice %arg9[%add3A_9, %dma_wait3A] : memref<10240x128xf32, #tpu.memory_space<vmem_shared>> -> memref<128x128xf32, #tpu.memory_space<vmem_shared>>
      %dma_wait3A_53 = arith.constant 0 : i32
      %dma_wait3A_54 = tpu.memref_slice %arg9[%add3A_9, %dma_wait3A_53] : memref<10240x128xf32, #tpu.memory_space<vmem_shared>> -> memref<128x128xf32, #tpu.memory_space<vmem_shared>>
      tpu.wait_dma2 semaphore(%run_scoped3A : memref<!tpu.dma_semaphore, #tpu.memory_space<semaphore_mem>>) src(%arg8 : memref<128x128xf32, #tpu.memory_space<vmem>>) dst(%dma_wait3A_54 : memref<128x128xf32, #tpu.memory_space<vmem_shared>>)
      tpu.yield
    }) : () -> ()
    %add3A_10 = arith.constant 256 : i32
    %add3A_11 = arith.addi %mul3A_6, %add3A_10 : i32
    "tpu.region"() ({
      %run_scoped3A = tpu.sem_alloc : memref<!tpu.dma_semaphore, #tpu.memory_space<semaphore_mem>>
      %dma_start3A = arith.constant 0 : i32
      %dma_start3A_49 = tpu.memref_slice %arg9[%add3A_11, %dma_start3A] : memref<10240x128xf32, #tpu.memory_space<vmem_shared>> -> memref<128x128xf32, #tpu.memory_space<vmem_shared>>
      %dma_start3A_50 = arith.constant 0 : i32
      %dma_start3A_51 = tpu.memref_slice %arg9[%add3A_11, %dma_start3A_50] : memref<10240x128xf32, #tpu.memory_space<vmem_shared>> -> memref<128x128xf32, #tpu.memory_space<vmem_shared>>
      tpu.enqueue_dma source(%arg8 : memref<128x128xf32, #tpu.memory_space<vmem>>) target(%dma_start3A_51 : memref<128x128xf32, #tpu.memory_space<vmem_shared>>) target_semaphore(%run_scoped3A : memref<!tpu.dma_semaphore, #tpu.memory_space<semaphore_mem>>)
      %dma_wait3A = arith.constant 0 : i32
      %dma_wait3A_52 = tpu.memref_slice %arg9[%add3A_11, %dma_wait3A] : memref<10240x128xf32, #tpu.memory_space<vmem_shared>> -> memref<128x128xf32, #tpu.memory_space<vmem_shared>>
      %dma_wait3A_53 = arith.constant 0 : i32
      %dma_wait3A_54 = tpu.memref_slice %arg9[%add3A_11, %dma_wait3A_53] : memref<10240x128xf32, #tpu.memory_space<vmem_shared>> -> memref<128x128xf32, #tpu.memory_space<vmem_shared>>
      tpu.wait_dma2 semaphore(%run_scoped3A : memref<!tpu.dma_semaphore, #tpu.memory_space<semaphore_mem>>) src(%arg8 : memref<128x128xf32, #tpu.memory_space<vmem>>) dst(%dma_wait3A_54 : memref<128x128xf32, #tpu.memory_space<vmem_shared>>)
      tpu.yield
    }) : () -> ()
    %add3A_12 = arith.constant 384 : i32
    %add3A_13 = arith.addi %mul3A_6, %add3A_12 : i32
    "tpu.region"() ({
      %run_scoped3A = tpu.sem_alloc : memref<!tpu.dma_semaphore, #tpu.memory_space<semaphore_mem>>
      %dma_start3A = arith.constant 0 : i32
      %dma_start3A_49 = tpu.memref_slice %arg9[%add3A_13, %dma_start3A] : memref<10240x128xf32, #tpu.memory_space<vmem_shared>> -> memref<128x128xf32, #tpu.memory_space<vmem_shared>>
      %dma_start3A_50 = arith.constant 0 : i32
      %dma_start3A_51 = tpu.memref_slice %arg9[%add3A_13, %dma_start3A_50] : memref<10240x128xf32, #tpu.memory_space<vmem_shared>> -> memref<128x128xf32, #tpu.memory_space<vmem_shared>>
      tpu.enqueue_dma source(%arg8 : memref<128x128xf32, #tpu.memory_space<vmem>>) target(%dma_start3A_51 : memref<128x128xf32, #tpu.memory_space<vmem_shared>>) target_semaphore(%run_scoped3A : memref<!tpu.dma_semaphore, #tpu.memory_space<semaphore_mem>>)
      %dma_wait3A = arith.constant 0 : i32
      %dma_wait3A_52 = tpu.memref_slice %arg9[%add3A_13, %dma_wait3A] : memref<10240x128xf32, #tpu.memory_space<vmem_shared>> -> memref<128x128xf32, #tpu.memory_space<vmem_shared>>
      %dma_wait3A_53 = arith.constant 0 : i32
      %dma_wait3A_54 = tpu.memref_slice %arg9[%add3A_13, %dma_wait3A_53] : memref<10240x128xf32, #tpu.memory_space<vmem_shared>> -> memref<128x128xf32, #tpu.memory_space<vmem_shared>>
      tpu.wait_dma2 semaphore(%run_scoped3A : memref<!tpu.dma_semaphore, #tpu.memory_space<semaphore_mem>>) src(%arg8 : memref<128x128xf32, #tpu.memory_space<vmem>>) dst(%dma_wait3A_54 : memref<128x128xf32, #tpu.memory_space<vmem_shared>>)
      tpu.yield
    }) : () -> ()
    %add3A_14 = arith.constant 512 : i32
    %add3A_15 = arith.addi %mul3A_6, %add3A_14 : i32
    "tpu.region"() ({
      %run_scoped3A = tpu.sem_alloc : memref<!tpu.dma_semaphore, #tpu.memory_space<semaphore_mem>>
      %dma_start3A = arith.constant 0 : i32
      %dma_start3A_49 = tpu.memref_slice %arg9[%add3A_15, %dma_start3A] : memref<10240x128xf32, #tpu.memory_space<vmem_shared>> -> memref<128x128xf32, #tpu.memory_space<vmem_shared>>
      %dma_start3A_50 = arith.constant 0 : i32
      %dma_start3A_51 = tpu.memref_slice %arg9[%add3A_15, %dma_start3A_50] : memref<10240x128xf32, #tpu.memory_space<vmem_shared>> -> memref<128x128xf32, #tpu.memory_space<vmem_shared>>
      tpu.enqueue_dma source(%arg8 : memref<128x128xf32, #tpu.memory_space<vmem>>) target(%dma_start3A_51 : memref<128x128xf32, #tpu.memory_space<vmem_shared>>) target_semaphore(%run_scoped3A : memref<!tpu.dma_semaphore, #tpu.memory_space<semaphore_mem>>)
      %dma_wait3A = arith.constant 0 : i32
      %dma_wait3A_52 = tpu.memref_slice %arg9[%add3A_15, %dma_wait3A] : memref<10240x128xf32, #tpu.memory_space<vmem_shared>> -> memref<128x128xf32, #tpu.memory_space<vmem_shared>>
      %dma_wait3A_53 = arith.constant 0 : i32
      %dma_wait3A_54 = tpu.memref_slice %arg9[%add3A_15, %dma_wait3A_53] : memref<10240x128xf32, #tpu.memory_space<vmem_shared>> -> memref<128x128xf32, #tpu.memory_space<vmem_shared>>
      tpu.wait_dma2 semaphore(%run_scoped3A : memref<!tpu.dma_semaphore, #tpu.memory_space<semaphore_mem>>) src(%arg8 : memref<128x128xf32, #tpu.memory_space<vmem>>) dst(%dma_wait3A_54 : memref<128x128xf32, #tpu.memory_space<vmem_shared>>)
      tpu.yield
    }) : () -> ()
    %barrier3A = arith.constant 0 : index
    tpu.barrier barrier_id(%barrier3A)
    %mul3A_16 = arith.constant 2 : i32
    %mul3A_17 = arith.muli %arg1, %mul3A_16 : i32
    %add3A_18 = arith.addi %mul3A_17, %arg0 : i32
    "tpu.region"() ({
      %run_scoped3A = tpu.sem_alloc : memref<!tpu.dma_semaphore, #tpu.memory_space<semaphore_mem>>
      %dma_start3A = arith.constant 0 : i32
      %dma_start3A_49 = arith.constant 0 : i32
      %dma_start3A_50 = tpu.memref_slice %arg3[%add3A_18, %dma_start3A, %dma_start3A_49] : memref<32x79x128xi32, #tpu.memory_space<hbm>> -> memref<1x79x128xi32, #tpu.memory_space<hbm>>
      %dma_start3A_51 = tpu.memref_squeeze %dma_start3A_50 : memref<1x79x128xi32, #tpu.memory_space<hbm>> -> memref<79x128xi32, #tpu.memory_space<hbm>>
      %dma_start3A_52 = arith.constant 0 : i32
      %dma_start3A_53 = arith.constant 0 : i32
      %dma_start3A_54 = tpu.memref_slice %arg3[%add3A_18, %dma_start3A_52, %dma_start3A_53] : memref<32x79x128xi32, #tpu.memory_space<hbm>> -> memref<1x79x128xi32, #tpu.memory_space<hbm>>
      %dma_start3A_55 = tpu.memref_squeeze %dma_start3A_54 : memref<1x79x128xi32, #tpu.memory_space<hbm>> -> memref<79x128xi32, #tpu.memory_space<hbm>>
      tpu.enqueue_dma source(%dma_start3A_55 : memref<79x128xi32, #tpu.memory_space<hbm>>) target(%arg6 : memref<79x128xi32, #tpu.memory_space<vmem>>) target_semaphore(%run_scoped3A : memref<!tpu.dma_semaphore, #tpu.memory_space<semaphore_mem>>)
      %dma_wait3A = arith.constant 0 : i32
      %dma_wait3A_56 = arith.constant 0 : i32
      %dma_wait3A_57 = tpu.memref_slice %arg3[%add3A_18, %dma_wait3A, %dma_wait3A_56] : memref<32x79x128xi32, #tpu.memory_space<hbm>> -> memref<1x79x128xi32, #tpu.memory_space<hbm>>
      %dma_wait3A_58 = tpu.memref_squeeze %dma_wait3A_57 : memref<1x79x128xi32, #tpu.memory_space<hbm>> -> memref<79x128xi32, #tpu.memory_space<hbm>>
      %dma_wait3A_59 = arith.constant 0 : i32
      %dma_wait3A_60 = arith.constant 0 : i32
      %dma_wait3A_61 = tpu.memref_slice %arg3[%add3A_18, %dma_wait3A_59, %dma_wait3A_60] : memref<32x79x128xi32, #tpu.memory_space<hbm>> -> memref<1x79x128xi32, #tpu.memory_space<hbm>>
      %dma_wait3A_62 = tpu.memref_squeeze %dma_wait3A_61 : memref<1x79x128xi32, #tpu.memory_space<hbm>> -> memref<79x128xi32, #tpu.memory_space<hbm>>
      tpu.wait_dma2 semaphore(%run_scoped3A : memref<!tpu.dma_semaphore, #tpu.memory_space<semaphore_mem>>) src(%dma_wait3A_62 : memref<79x128xi32, #tpu.memory_space<hbm>>) dst(%arg6 : memref<79x128xi32, #tpu.memory_space<vmem>>)
      tpu.yield
    }) : () -> ()
    "tpu.region"() ({
      %run_scoped3A = tpu.sem_alloc : memref<!tpu.dma_semaphore, #tpu.memory_space<semaphore_mem>>
      %dma_start3A = arith.constant 0 : i32
      %dma_start3A_49 = arith.constant 0 : i32
      %dma_start3A_50 = tpu.memref_slice %arg4[%add3A_18, %dma_start3A, %dma_start3A_49] : memref<32x79x128xi32, #tpu.memory_space<hbm>> -> memref<1x79x128xi32, #tpu.memory_space<hbm>>
      %dma_start3A_51 = tpu.memref_squeeze %dma_start3A_50 : memref<1x79x128xi32, #tpu.memory_space<hbm>> -> memref<79x128xi32, #tpu.memory_space<hbm>>
      %dma_start3A_52 = arith.constant 0 : i32
      %dma_start3A_53 = arith.constant 0 : i32
      %dma_start3A_54 = tpu.memref_slice %arg4[%add3A_18, %dma_start3A_52, %dma_start3A_53] : memref<32x79x128xi32, #tpu.memory_space<hbm>> -> memref<1x79x128xi32, #tpu.memory_space<hbm>>
      %dma_start3A_55 = tpu.memref_squeeze %dma_start3A_54 : memref<1x79x128xi32, #tpu.memory_space<hbm>> -> memref<79x128xi32, #tpu.memory_space<hbm>>
      tpu.enqueue_dma source(%dma_start3A_55 : memref<79x128xi32, #tpu.memory_space<hbm>>) target(%arg7 : memref<79x128xi32, #tpu.memory_space<vmem>>) target_semaphore(%run_scoped3A : memref<!tpu.dma_semaphore, #tpu.memory_space<semaphore_mem>>)
      %dma_wait3A = arith.constant 0 : i32
      %dma_wait3A_56 = arith.constant 0 : i32
      %dma_wait3A_57 = tpu.memref_slice %arg4[%add3A_18, %dma_wait3A, %dma_wait3A_56] : memref<32x79x128xi32, #tpu.memory_space<hbm>> -> memref<1x79x128xi32, #tpu.memory_space<hbm>>
      %dma_wait3A_58 = tpu.memref_squeeze %dma_wait3A_57 : memref<1x79x128xi32, #tpu.memory_space<hbm>> -> memref<79x128xi32, #tpu.memory_space<hbm>>
      %dma_wait3A_59 = arith.constant 0 : i32
      %dma_wait3A_60 = arith.constant 0 : i32
      %dma_wait3A_61 = tpu.memref_slice %arg4[%add3A_18, %dma_wait3A_59, %dma_wait3A_60] : memref<32x79x128xi32, #tpu.memory_space<hbm>> -> memref<1x79x128xi32, #tpu.memory_space<hbm>>
      %dma_wait3A_62 = tpu.memref_squeeze %dma_wait3A_61 : memref<1x79x128xi32, #tpu.memory_space<hbm>> -> memref<79x128xi32, #tpu.memory_space<hbm>>
      tpu.wait_dma2 semaphore(%run_scoped3A : memref<!tpu.dma_semaphore, #tpu.memory_space<semaphore_mem>>) src(%dma_wait3A_62 : memref<79x128xi32, #tpu.memory_space<hbm>>) dst(%arg7 : memref<79x128xi32, #tpu.memory_space<vmem>>)
      tpu.yield
    }) : () -> ()
    %scan3A_19 = arith.constant 0 : i32
    %scan3A_20 = arith.constant 0 : i32
    %scan3A_21 = arith.constant 79 : i32
    %scan3A_22 = arith.addi %scan3A_20, %scan3A_21 : i32
    %scan3A_23 = arith.constant 1 : i32
    %scan3A_24 = scf.for %scan3A_49 = %scan3A_20 to %scan3A_22 step %scan3A_23 iter_args(%scan3A_50 = %scan3A_19) -> (i32)  : i32 {
      %dma_start3A = arith.constant 0 : i32
      %dma_start3A_51 = tpu.memref_slice %arg6[%scan3A_49, %dma_start3A] : memref<79x128xi32, #tpu.memory_space<vmem>> -> memref<1x128xi32, #tpu.memory_space<vmem>>
      %dma_start3A_52 = tpu.memref_squeeze %dma_start3A_51 : memref<1x128xi32, #tpu.memory_space<vmem>> -> memref<128xi32, #tpu.memory_space<vmem>>
      %dma_start3A_53 = arith.constant 0 : i32
      %dma_start3A_54 = arith.constant 0 : i32
      %dma_start3A_55 = tpu.memref_slice %arg2[%dma_start3A_53, %dma_start3A_54] : memref<10000x128xf32, #tpu.memory_space<hbm>> -> memref<10000x128xf32, #tpu.memory_space<hbm>>
      tpu.enqueue_indirect_dma source(%dma_start3A_55 : memref<10000x128xf32, #tpu.memory_space<hbm>>) target(%arg8 : memref<128x128xf32, #tpu.memory_space<vmem>>) offsets(%dma_start3A_52 : memref<128xi32, #tpu.memory_space<vmem>>) semaphore(%arg10 : memref<!tpu.dma_semaphore, #tpu.memory_space<semaphore_mem>>)
      %dma_wait3A = arith.constant 0 : i32
      %dma_wait3A_56 = tpu.memref_slice %arg6[%scan3A_49, %dma_wait3A] : memref<79x128xi32, #tpu.memory_space<vmem>> -> memref<1x128xi32, #tpu.memory_space<vmem>>
      %dma_wait3A_57 = tpu.memref_squeeze %dma_wait3A_56 : memref<1x128xi32, #tpu.memory_space<vmem>> -> memref<128xi32, #tpu.memory_space<vmem>>
      %dma_wait3A_58 = arith.constant 0 : i32
      %dma_wait3A_59 = arith.constant 0 : i32
      %dma_wait3A_60 = tpu.memref_slice %arg2[%dma_wait3A_58, %dma_wait3A_59] : memref<10000x128xf32, #tpu.memory_space<hbm>> -> memref<10000x128xf32, #tpu.memory_space<hbm>>
      tpu.wait_indirect_dma semaphore(%arg10 : memref<!tpu.dma_semaphore, #tpu.memory_space<semaphore_mem>>) src(%dma_wait3A_60 : memref<10000x128xf32, #tpu.memory_space<hbm>>) dst(%arg8 : memref<128x128xf32, #tpu.memory_space<vmem>>)
      "tpu.region"() ({
        %run_scoped3A = tpu.sem_alloc : memref<!tpu.dma_semaphore, #tpu.memory_space<semaphore_mem>>
        %dma_start3A_62 = arith.constant 0 : i32
        %dma_start3A_63 = tpu.memref_slice %arg7[%scan3A_49, %dma_start3A_62] : memref<79x128xi32, #tpu.memory_space<vmem>> -> memref<1x128xi32, #tpu.memory_space<vmem>>
        %dma_start3A_64 = tpu.memref_squeeze %dma_start3A_63 : memref<1x128xi32, #tpu.memory_space<vmem>> -> memref<128xi32, #tpu.memory_space<vmem>>
        %dma_start3A_65 = arith.constant 0 : i32
        %dma_start3A_66 = arith.constant 0 : i32
        %dma_start3A_67 = tpu.memref_slice %arg9[%dma_start3A_65, %dma_start3A_66] : memref<10240x128xf32, #tpu.memory_space<vmem_shared>> -> memref<10240x128xf32, #tpu.memory_space<vmem_shared>>
        tpu.enqueue_indirect_dma source(%arg8 : memref<128x128xf32, #tpu.memory_space<vmem>>) target(%dma_start3A_67 : memref<10240x128xf32, #tpu.memory_space<vmem_shared>>) offsets(%dma_start3A_64 : memref<128xi32, #tpu.memory_space<vmem>>) semaphore(%run_scoped3A : memref<!tpu.dma_semaphore, #tpu.memory_space<semaphore_mem>>) {add = true}
        %dma_wait3A_68 = arith.constant 0 : i32
        %dma_wait3A_69 = tpu.memref_slice %arg7[%scan3A_49, %dma_wait3A_68] : memref<79x128xi32, #tpu.memory_space<vmem>> -> memref<1x128xi32, #tpu.memory_space<vmem>>
        %dma_wait3A_70 = tpu.memref_squeeze %dma_wait3A_69 : memref<1x128xi32, #tpu.memory_space<vmem>> -> memref<128xi32, #tpu.memory_space<vmem>>
        %dma_wait3A_71 = arith.constant 0 : i32
        %dma_wait3A_72 = arith.constant 0 : i32
        %dma_wait3A_73 = tpu.memref_slice %arg9[%dma_wait3A_71, %dma_wait3A_72] : memref<10240x128xf32, #tpu.memory_space<vmem_shared>> -> memref<10240x128xf32, #tpu.memory_space<vmem_shared>>
        tpu.wait_indirect_dma semaphore(%run_scoped3A : memref<!tpu.dma_semaphore, #tpu.memory_space<semaphore_mem>>) src(%arg8 : memref<128x128xf32, #tpu.memory_space<vmem>>) dst(%dma_wait3A_73 : memref<10240x128xf32, #tpu.memory_space<vmem_shared>>)
        tpu.yield
      }) : () -> ()
      %scan3A_61 = arith.constant 0 : i32
      scf.yield %scan3A_61 : i32
    }
    %scan3A_25 = arith.constant 79 : i32
    %barrier3A_26 = arith.constant 0 : index
    tpu.barrier barrier_id(%barrier3A_26)
    %mul3A_27 = arith.constant 640 : i32
    %mul3A_28 = arith.muli %arg1, %mul3A_27 : i32
    %add3A_29 = arith.constant 0 : i32
    %add3A_30 = arith.addi %mul3A_28, %add3A_29 : i32
    "tpu.region"() ({
      %run_scoped3A = tpu.sem_alloc : memref<!tpu.dma_semaphore, #tpu.memory_space<semaphore_mem>>
      %dma_start3A = arith.constant 0 : i32
      %dma_start3A_49 = tpu.memref_slice %arg9[%add3A_30, %dma_start3A] : memref<10240x128xf32, #tpu.memory_space<vmem_shared>> -> memref<128x128xf32, #tpu.memory_space<vmem_shared>>
      %dma_start3A_50 = arith.constant 0 : i32
      %dma_start3A_51 = tpu.memref_slice %arg9[%add3A_30, %dma_start3A_50] : memref<10240x128xf32, #tpu.memory_space<vmem_shared>> -> memref<128x128xf32, #tpu.memory_space<vmem_shared>>
      tpu.enqueue_dma source(%dma_start3A_51 : memref<128x128xf32, #tpu.memory_space<vmem_shared>>) target(%arg8 : memref<128x128xf32, #tpu.memory_space<vmem>>) target_semaphore(%run_scoped3A : memref<!tpu.dma_semaphore, #tpu.memory_space<semaphore_mem>>)
      %dma_wait3A = arith.constant 0 : i32
      %dma_wait3A_52 = tpu.memref_slice %arg9[%add3A_30, %dma_wait3A] : memref<10240x128xf32, #tpu.memory_space<vmem_shared>> -> memref<128x128xf32, #tpu.memory_space<vmem_shared>>
      %dma_wait3A_53 = arith.constant 0 : i32
      %dma_wait3A_54 = tpu.memref_slice %arg9[%add3A_30, %dma_wait3A_53] : memref<10240x128xf32, #tpu.memory_space<vmem_shared>> -> memref<128x128xf32, #tpu.memory_space<vmem_shared>>
      tpu.wait_dma2 semaphore(%run_scoped3A : memref<!tpu.dma_semaphore, #tpu.memory_space<semaphore_mem>>) src(%dma_wait3A_54 : memref<128x128xf32, #tpu.memory_space<vmem_shared>>) dst(%arg8 : memref<128x128xf32, #tpu.memory_space<vmem>>)
      tpu.yield
    }) : () -> ()
    %add3A_31 = arith.constant 0 : i32
    %add3A_32 = arith.addi %mul3A_28, %add3A_31 : i32
    "tpu.region"() ({
      %run_scoped3A = tpu.sem_alloc : memref<!tpu.dma_semaphore, #tpu.memory_space<semaphore_mem>>
      %dma_start3A = arith.constant 0 : i32
      %dma_start3A_49 = tpu.memref_slice %arg5[%arg0, %add3A_32, %dma_start3A] : memref<2x10240x128xf32, #tpu.memory_space<hbm>> -> memref<1x128x128xf32, #tpu.memory_space<hbm>>
      %dma_start3A_50 = tpu.memref_squeeze %dma_start3A_49 : memref<1x128x128xf32, #tpu.memory_space<hbm>> -> memref<128x128xf32, #tpu.memory_space<hbm>>
      %dma_start3A_51 = arith.constant 0 : i32
      %dma_start3A_52 = tpu.memref_slice %arg5[%arg0, %add3A_32, %dma_start3A_51] : memref<2x10240x128xf32, #tpu.memory_space<hbm>> -> memref<1x128x128xf32, #tpu.memory_space<hbm>>
      %dma_start3A_53 = tpu.memref_squeeze %dma_start3A_52 : memref<1x128x128xf32, #tpu.memory_space<hbm>> -> memref<128x128xf32, #tpu.memory_space<hbm>>
      tpu.enqueue_dma source(%arg8 : memref<128x128xf32, #tpu.memory_space<vmem>>) target(%dma_start3A_53 : memref<128x128xf32, #tpu.memory_space<hbm>>) target_semaphore(%run_scoped3A : memref<!tpu.dma_semaphore, #tpu.memory_space<semaphore_mem>>)
      %dma_wait3A = arith.constant 0 : i32
      %dma_wait3A_54 = tpu.memref_slice %arg5[%arg0, %add3A_32, %dma_wait3A] : memref<2x10240x128xf32, #tpu.memory_space<hbm>> -> memref<1x128x128xf32, #tpu.memory_space<hbm>>
      %dma_wait3A_55 = tpu.memref_squeeze %dma_wait3A_54 : memref<1x128x128xf32, #tpu.memory_space<hbm>> -> memref<128x128xf32, #tpu.memory_space<hbm>>
      %dma_wait3A_56 = arith.constant 0 : i32
      %dma_wait3A_57 = tpu.memref_slice %arg5[%arg0, %add3A_32, %dma_wait3A_56] : memref<2x10240x128xf32, #tpu.memory_space<hbm>> -> memref<1x128x128xf32, #tpu.memory_space<hbm>>
      %dma_wait3A_58 = tpu.memref_squeeze %dma_wait3A_57 : memref<1x128x128xf32, #tpu.memory_space<hbm>> -> memref<128x128xf32, #tpu.memory_space<hbm>>
      tpu.wait_dma2 semaphore(%run_scoped3A : memref<!tpu.dma_semaphore, #tpu.memory_space<semaphore_mem>>) src(%arg8 : memref<128x128xf32, #tpu.memory_space<vmem>>) dst(%dma_wait3A_58 : memref<128x128xf32, #tpu.memory_space<hbm>>)
      tpu.yield
    }) : () -> ()
    %add3A_33 = arith.constant 128 : i32
    %add3A_34 = arith.addi %mul3A_28, %add3A_33 : i32
    "tpu.region"() ({
      %run_scoped3A = tpu.sem_alloc : memref<!tpu.dma_semaphore, #tpu.memory_space<semaphore_mem>>
      %dma_start3A = arith.constant 0 : i32
      %dma_start3A_49 = tpu.memref_slice %arg9[%add3A_34, %dma_start3A] : memref<10240x128xf32, #tpu.memory_space<vmem_shared>> -> memref<128x128xf32, #tpu.memory_space<vmem_shared>>
      %dma_start3A_50 = arith.constant 0 : i32
      %dma_start3A_51 = tpu.memref_slice %arg9[%add3A_34, %dma_start3A_50] : memref<10240x128xf32, #tpu.memory_space<vmem_shared>> -> memref<128x128xf32, #tpu.memory_space<vmem_shared>>
      tpu.enqueue_dma source(%dma_start3A_51 : memref<128x128xf32, #tpu.memory_space<vmem_shared>>) target(%arg8 : memref<128x128xf32, #tpu.memory_space<vmem>>) target_semaphore(%run_scoped3A : memref<!tpu.dma_semaphore, #tpu.memory_space<semaphore_mem>>)
      %dma_wait3A = arith.constant 0 : i32
      %dma_wait3A_52 = tpu.memref_slice %arg9[%add3A_34, %dma_wait3A] : memref<10240x128xf32, #tpu.memory_space<vmem_shared>> -> memref<128x128xf32, #tpu.memory_space<vmem_shared>>
      %dma_wait3A_53 = arith.constant 0 : i32
      %dma_wait3A_54 = tpu.memref_slice %arg9[%add3A_34, %dma_wait3A_53] : memref<10240x128xf32, #tpu.memory_space<vmem_shared>> -> memref<128x128xf32, #tpu.memory_space<vmem_shared>>
      tpu.wait_dma2 semaphore(%run_scoped3A : memref<!tpu.dma_semaphore, #tpu.memory_space<semaphore_mem>>) src(%dma_wait3A_54 : memref<128x128xf32, #tpu.memory_space<vmem_shared>>) dst(%arg8 : memref<128x128xf32, #tpu.memory_space<vmem>>)
      tpu.yield
    }) : () -> ()
    %add3A_35 = arith.constant 128 : i32
    %add3A_36 = arith.addi %mul3A_28, %add3A_35 : i32
    "tpu.region"() ({
      %run_scoped3A = tpu.sem_alloc : memref<!tpu.dma_semaphore, #tpu.memory_space<semaphore_mem>>
      %dma_start3A = arith.constant 0 : i32
      %dma_start3A_49 = tpu.memref_slice %arg5[%arg0, %add3A_36, %dma_start3A] : memref<2x10240x128xf32, #tpu.memory_space<hbm>> -> memref<1x128x128xf32, #tpu.memory_space<hbm>>
      %dma_start3A_50 = tpu.memref_squeeze %dma_start3A_49 : memref<1x128x128xf32, #tpu.memory_space<hbm>> -> memref<128x128xf32, #tpu.memory_space<hbm>>
      %dma_start3A_51 = arith.constant 0 : i32
      %dma_start3A_52 = tpu.memref_slice %arg5[%arg0, %add3A_36, %dma_start3A_51] : memref<2x10240x128xf32, #tpu.memory_space<hbm>> -> memref<1x128x128xf32, #tpu.memory_space<hbm>>
      %dma_start3A_53 = tpu.memref_squeeze %dma_start3A_52 : memref<1x128x128xf32, #tpu.memory_space<hbm>> -> memref<128x128xf32, #tpu.memory_space<hbm>>
      tpu.enqueue_dma source(%arg8 : memref<128x128xf32, #tpu.memory_space<vmem>>) target(%dma_start3A_53 : memref<128x128xf32, #tpu.memory_space<hbm>>) target_semaphore(%run_scoped3A : memref<!tpu.dma_semaphore, #tpu.memory_space<semaphore_mem>>)
      %dma_wait3A = arith.constant 0 : i32
      %dma_wait3A_54 = tpu.memref_slice %arg5[%arg0, %add3A_36, %dma_wait3A] : memref<2x10240x128xf32, #tpu.memory_space<hbm>> -> memref<1x128x128xf32, #tpu.memory_space<hbm>>
      %dma_wait3A_55 = tpu.memref_squeeze %dma_wait3A_54 : memref<1x128x128xf32, #tpu.memory_space<hbm>> -> memref<128x128xf32, #tpu.memory_space<hbm>>
      %dma_wait3A_56 = arith.constant 0 : i32
      %dma_wait3A_57 = tpu.memref_slice %arg5[%arg0, %add3A_36, %dma_wait3A_56] : memref<2x10240x128xf32, #tpu.memory_space<hbm>> -> memref<1x128x128xf32, #tpu.memory_space<hbm>>
      %dma_wait3A_58 = tpu.memref_squeeze %dma_wait3A_57 : memref<1x128x128xf32, #tpu.memory_space<hbm>> -> memref<128x128xf32, #tpu.memory_space<hbm>>
      tpu.wait_dma2 semaphore(%run_scoped3A : memref<!tpu.dma_semaphore, #tpu.memory_space<semaphore_mem>>) src(%arg8 : memref<128x128xf32, #tpu.memory_space<vmem>>) dst(%dma_wait3A_58 : memref<128x128xf32, #tpu.memory_space<hbm>>)
      tpu.yield
    }) : () -> ()
    %add3A_37 = arith.constant 256 : i32
    %add3A_38 = arith.addi %mul3A_28, %add3A_37 : i32
    "tpu.region"() ({
      %run_scoped3A = tpu.sem_alloc : memref<!tpu.dma_semaphore, #tpu.memory_space<semaphore_mem>>
      %dma_start3A = arith.constant 0 : i32
      %dma_start3A_49 = tpu.memref_slice %arg9[%add3A_38, %dma_start3A] : memref<10240x128xf32, #tpu.memory_space<vmem_shared>> -> memref<128x128xf32, #tpu.memory_space<vmem_shared>>
      %dma_start3A_50 = arith.constant 0 : i32
      %dma_start3A_51 = tpu.memref_slice %arg9[%add3A_38, %dma_start3A_50] : memref<10240x128xf32, #tpu.memory_space<vmem_shared>> -> memref<128x128xf32, #tpu.memory_space<vmem_shared>>
      tpu.enqueue_dma source(%dma_start3A_51 : memref<128x128xf32, #tpu.memory_space<vmem_shared>>) target(%arg8 : memref<128x128xf32, #tpu.memory_space<vmem>>) target_semaphore(%run_scoped3A : memref<!tpu.dma_semaphore, #tpu.memory_space<semaphore_mem>>)
      %dma_wait3A = arith.constant 0 : i32
      %dma_wait3A_52 = tpu.memref_slice %arg9[%add3A_38, %dma_wait3A] : memref<10240x128xf32, #tpu.memory_space<vmem_shared>> -> memref<128x128xf32, #tpu.memory_space<vmem_shared>>
      %dma_wait3A_53 = arith.constant 0 : i32
      %dma_wait3A_54 = tpu.memref_slice %arg9[%add3A_38, %dma_wait3A_53] : memref<10240x128xf32, #tpu.memory_space<vmem_shared>> -> memref<128x128xf32, #tpu.memory_space<vmem_shared>>
      tpu.wait_dma2 semaphore(%run_scoped3A : memref<!tpu.dma_semaphore, #tpu.memory_space<semaphore_mem>>) src(%dma_wait3A_54 : memref<128x128xf32, #tpu.memory_space<vmem_shared>>) dst(%arg8 : memref<128x128xf32, #tpu.memory_space<vmem>>)
      tpu.yield
    }) : () -> ()
    %add3A_39 = arith.constant 256 : i32
    %add3A_40 = arith.addi %mul3A_28, %add3A_39 : i32
    "tpu.region"() ({
      %run_scoped3A = tpu.sem_alloc : memref<!tpu.dma_semaphore, #tpu.memory_space<semaphore_mem>>
      %dma_start3A = arith.constant 0 : i32
      %dma_start3A_49 = tpu.memref_slice %arg5[%arg0, %add3A_40, %dma_start3A] : memref<2x10240x128xf32, #tpu.memory_space<hbm>> -> memref<1x128x128xf32, #tpu.memory_space<hbm>>
      %dma_start3A_50 = tpu.memref_squeeze %dma_start3A_49 : memref<1x128x128xf32, #tpu.memory_space<hbm>> -> memref<128x128xf32, #tpu.memory_space<hbm>>
      %dma_start3A_51 = arith.constant 0 : i32
      %dma_start3A_52 = tpu.memref_slice %arg5[%arg0, %add3A_40, %dma_start3A_51] : memref<2x10240x128xf32, #tpu.memory_space<hbm>> -> memref<1x128x128xf32, #tpu.memory_space<hbm>>
      %dma_start3A_53 = tpu.memref_squeeze %dma_start3A_52 : memref<1x128x128xf32, #tpu.memory_space<hbm>> -> memref<128x128xf32, #tpu.memory_space<hbm>>
      tpu.enqueue_dma source(%arg8 : memref<128x128xf32, #tpu.memory_space<vmem>>) target(%dma_start3A_53 : memref<128x128xf32, #tpu.memory_space<hbm>>) target_semaphore(%run_scoped3A : memref<!tpu.dma_semaphore, #tpu.memory_space<semaphore_mem>>)
      %dma_wait3A = arith.constant 0 : i32
      %dma_wait3A_54 = tpu.memref_slice %arg5[%arg0, %add3A_40, %dma_wait3A] : memref<2x10240x128xf32, #tpu.memory_space<hbm>> -> memref<1x128x128xf32, #tpu.memory_space<hbm>>
      %dma_wait3A_55 = tpu.memref_squeeze %dma_wait3A_54 : memref<1x128x128xf32, #tpu.memory_space<hbm>> -> memref<128x128xf32, #tpu.memory_space<hbm>>
      %dma_wait3A_56 = arith.constant 0 : i32
      %dma_wait3A_57 = tpu.memref_slice %arg5[%arg0, %add3A_40, %dma_wait3A_56] : memref<2x10240x128xf32, #tpu.memory_space<hbm>> -> memref<1x128x128xf32, #tpu.memory_space<hbm>>
      %dma_wait3A_58 = tpu.memref_squeeze %dma_wait3A_57 : memref<1x128x128xf32, #tpu.memory_space<hbm>> -> memref<128x128xf32, #tpu.memory_space<hbm>>
      tpu.wait_dma2 semaphore(%run_scoped3A : memref<!tpu.dma_semaphore, #tpu.memory_space<semaphore_mem>>) src(%arg8 : memref<128x128xf32, #tpu.memory_space<vmem>>) dst(%dma_wait3A_58 : memref<128x128xf32, #tpu.memory_space<hbm>>)
      tpu.yield
    }) : () -> ()
    %add3A_41 = arith.constant 384 : i32
    %add3A_42 = arith.addi %mul3A_28, %add3A_41 : i32
    "tpu.region"() ({
      %run_scoped3A = tpu.sem_alloc : memref<!tpu.dma_semaphore, #tpu.memory_space<semaphore_mem>>
      %dma_start3A = arith.constant 0 : i32
      %dma_start3A_49 = tpu.memref_slice %arg9[%add3A_42, %dma_start3A] : memref<10240x128xf32, #tpu.memory_space<vmem_shared>> -> memref<128x128xf32, #tpu.memory_space<vmem_shared>>
      %dma_start3A_50 = arith.constant 0 : i32
      %dma_start3A_51 = tpu.memref_slice %arg9[%add3A_42, %dma_start3A_50] : memref<10240x128xf32, #tpu.memory_space<vmem_shared>> -> memref<128x128xf32, #tpu.memory_space<vmem_shared>>
      tpu.enqueue_dma source(%dma_start3A_51 : memref<128x128xf32, #tpu.memory_space<vmem_shared>>) target(%arg8 : memref<128x128xf32, #tpu.memory_space<vmem>>) target_semaphore(%run_scoped3A : memref<!tpu.dma_semaphore, #tpu.memory_space<semaphore_mem>>)
      %dma_wait3A = arith.constant 0 : i32
      %dma_wait3A_52 = tpu.memref_slice %arg9[%add3A_42, %dma_wait3A] : memref<10240x128xf32, #tpu.memory_space<vmem_shared>> -> memref<128x128xf32, #tpu.memory_space<vmem_shared>>
      %dma_wait3A_53 = arith.constant 0 : i32
      %dma_wait3A_54 = tpu.memref_slice %arg9[%add3A_42, %dma_wait3A_53] : memref<10240x128xf32, #tpu.memory_space<vmem_shared>> -> memref<128x128xf32, #tpu.memory_space<vmem_shared>>
      tpu.wait_dma2 semaphore(%run_scoped3A : memref<!tpu.dma_semaphore, #tpu.memory_space<semaphore_mem>>) src(%dma_wait3A_54 : memref<128x128xf32, #tpu.memory_space<vmem_shared>>) dst(%arg8 : memref<128x128xf32, #tpu.memory_space<vmem>>)
      tpu.yield
    }) : () -> ()
    %add3A_43 = arith.constant 384 : i32
    %add3A_44 = arith.addi %mul3A_28, %add3A_43 : i32
    "tpu.region"() ({
      %run_scoped3A = tpu.sem_alloc : memref<!tpu.dma_semaphore, #tpu.memory_space<semaphore_mem>>
      %dma_start3A = arith.constant 0 : i32
      %dma_start3A_49 = tpu.memref_slice %arg5[%arg0, %add3A_44, %dma_start3A] : memref<2x10240x128xf32, #tpu.memory_space<hbm>> -> memref<1x128x128xf32, #tpu.memory_space<hbm>>
      %dma_start3A_50 = tpu.memref_squeeze %dma_start3A_49 : memref<1x128x128xf32, #tpu.memory_space<hbm>> -> memref<128x128xf32, #tpu.memory_space<hbm>>
      %dma_start3A_51 = arith.constant 0 : i32
      %dma_start3A_52 = tpu.memref_slice %arg5[%arg0, %add3A_44, %dma_start3A_51] : memref<2x10240x128xf32, #tpu.memory_space<hbm>> -> memref<1x128x128xf32, #tpu.memory_space<hbm>>
      %dma_start3A_53 = tpu.memref_squeeze %dma_start3A_52 : memref<1x128x128xf32, #tpu.memory_space<hbm>> -> memref<128x128xf32, #tpu.memory_space<hbm>>
      tpu.enqueue_dma source(%arg8 : memref<128x128xf32, #tpu.memory_space<vmem>>) target(%dma_start3A_53 : memref<128x128xf32, #tpu.memory_space<hbm>>) target_semaphore(%run_scoped3A : memref<!tpu.dma_semaphore, #tpu.memory_space<semaphore_mem>>)
      %dma_wait3A = arith.constant 0 : i32
      %dma_wait3A_54 = tpu.memref_slice %arg5[%arg0, %add3A_44, %dma_wait3A] : memref<2x10240x128xf32, #tpu.memory_space<hbm>> -> memref<1x128x128xf32, #tpu.memory_space<hbm>>
      %dma_wait3A_55 = tpu.memref_squeeze %dma_wait3A_54 : memref<1x128x128xf32, #tpu.memory_space<hbm>> -> memref<128x128xf32, #tpu.memory_space<hbm>>
      %dma_wait3A_56 = arith.constant 0 : i32
      %dma_wait3A_57 = tpu.memref_slice %arg5[%arg0, %add3A_44, %dma_wait3A_56] : memref<2x10240x128xf32, #tpu.memory_space<hbm>> -> memref<1x128x128xf32, #tpu.memory_space<hbm>>
      %dma_wait3A_58 = tpu.memref_squeeze %dma_wait3A_57 : memref<1x128x128xf32, #tpu.memory_space<hbm>> -> memref<128x128xf32, #tpu.memory_space<hbm>>
      tpu.wait_dma2 semaphore(%run_scoped3A : memref<!tpu.dma_semaphore, #tpu.memory_space<semaphore_mem>>) src(%arg8 : memref<128x128xf32, #tpu.memory_space<vmem>>) dst(%dma_wait3A_58 : memref<128x128xf32, #tpu.memory_space<hbm>>)
      tpu.yield
    }) : () -> ()
    %add3A_45 = arith.constant 512 : i32
    %add3A_46 = arith.addi %mul3A_28, %add3A_45 : i32
    "tpu.region"() ({
      %run_scoped3A = tpu.sem_alloc : memref<!tpu.dma_semaphore, #tpu.memory_space<semaphore_mem>>
      %dma_start3A = arith.constant 0 : i32
      %dma_start3A_49 = tpu.memref_slice %arg9[%add3A_46, %dma_start3A] : memref<10240x128xf32, #tpu.memory_space<vmem_shared>> -> memref<128x128xf32, #tpu.memory_space<vmem_shared>>
      %dma_start3A_50 = arith.constant 0 : i32
      %dma_start3A_51 = tpu.memref_slice %arg9[%add3A_46, %dma_start3A_50] : memref<10240x128xf32, #tpu.memory_space<vmem_shared>> -> memref<128x128xf32, #tpu.memory_space<vmem_shared>>
      tpu.enqueue_dma source(%dma_start3A_51 : memref<128x128xf32, #tpu.memory_space<vmem_shared>>) target(%arg8 : memref<128x128xf32, #tpu.memory_space<vmem>>) target_semaphore(%run_scoped3A : memref<!tpu.dma_semaphore, #tpu.memory_space<semaphore_mem>>)
      %dma_wait3A = arith.constant 0 : i32
      %dma_wait3A_52 = tpu.memref_slice %arg9[%add3A_46, %dma_wait3A] : memref<10240x128xf32, #tpu.memory_space<vmem_shared>> -> memref<128x128xf32, #tpu.memory_space<vmem_shared>>
      %dma_wait3A_53 = arith.constant 0 : i32
      %dma_wait3A_54 = tpu.memref_slice %arg9[%add3A_46, %dma_wait3A_53] : memref<10240x128xf32, #tpu.memory_space<vmem_shared>> -> memref<128x128xf32, #tpu.memory_space<vmem_shared>>
      tpu.wait_dma2 semaphore(%run_scoped3A : memref<!tpu.dma_semaphore, #tpu.memory_space<semaphore_mem>>) src(%dma_wait3A_54 : memref<128x128xf32, #tpu.memory_space<vmem_shared>>) dst(%arg8 : memref<128x128xf32, #tpu.memory_space<vmem>>)
      tpu.yield
    }) : () -> ()
    %add3A_47 = arith.constant 512 : i32
    %add3A_48 = arith.addi %mul3A_28, %add3A_47 : i32
    "tpu.region"() ({
      %run_scoped3A = tpu.sem_alloc : memref<!tpu.dma_semaphore, #tpu.memory_space<semaphore_mem>>
      %dma_start3A = arith.constant 0 : i32
      %dma_start3A_49 = tpu.memref_slice %arg5[%arg0, %add3A_48, %dma_start3A] : memref<2x10240x128xf32, #tpu.memory_space<hbm>> -> memref<1x128x128xf32, #tpu.memory_space<hbm>>
      %dma_start3A_50 = tpu.memref_squeeze %dma_start3A_49 : memref<1x128x128xf32, #tpu.memory_space<hbm>> -> memref<128x128xf32, #tpu.memory_space<hbm>>
      %dma_start3A_51 = arith.constant 0 : i32
      %dma_start3A_52 = tpu.memref_slice %arg5[%arg0, %add3A_48, %dma_start3A_51] : memref<2x10240x128xf32, #tpu.memory_space<hbm>> -> memref<1x128x128xf32, #tpu.memory_space<hbm>>
      %dma_start3A_53 = tpu.memref_squeeze %dma_start3A_52 : memref<1x128x128xf32, #tpu.memory_space<hbm>> -> memref<128x128xf32, #tpu.memory_space<hbm>>
      tpu.enqueue_dma source(%arg8 : memref<128x128xf32, #tpu.memory_space<vmem>>) target(%dma_start3A_53 : memref<128x128xf32, #tpu.memory_space<hbm>>) target_semaphore(%run_scoped3A : memref<!tpu.dma_semaphore, #tpu.memory_space<semaphore_mem>>)
      %dma_wait3A = arith.constant 0 : i32
      %dma_wait3A_54 = tpu.memref_slice %arg5[%arg0, %add3A_48, %dma_wait3A] : memref<2x10240x128xf32, #tpu.memory_space<hbm>> -> memref<1x128x128xf32, #tpu.memory_space<hbm>>
      %dma_wait3A_55 = tpu.memref_squeeze %dma_wait3A_54 : memref<1x128x128xf32, #tpu.memory_space<hbm>> -> memref<128x128xf32, #tpu.memory_space<hbm>>
      %dma_wait3A_56 = arith.constant 0 : i32
      %dma_wait3A_57 = tpu.memref_slice %arg5[%arg0, %add3A_48, %dma_wait3A_56] : memref<2x10240x128xf32, #tpu.memory_space<hbm>> -> memref<1x128x128xf32, #tpu.memory_space<hbm>>
      %dma_wait3A_58 = tpu.memref_squeeze %dma_wait3A_57 : memref<1x128x128xf32, #tpu.memory_space<hbm>> -> memref<128x128xf32, #tpu.memory_space<hbm>>
      tpu.wait_dma2 semaphore(%run_scoped3A : memref<!tpu.dma_semaphore, #tpu.memory_space<semaphore_mem>>) src(%arg8 : memref<128x128xf32, #tpu.memory_space<vmem>>) dst(%dma_wait3A_58 : memref<128x128xf32, #tpu.memory_space<hbm>>)
      tpu.yield
    }) : () -> ()
    return
  }
}

#map = affine_map<(d0, d1) -> (0, 0)>
#map1 = affine_map<(d0, d1) -> (0, 0, 0)>
module attributes {stable_mosaic.version = 14 : i64} {
  func.func @_sc_neighbor_sum_impl(%arg0: i32, %arg1: i32, %arg2: memref<10000x128xf32, #tpu.memory_space<hbm>>, %arg3: memref<32x79x128xi32, #tpu.memory_space<hbm>>, %arg4: memref<32x79x128xi32, #tpu.memory_space<hbm>>, %arg5: memref<2x10240x128xf32, #tpu.memory_space<hbm>>, %arg6: memref<79x128xi32, #tpu.memory_space<vmem>>, %arg7: memref<79x128xi32, #tpu.memory_space<vmem>>, %arg8: memref<128x128xf32, #tpu.memory_space<vmem>>, %arg9: memref<10240x128xf32, #tpu.memory_space<vmem_shared>>, %arg10: memref<!tpu.dma_semaphore, #tpu.memory_space<semaphore_mem>>) attributes {dimension_semantics = [#tpu.dimension_semantics<core_parallel>, #tpu.dimension_semantics<subcore_parallel>], iteration_bounds = array<i64: 2, 16>, scalar_prefetch = 0 : i64, scratch_operands = 5 : i64, tpu.core_type = #tpu.core_type<sc_vector_subcore>, window_params = [{transform_indices = #map}, {transform_indices = #map1}, {transform_indices = #map1}, {transform_indices = #map1}]} {
    %scan3A = arith.constant 0 : i32
    %scan3A_0 = arith.constant 0 : i32
    %scan3A_1 = arith.constant 1024 : i32
    %scan3A_2 = arith.addi %scan3A_0, %scan3A_1 : i32
    %scan3A_3 = arith.constant 1 : i32
    %scan3A_4 = scf.for %scan3A_49 = %scan3A_0 to %scan3A_2 step %scan3A_3 iter_args(%scan3A_50 = %scan3A) -> (i32)  : i32 {
      %jit3A = arith.constant 8 : i32
      %div3A = arith.divsi %scan3A_49, %jit3A : i32
      %sign3A = arith.constant 0 : i32
      %sign3A_51 = arith.cmpi sgt, %scan3A_49, %sign3A : i32
      %sign3A_52 = arith.extui %sign3A_51 : i1 to i32
      %sign3A_53 = arith.constant 0 : i32
      %sign3A_54 = arith.cmpi slt, %scan3A_49, %sign3A_53 : i32
      %sign3A_55 = arith.extui %sign3A_54 : i1 to i32
      %sign3A_56 = arith.subi %sign3A_52, %sign3A_55 : i32
      %sign3A_57 = arith.constant 0 : i32
      %sign3A_58 = arith.cmpi sgt, %jit3A, %sign3A_57 : i32
      %sign3A_59 = arith.extui %sign3A_58 : i1 to i32
      %sign3A_60 = arith.constant 0 : i32
      %sign3A_61 = arith.cmpi slt, %jit3A, %sign3A_60 : i32
      %sign3A_62 = arith.extui %sign3A_61 : i1 to i32
      %sign3A_63 = arith.subi %sign3A_59, %sign3A_62 : i32
      %ne3A = arith.cmpi ne, %sign3A_56, %sign3A_63 : i32
      %rem3A = arith.remsi %scan3A_49, %jit3A : i32
      %ne3A_64 = arith.constant 0 : i32
      %ne3A_65 = arith.cmpi ne, %rem3A, %ne3A_64 : i32
      %and3A = arith.andi %ne3A, %ne3A_65 : i1
      %sub3A = arith.constant 1 : i32
      %sub3A_66 = arith.subi %div3A, %sub3A : i32
      %select_n3A = arith.select %and3A, %sub3A_66, %div3A : i32
      %rem3A_67 = arith.constant 8 : i32
      %rem3A_68 = arith.remsi %scan3A_49, %rem3A_67 : i32
      %mul3A_69 = arith.constant 16 : i32
      %mul3A_70 = arith.muli %rem3A_68, %mul3A_69 : i32
      %broadcast_in_dim3A = arith.constant 0.000000e+00 : f32
      %broadcast_in_dim3A_71 = vector.broadcast %broadcast_in_dim3A : f32 to vector<16xf32>
      %swap3A = arith.index_cast %select_n3A : i32 to index
      %swap3A_72 = arith.index_cast %mul3A_70 : i32 to index
      %swap3A_73 = tpu.vector_load %arg8[%swap3A, %swap3A_72] {strides = array<i32>} : memref<128x128xf32, #tpu.memory_space<vmem>>, vector<1x16xf32>,
      %swap3A_74 = vector.shape_cast %swap3A_73 : vector<1x16xf32> to vector<16xf32>
      %swap3A_75 = vector.shape_cast %broadcast_in_dim3A_71 : vector<16xf32> to vector<1x16xf32>
      tpu.vector_store %arg8[%swap3A, %swap3A_72], %swap3A_75 {strides = array<i32>} : memref<128x128xf32, #tpu.memory_space<vmem>>, vector<1x16xf32>,
      %scan3A_76 = arith.constant 0 : i32
      scf.yield %scan3A_76 : i32
    }
    %scan3A_5 = arith.constant 1024 : i32
    %mul3A = arith.constant 640 : i32
    %mul3A_6 = arith.muli %arg1, %mul3A : i32
    %add3A = arith.constant 0 : i32
    %add3A_7 = arith.addi %mul3A_6, %add3A : i32
    "tpu.region"() ({
      %run_scoped3A = tpu.sem_alloc : memref<!tpu.dma_semaphore, #tpu.memory_space<semaphore_mem>>
      %dma_start3A = arith.constant 0 : i32
      %dma_start3A_49 = tpu.memref_slice %arg9[%add3A_7, %dma_start3A] : memref<10240x128xf32, #tpu.memory_space<vmem_shared>> -> memref<128x128xf32, #tpu.memory_space<vmem_shared>>
      %dma_start3A_50 = arith.constant 0 : i32
      %dma_start3A_51 = tpu.memref_slice %arg9[%add3A_7, %dma_start3A_50] : memref<10240x128xf32, #tpu.memory_space<vmem_shared>> -> memref<128x128xf32, #tpu.memory_space<vmem_shared>>
      tpu.enqueue_dma source(%arg8 : memref<128x128xf32, #tpu.memory_space<vmem>>) target(%dma_start3A_51 : memref<128x128xf32, #tpu.memory_space<vmem_shared>>) target_semaphore(%run_scoped3A : memref<!tpu.dma_semaphore, #tpu.memory_space<semaphore_mem>>)
      %dma_wait3A = arith.constant 0 : i32
      %dma_wait3A_52 = tpu.memref_slice %arg9[%add3A_7, %dma_wait3A] : memref<10240x128xf32, #tpu.memory_space<vmem_shared>> -> memref<128x128xf32, #tpu.memory_space<vmem_shared>>
      %dma_wait3A_53 = arith.constant 0 : i32
      %dma_wait3A_54 = tpu.memref_slice %arg9[%add3A_7, %dma_wait3A_53] : memref<10240x128xf32, #tpu.memory_space<vmem_shared>> -> memref<128x128xf32, #tpu.memory_space<vmem_shared>>
      tpu.wait_dma2 semaphore(%run_scoped3A : memref<!tpu.dma_semaphore, #tpu.memory_space<semaphore_mem>>) src(%arg8 : memref<128x128xf32, #tpu.memory_space<vmem>>) dst(%dma_wait3A_54 : memref<128x128xf32, #tpu.memory_space<vmem_shared>>)
      tpu.yield
    }) : () -> ()
    %add3A_8 = arith.constant 128 : i32
    %add3A_9 = arith.addi %mul3A_6, %add3A_8 : i32
    "tpu.region"() ({
      %run_scoped3A = tpu.sem_alloc : memref<!tpu.dma_semaphore, #tpu.memory_space<semaphore_mem>>
      %dma_start3A = arith.constant 0 : i32
      %dma_start3A_49 = tpu.memref_slice %arg9[%add3A_9, %dma_start3A] : memref<10240x128xf32, #tpu.memory_space<vmem_shared>> -> memref<128x128xf32, #tpu.memory_space<vmem_shared>>
      %dma_start3A_50 = arith.constant 0 : i32
      %dma_start3A_51 = tpu.memref_slice %arg9[%add3A_9, %dma_start3A_50] : memref<10240x128xf32, #tpu.memory_space<vmem_shared>> -> memref<128x128xf32, #tpu.memory_space<vmem_shared>>
      tpu.enqueue_dma source(%arg8 : memref<128x128xf32, #tpu.memory_space<vmem>>) target(%dma_start3A_51 : memref<128x128xf32, #tpu.memory_space<vmem_shared>>) target_semaphore(%run_scoped3A : memref<!tpu.dma_semaphore, #tpu.memory_space<semaphore_mem>>)
      %dma_wait3A = arith.constant 0 : i32
      %dma_wait3A_52 = tpu.memref_slice %arg9[%add3A_9, %dma_wait3A] : memref<10240x128xf32, #tpu.memory_space<vmem_shared>> -> memref<128x128xf32, #tpu.memory_space<vmem_shared>>
      %dma_wait3A_53 = arith.constant 0 : i32
      %dma_wait3A_54 = tpu.memref_slice %arg9[%add3A_9, %dma_wait3A_53] : memref<10240x128xf32, #tpu.memory_space<vmem_shared>> -> memref<128x128xf32, #tpu.memory_space<vmem_shared>>
      tpu.wait_dma2 semaphore(%run_scoped3A : memref<!tpu.dma_semaphore, #tpu.memory_space<semaphore_mem>>) src(%arg8 : memref<128x128xf32, #tpu.memory_space<vmem>>) dst(%dma_wait3A_54 : memref<128x128xf32, #tpu.memory_space<vmem_shared>>)
      tpu.yield
    }) : () -> ()
    %add3A_10 = arith.constant 256 : i32
    %add3A_11 = arith.addi %mul3A_6, %add3A_10 : i32
    "tpu.region"() ({
      %run_scoped3A = tpu.sem_alloc : memref<!tpu.dma_semaphore, #tpu.memory_space<semaphore_mem>>
      %dma_start3A = arith.constant 0 : i32
      %dma_start3A_49 = tpu.memref_slice %arg9[%add3A_11, %dma_start3A] : memref<10240x128xf32, #tpu.memory_space<vmem_shared>> -> memref<128x128xf32, #tpu.memory_space<vmem_shared>>
      %dma_start3A_50 = arith.constant 0 : i32
      %dma_start3A_51 = tpu.memref_slice %arg9[%add3A_11, %dma_start3A_50] : memref<10240x128xf32, #tpu.memory_space<vmem_shared>> -> memref<128x128xf32, #tpu.memory_space<vmem_shared>>
      tpu.enqueue_dma source(%arg8 : memref<128x128xf32, #tpu.memory_space<vmem>>) target(%dma_start3A_51 : memref<128x128xf32, #tpu.memory_space<vmem_shared>>) target_semaphore(%run_scoped3A : memref<!tpu.dma_semaphore, #tpu.memory_space<semaphore_mem>>)
      %dma_wait3A = arith.constant 0 : i32
      %dma_wait3A_52 = tpu.memref_slice %arg9[%add3A_11, %dma_wait3A] : memref<10240x128xf32, #tpu.memory_space<vmem_shared>> -> memref<128x128xf32, #tpu.memory_space<vmem_shared>>
      %dma_wait3A_53 = arith.constant 0 : i32
      %dma_wait3A_54 = tpu.memref_slice %arg9[%add3A_11, %dma_wait3A_53] : memref<10240x128xf32, #tpu.memory_space<vmem_shared>> -> memref<128x128xf32, #tpu.memory_space<vmem_shared>>
      tpu.wait_dma2 semaphore(%run_scoped3A : memref<!tpu.dma_semaphore, #tpu.memory_space<semaphore_mem>>) src(%arg8 : memref<128x128xf32, #tpu.memory_space<vmem>>) dst(%dma_wait3A_54 : memref<128x128xf32, #tpu.memory_space<vmem_shared>>)
      tpu.yield
    }) : () -> ()
    %add3A_12 = arith.constant 384 : i32
    %add3A_13 = arith.addi %mul3A_6, %add3A_12 : i32
    "tpu.region"() ({
      %run_scoped3A = tpu.sem_alloc : memref<!tpu.dma_semaphore, #tpu.memory_space<semaphore_mem>>
      %dma_start3A = arith.constant 0 : i32
      %dma_start3A_49 = tpu.memref_slice %arg9[%add3A_13, %dma_start3A] : memref<10240x128xf32, #tpu.memory_space<vmem_shared>> -> memref<128x128xf32, #tpu.memory_space<vmem_shared>>
      %dma_start3A_50 = arith.constant 0 : i32
      %dma_start3A_51 = tpu.memref_slice %arg9[%add3A_13, %dma_start3A_50] : memref<10240x128xf32, #tpu.memory_space<vmem_shared>> -> memref<128x128xf32, #tpu.memory_space<vmem_shared>>
      tpu.enqueue_dma source(%arg8 : memref<128x128xf32, #tpu.memory_space<vmem>>) target(%dma_start3A_51 : memref<128x128xf32, #tpu.memory_space<vmem_shared>>) target_semaphore(%run_scoped3A : memref<!tpu.dma_semaphore, #tpu.memory_space<semaphore_mem>>)
      %dma_wait3A = arith.constant 0 : i32
      %dma_wait3A_52 = tpu.memref_slice %arg9[%add3A_13, %dma_wait3A] : memref<10240x128xf32, #tpu.memory_space<vmem_shared>> -> memref<128x128xf32, #tpu.memory_space<vmem_shared>>
      %dma_wait3A_53 = arith.constant 0 : i32
      %dma_wait3A_54 = tpu.memref_slice %arg9[%add3A_13, %dma_wait3A_53] : memref<10240x128xf32, #tpu.memory_space<vmem_shared>> -> memref<128x128xf32, #tpu.memory_space<vmem_shared>>
      tpu.wait_dma2 semaphore(%run_scoped3A : memref<!tpu.dma_semaphore, #tpu.memory_space<semaphore_mem>>) src(%arg8 : memref<128x128xf32, #tpu.memory_space<vmem>>) dst(%dma_wait3A_54 : memref<128x128xf32, #tpu.memory_space<vmem_shared>>)
      tpu.yield
    }) : () -> ()
    %add3A_14 = arith.constant 512 : i32
    %add3A_15 = arith.addi %mul3A_6, %add3A_14 : i32
    "tpu.region"() ({
      %run_scoped3A = tpu.sem_alloc : memref<!tpu.dma_semaphore, #tpu.memory_space<semaphore_mem>>
      %dma_start3A = arith.constant 0 : i32
      %dma_start3A_49 = tpu.memref_slice %arg9[%add3A_15, %dma_start3A] : memref<10240x128xf32, #tpu.memory_space<vmem_shared>> -> memref<128x128xf32, #tpu.memory_space<vmem_shared>>
      %dma_start3A_50 = arith.constant 0 : i32
      %dma_start3A_51 = tpu.memref_slice %arg9[%add3A_15, %dma_start3A_50] : memref<10240x128xf32, #tpu.memory_space<vmem_shared>> -> memref<128x128xf32, #tpu.memory_space<vmem_shared>>
      tpu.enqueue_dma source(%arg8 : memref<128x128xf32, #tpu.memory_space<vmem>>) target(%dma_start3A_51 : memref<128x128xf32, #tpu.memory_space<vmem_shared>>) target_semaphore(%run_scoped3A : memref<!tpu.dma_semaphore, #tpu.memory_space<semaphore_mem>>)
      %dma_wait3A = arith.constant 0 : i32
      %dma_wait3A_52 = tpu.memref_slice %arg9[%add3A_15, %dma_wait3A] : memref<10240x128xf32, #tpu.memory_space<vmem_shared>> -> memref<128x128xf32, #tpu.memory_space<vmem_shared>>
      %dma_wait3A_53 = arith.constant 0 : i32
      %dma_wait3A_54 = tpu.memref_slice %arg9[%add3A_15, %dma_wait3A_53] : memref<10240x128xf32, #tpu.memory_space<vmem_shared>> -> memref<128x128xf32, #tpu.memory_space<vmem_shared>>
      tpu.wait_dma2 semaphore(%run_scoped3A : memref<!tpu.dma_semaphore, #tpu.memory_space<semaphore_mem>>) src(%arg8 : memref<128x128xf32, #tpu.memory_space<vmem>>) dst(%dma_wait3A_54 : memref<128x128xf32, #tpu.memory_space<vmem_shared>>)
      tpu.yield
    }) : () -> ()
    %barrier3A = arith.constant 0 : index
    tpu.barrier barrier_id(%barrier3A)
    %mul3A_16 = arith.constant 2 : i32
    %mul3A_17 = arith.muli %arg1, %mul3A_16 : i32
    %add3A_18 = arith.addi %mul3A_17, %arg0 : i32
    "tpu.region"() ({
      %run_scoped3A = tpu.sem_alloc : memref<!tpu.dma_semaphore, #tpu.memory_space<semaphore_mem>>
      %dma_start3A = arith.constant 0 : i32
      %dma_start3A_49 = arith.constant 0 : i32
      %dma_start3A_50 = tpu.memref_slice %arg3[%add3A_18, %dma_start3A, %dma_start3A_49] : memref<32x79x128xi32, #tpu.memory_space<hbm>> -> memref<1x79x128xi32, #tpu.memory_space<hbm>>
      %dma_start3A_51 = tpu.memref_squeeze %dma_start3A_50 : memref<1x79x128xi32, #tpu.memory_space<hbm>> -> memref<79x128xi32, #tpu.memory_space<hbm>>
      %dma_start3A_52 = arith.constant 0 : i32
      %dma_start3A_53 = arith.constant 0 : i32
      %dma_start3A_54 = tpu.memref_slice %arg3[%add3A_18, %dma_start3A_52, %dma_start3A_53] : memref<32x79x128xi32, #tpu.memory_space<hbm>> -> memref<1x79x128xi32, #tpu.memory_space<hbm>>
      %dma_start3A_55 = tpu.memref_squeeze %dma_start3A_54 : memref<1x79x128xi32, #tpu.memory_space<hbm>> -> memref<79x128xi32, #tpu.memory_space<hbm>>
      tpu.enqueue_dma source(%dma_start3A_55 : memref<79x128xi32, #tpu.memory_space<hbm>>) target(%arg6 : memref<79x128xi32, #tpu.memory_space<vmem>>) target_semaphore(%run_scoped3A : memref<!tpu.dma_semaphore, #tpu.memory_space<semaphore_mem>>)
      %dma_wait3A = arith.constant 0 : i32
      %dma_wait3A_56 = arith.constant 0 : i32
      %dma_wait3A_57 = tpu.memref_slice %arg3[%add3A_18, %dma_wait3A, %dma_wait3A_56] : memref<32x79x128xi32, #tpu.memory_space<hbm>> -> memref<1x79x128xi32, #tpu.memory_space<hbm>>
      %dma_wait3A_58 = tpu.memref_squeeze %dma_wait3A_57 : memref<1x79x128xi32, #tpu.memory_space<hbm>> -> memref<79x128xi32, #tpu.memory_space<hbm>>
      %dma_wait3A_59 = arith.constant 0 : i32
      %dma_wait3A_60 = arith.constant 0 : i32
      %dma_wait3A_61 = tpu.memref_slice %arg3[%add3A_18, %dma_wait3A_59, %dma_wait3A_60] : memref<32x79x128xi32, #tpu.memory_space<hbm>> -> memref<1x79x128xi32, #tpu.memory_space<hbm>>
      %dma_wait3A_62 = tpu.memref_squeeze %dma_wait3A_61 : memref<1x79x128xi32, #tpu.memory_space<hbm>> -> memref<79x128xi32, #tpu.memory_space<hbm>>
      tpu.wait_dma2 semaphore(%run_scoped3A : memref<!tpu.dma_semaphore, #tpu.memory_space<semaphore_mem>>) src(%dma_wait3A_62 : memref<79x128xi32, #tpu.memory_space<hbm>>) dst(%arg6 : memref<79x128xi32, #tpu.memory_space<vmem>>)
      tpu.yield
    }) : () -> ()
    "tpu.region"() ({
      %run_scoped3A = tpu.sem_alloc : memref<!tpu.dma_semaphore, #tpu.memory_space<semaphore_mem>>
      %dma_start3A = arith.constant 0 : i32
      %dma_start3A_49 = arith.constant 0 : i32
      %dma_start3A_50 = tpu.memref_slice %arg4[%add3A_18, %dma_start3A, %dma_start3A_49] : memref<32x79x128xi32, #tpu.memory_space<hbm>> -> memref<1x79x128xi32, #tpu.memory_space<hbm>>
      %dma_start3A_51 = tpu.memref_squeeze %dma_start3A_50 : memref<1x79x128xi32, #tpu.memory_space<hbm>> -> memref<79x128xi32, #tpu.memory_space<hbm>>
      %dma_start3A_52 = arith.constant 0 : i32
      %dma_start3A_53 = arith.constant 0 : i32
      %dma_start3A_54 = tpu.memref_slice %arg4[%add3A_18, %dma_start3A_52, %dma_start3A_53] : memref<32x79x128xi32, #tpu.memory_space<hbm>> -> memref<1x79x128xi32, #tpu.memory_space<hbm>>
      %dma_start3A_55 = tpu.memref_squeeze %dma_start3A_54 : memref<1x79x128xi32, #tpu.memory_space<hbm>> -> memref<79x128xi32, #tpu.memory_space<hbm>>
      tpu.enqueue_dma source(%dma_start3A_55 : memref<79x128xi32, #tpu.memory_space<hbm>>) target(%arg7 : memref<79x128xi32, #tpu.memory_space<vmem>>) target_semaphore(%run_scoped3A : memref<!tpu.dma_semaphore, #tpu.memory_space<semaphore_mem>>)
      %dma_wait3A = arith.constant 0 : i32
      %dma_wait3A_56 = arith.constant 0 : i32
      %dma_wait3A_57 = tpu.memref_slice %arg4[%add3A_18, %dma_wait3A, %dma_wait3A_56] : memref<32x79x128xi32, #tpu.memory_space<hbm>> -> memref<1x79x128xi32, #tpu.memory_space<hbm>>
      %dma_wait3A_58 = tpu.memref_squeeze %dma_wait3A_57 : memref<1x79x128xi32, #tpu.memory_space<hbm>> -> memref<79x128xi32, #tpu.memory_space<hbm>>
      %dma_wait3A_59 = arith.constant 0 : i32
      %dma_wait3A_60 = arith.constant 0 : i32
      %dma_wait3A_61 = tpu.memref_slice %arg4[%add3A_18, %dma_wait3A_59, %dma_wait3A_60] : memref<32x79x128xi32, #tpu.memory_space<hbm>> -> memref<1x79x128xi32, #tpu.memory_space<hbm>>
      %dma_wait3A_62 = tpu.memref_squeeze %dma_wait3A_61 : memref<1x79x128xi32, #tpu.memory_space<hbm>> -> memref<79x128xi32, #tpu.memory_space<hbm>>
      tpu.wait_dma2 semaphore(%run_scoped3A : memref<!tpu.dma_semaphore, #tpu.memory_space<semaphore_mem>>) src(%dma_wait3A_62 : memref<79x128xi32, #tpu.memory_space<hbm>>) dst(%arg7 : memref<79x128xi32, #tpu.memory_space<vmem>>)
      tpu.yield
    }) : () -> ()
    %scan3A_19 = arith.constant 0 : i32
    %scan3A_20 = arith.constant 0 : i32
    %scan3A_21 = arith.constant 79 : i32
    %scan3A_22 = arith.addi %scan3A_20, %scan3A_21 : i32
    %scan3A_23 = arith.constant 1 : i32
    %scan3A_24 = scf.for %scan3A_49 = %scan3A_20 to %scan3A_22 step %scan3A_23 iter_args(%scan3A_50 = %scan3A_19) -> (i32)  : i32 {
      %dma_start3A = arith.constant 0 : i32
      %dma_start3A_51 = tpu.memref_slice %arg6[%scan3A_49, %dma_start3A] : memref<79x128xi32, #tpu.memory_space<vmem>> -> memref<1x128xi32, #tpu.memory_space<vmem>>
      %dma_start3A_52 = tpu.memref_squeeze %dma_start3A_51 : memref<1x128xi32, #tpu.memory_space<vmem>> -> memref<128xi32, #tpu.memory_space<vmem>>
      %dma_start3A_53 = arith.constant 0 : i32
      %dma_start3A_54 = arith.constant 0 : i32
      %dma_start3A_55 = tpu.memref_slice %arg2[%dma_start3A_53, %dma_start3A_54] : memref<10000x128xf32, #tpu.memory_space<hbm>> -> memref<10000x128xf32, #tpu.memory_space<hbm>>
      tpu.enqueue_indirect_dma source(%dma_start3A_55 : memref<10000x128xf32, #tpu.memory_space<hbm>>) target(%arg8 : memref<128x128xf32, #tpu.memory_space<vmem>>) offsets(%dma_start3A_52 : memref<128xi32, #tpu.memory_space<vmem>>) semaphore(%arg10 : memref<!tpu.dma_semaphore, #tpu.memory_space<semaphore_mem>>)
      %dma_wait3A = arith.constant 0 : i32
      %dma_wait3A_56 = tpu.memref_slice %arg6[%scan3A_49, %dma_wait3A] : memref<79x128xi32, #tpu.memory_space<vmem>> -> memref<1x128xi32, #tpu.memory_space<vmem>>
      %dma_wait3A_57 = tpu.memref_squeeze %dma_wait3A_56 : memref<1x128xi32, #tpu.memory_space<vmem>> -> memref<128xi32, #tpu.memory_space<vmem>>
      %dma_wait3A_58 = arith.constant 0 : i32
      %dma_wait3A_59 = arith.constant 0 : i32
      %dma_wait3A_60 = tpu.memref_slice %arg2[%dma_wait3A_58, %dma_wait3A_59] : memref<10000x128xf32, #tpu.memory_space<hbm>> -> memref<10000x128xf32, #tpu.memory_space<hbm>>
      tpu.wait_indirect_dma semaphore(%arg10 : memref<!tpu.dma_semaphore, #tpu.memory_space<semaphore_mem>>) src(%dma_wait3A_60 : memref<10000x128xf32, #tpu.memory_space<hbm>>) dst(%arg8 : memref<128x128xf32, #tpu.memory_space<vmem>>)
      "tpu.region"() ({
        %run_scoped3A = tpu.sem_alloc : memref<!tpu.dma_semaphore, #tpu.memory_space<semaphore_mem>>
        %dma_start3A_62 = arith.constant 0 : i32
        %dma_start3A_63 = tpu.memref_slice %arg7[%scan3A_49, %dma_start3A_62] : memref<79x128xi32, #tpu.memory_space<vmem>> -> memref<1x128xi32, #tpu.memory_space<vmem>>
        %dma_start3A_64 = tpu.memref_squeeze %dma_start3A_63 : memref<1x128xi32, #tpu.memory_space<vmem>> -> memref<128xi32, #tpu.memory_space<vmem>>
        %dma_start3A_65 = arith.constant 0 : i32
        %dma_start3A_66 = arith.constant 0 : i32
        %dma_start3A_67 = tpu.memref_slice %arg9[%dma_start3A_65, %dma_start3A_66] : memref<10240x128xf32, #tpu.memory_space<vmem_shared>> -> memref<10240x128xf32, #tpu.memory_space<vmem_shared>>
        tpu.enqueue_indirect_dma source(%arg8 : memref<128x128xf32, #tpu.memory_space<vmem>>) target(%dma_start3A_67 : memref<10240x128xf32, #tpu.memory_space<vmem_shared>>) offsets(%dma_start3A_64 : memref<128xi32, #tpu.memory_space<vmem>>) semaphore(%run_scoped3A : memref<!tpu.dma_semaphore, #tpu.memory_space<semaphore_mem>>) {add = true}
        %dma_wait3A_68 = arith.constant 0 : i32
        %dma_wait3A_69 = tpu.memref_slice %arg7[%scan3A_49, %dma_wait3A_68] : memref<79x128xi32, #tpu.memory_space<vmem>> -> memref<1x128xi32, #tpu.memory_space<vmem>>
        %dma_wait3A_70 = tpu.memref_squeeze %dma_wait3A_69 : memref<1x128xi32, #tpu.memory_space<vmem>> -> memref<128xi32, #tpu.memory_space<vmem>>
        %dma_wait3A_71 = arith.constant 0 : i32
        %dma_wait3A_72 = arith.constant 0 : i32
        %dma_wait3A_73 = tpu.memref_slice %arg9[%dma_wait3A_71, %dma_wait3A_72] : memref<10240x128xf32, #tpu.memory_space<vmem_shared>> -> memref<10240x128xf32, #tpu.memory_space<vmem_shared>>
        tpu.wait_indirect_dma semaphore(%run_scoped3A : memref<!tpu.dma_semaphore, #tpu.memory_space<semaphore_mem>>) src(%arg8 : memref<128x128xf32, #tpu.memory_space<vmem>>) dst(%dma_wait3A_73 : memref<10240x128xf32, #tpu.memory_space<vmem_shared>>)
        tpu.yield
      }) : () -> ()
      %scan3A_61 = arith.constant 0 : i32
      scf.yield %scan3A_61 : i32
    }
    %scan3A_25 = arith.constant 79 : i32
    %barrier3A_26 = arith.constant 0 : index
    tpu.barrier barrier_id(%barrier3A_26)
    %mul3A_27 = arith.constant 640 : i32
    %mul3A_28 = arith.muli %arg1, %mul3A_27 : i32
    %add3A_29 = arith.constant 0 : i32
    %add3A_30 = arith.addi %mul3A_28, %add3A_29 : i32
    "tpu.region"() ({
      %run_scoped3A = tpu.sem_alloc : memref<!tpu.dma_semaphore, #tpu.memory_space<semaphore_mem>>
      %dma_start3A = arith.constant 0 : i32
      %dma_start3A_49 = tpu.memref_slice %arg9[%add3A_30, %dma_start3A] : memref<10240x128xf32, #tpu.memory_space<vmem_shared>> -> memref<128x128xf32, #tpu.memory_space<vmem_shared>>
      %dma_start3A_50 = arith.constant 0 : i32
      %dma_start3A_51 = tpu.memref_slice %arg9[%add3A_30, %dma_start3A_50] : memref<10240x128xf32, #tpu.memory_space<vmem_shared>> -> memref<128x128xf32, #tpu.memory_space<vmem_shared>>
      tpu.enqueue_dma source(%dma_start3A_51 : memref<128x128xf32, #tpu.memory_space<vmem_shared>>) target(%arg8 : memref<128x128xf32, #tpu.memory_space<vmem>>) target_semaphore(%run_scoped3A : memref<!tpu.dma_semaphore, #tpu.memory_space<semaphore_mem>>)
      %dma_wait3A = arith.constant 0 : i32
      %dma_wait3A_52 = tpu.memref_slice %arg9[%add3A_30, %dma_wait3A] : memref<10240x128xf32, #tpu.memory_space<vmem_shared>> -> memref<128x128xf32, #tpu.memory_space<vmem_shared>>
      %dma_wait3A_53 = arith.constant 0 : i32
      %dma_wait3A_54 = tpu.memref_slice %arg9[%add3A_30, %dma_wait3A_53] : memref<10240x128xf32, #tpu.memory_space<vmem_shared>> -> memref<128x128xf32, #tpu.memory_space<vmem_shared>>
      tpu.wait_dma2 semaphore(%run_scoped3A : memref<!tpu.dma_semaphore, #tpu.memory_space<semaphore_mem>>) src(%dma_wait3A_54 : memref<128x128xf32, #tpu.memory_space<vmem_shared>>) dst(%arg8 : memref<128x128xf32, #tpu.memory_space<vmem>>)
      tpu.yield
    }) : () -> ()
    %add3A_31 = arith.constant 0 : i32
    %add3A_32 = arith.addi %mul3A_28, %add3A_31 : i32
    "tpu.region"() ({
      %run_scoped3A = tpu.sem_alloc : memref<!tpu.dma_semaphore, #tpu.memory_space<semaphore_mem>>
      %dma_start3A = arith.constant 0 : i32
      %dma_start3A_49 = tpu.memref_slice %arg5[%arg0, %add3A_32, %dma_start3A] : memref<2x10240x128xf32, #tpu.memory_space<hbm>> -> memref<1x128x128xf32, #tpu.memory_space<hbm>>
      %dma_start3A_50 = tpu.memref_squeeze %dma_start3A_49 : memref<1x128x128xf32, #tpu.memory_space<hbm>> -> memref<128x128xf32, #tpu.memory_space<hbm>>
      %dma_start3A_51 = arith.constant 0 : i32
      %dma_start3A_52 = tpu.memref_slice %arg5[%arg0, %add3A_32, %dma_start3A_51] : memref<2x10240x128xf32, #tpu.memory_space<hbm>> -> memref<1x128x128xf32, #tpu.memory_space<hbm>>
      %dma_start3A_53 = tpu.memref_squeeze %dma_start3A_52 : memref<1x128x128xf32, #tpu.memory_space<hbm>> -> memref<128x128xf32, #tpu.memory_space<hbm>>
      tpu.enqueue_dma source(%arg8 : memref<128x128xf32, #tpu.memory_space<vmem>>) target(%dma_start3A_53 : memref<128x128xf32, #tpu.memory_space<hbm>>) target_semaphore(%run_scoped3A : memref<!tpu.dma_semaphore, #tpu.memory_space<semaphore_mem>>)
      %dma_wait3A = arith.constant 0 : i32
      %dma_wait3A_54 = tpu.memref_slice %arg5[%arg0, %add3A_32, %dma_wait3A] : memref<2x10240x128xf32, #tpu.memory_space<hbm>> -> memref<1x128x128xf32, #tpu.memory_space<hbm>>
      %dma_wait3A_55 = tpu.memref_squeeze %dma_wait3A_54 : memref<1x128x128xf32, #tpu.memory_space<hbm>> -> memref<128x128xf32, #tpu.memory_space<hbm>>
      %dma_wait3A_56 = arith.constant 0 : i32
      %dma_wait3A_57 = tpu.memref_slice %arg5[%arg0, %add3A_32, %dma_wait3A_56] : memref<2x10240x128xf32, #tpu.memory_space<hbm>> -> memref<1x128x128xf32, #tpu.memory_space<hbm>>
      %dma_wait3A_58 = tpu.memref_squeeze %dma_wait3A_57 : memref<1x128x128xf32, #tpu.memory_space<hbm>> -> memref<128x128xf32, #tpu.memory_space<hbm>>
      tpu.wait_dma2 semaphore(%run_scoped3A : memref<!tpu.dma_semaphore, #tpu.memory_space<semaphore_mem>>) src(%arg8 : memref<128x128xf32, #tpu.memory_space<vmem>>) dst(%dma_wait3A_58 : memref<128x128xf32, #tpu.memory_space<hbm>>)
      tpu.yield
    }) : () -> ()
    %add3A_33 = arith.constant 128 : i32
    %add3A_34 = arith.addi %mul3A_28, %add3A_33 : i32
    "tpu.region"() ({
      %run_scoped3A = tpu.sem_alloc : memref<!tpu.dma_semaphore, #tpu.memory_space<semaphore_mem>>
      %dma_start3A = arith.constant 0 : i32
      %dma_start3A_49 = tpu.memref_slice %arg9[%add3A_34, %dma_start3A] : memref<10240x128xf32, #tpu.memory_space<vmem_shared>> -> memref<128x128xf32, #tpu.memory_space<vmem_shared>>
      %dma_start3A_50 = arith.constant 0 : i32
      %dma_start3A_51 = tpu.memref_slice %arg9[%add3A_34, %dma_start3A_50] : memref<10240x128xf32, #tpu.memory_space<vmem_shared>> -> memref<128x128xf32, #tpu.memory_space<vmem_shared>>
      tpu.enqueue_dma source(%dma_start3A_51 : memref<128x128xf32, #tpu.memory_space<vmem_shared>>) target(%arg8 : memref<128x128xf32, #tpu.memory_space<vmem>>) target_semaphore(%run_scoped3A : memref<!tpu.dma_semaphore, #tpu.memory_space<semaphore_mem>>)
      %dma_wait3A = arith.constant 0 : i32
      %dma_wait3A_52 = tpu.memref_slice %arg9[%add3A_34, %dma_wait3A] : memref<10240x128xf32, #tpu.memory_space<vmem_shared>> -> memref<128x128xf32, #tpu.memory_space<vmem_shared>>
      %dma_wait3A_53 = arith.constant 0 : i32
      %dma_wait3A_54 = tpu.memref_slice %arg9[%add3A_34, %dma_wait3A_53] : memref<10240x128xf32, #tpu.memory_space<vmem_shared>> -> memref<128x128xf32, #tpu.memory_space<vmem_shared>>
      tpu.wait_dma2 semaphore(%run_scoped3A : memref<!tpu.dma_semaphore, #tpu.memory_space<semaphore_mem>>) src(%dma_wait3A_54 : memref<128x128xf32, #tpu.memory_space<vmem_shared>>) dst(%arg8 : memref<128x128xf32, #tpu.memory_space<vmem>>)
      tpu.yield
    }) : () -> ()
    %add3A_35 = arith.constant 128 : i32
    %add3A_36 = arith.addi %mul3A_28, %add3A_35 : i32
    "tpu.region"() ({
      %run_scoped3A = tpu.sem_alloc : memref<!tpu.dma_semaphore, #tpu.memory_space<semaphore_mem>>
      %dma_start3A = arith.constant 0 : i32
      %dma_start3A_49 = tpu.memref_slice %arg5[%arg0, %add3A_36, %dma_start3A] : memref<2x10240x128xf32, #tpu.memory_space<hbm>> -> memref<1x128x128xf32, #tpu.memory_space<hbm>>
      %dma_start3A_50 = tpu.memref_squeeze %dma_start3A_49 : memref<1x128x128xf32, #tpu.memory_space<hbm>> -> memref<128x128xf32, #tpu.memory_space<hbm>>
      %dma_start3A_51 = arith.constant 0 : i32
      %dma_start3A_52 = tpu.memref_slice %arg5[%arg0, %add3A_36, %dma_start3A_51] : memref<2x10240x128xf32, #tpu.memory_space<hbm>> -> memref<1x128x128xf32, #tpu.memory_space<hbm>>
      %dma_start3A_53 = tpu.memref_squeeze %dma_start3A_52 : memref<1x128x128xf32, #tpu.memory_space<hbm>> -> memref<128x128xf32, #tpu.memory_space<hbm>>
      tpu.enqueue_dma source(%arg8 : memref<128x128xf32, #tpu.memory_space<vmem>>) target(%dma_start3A_53 : memref<128x128xf32, #tpu.memory_space<hbm>>) target_semaphore(%run_scoped3A : memref<!tpu.dma_semaphore, #tpu.memory_space<semaphore_mem>>)
      %dma_wait3A = arith.constant 0 : i32
      %dma_wait3A_54 = tpu.memref_slice %arg5[%arg0, %add3A_36, %dma_wait3A] : memref<2x10240x128xf32, #tpu.memory_space<hbm>> -> memref<1x128x128xf32, #tpu.memory_space<hbm>>
      %dma_wait3A_55 = tpu.memref_squeeze %dma_wait3A_54 : memref<1x128x128xf32, #tpu.memory_space<hbm>> -> memref<128x128xf32, #tpu.memory_space<hbm>>
      %dma_wait3A_56 = arith.constant 0 : i32
      %dma_wait3A_57 = tpu.memref_slice %arg5[%arg0, %add3A_36, %dma_wait3A_56] : memref<2x10240x128xf32, #tpu.memory_space<hbm>> -> memref<1x128x128xf32, #tpu.memory_space<hbm>>
      %dma_wait3A_58 = tpu.memref_squeeze %dma_wait3A_57 : memref<1x128x128xf32, #tpu.memory_space<hbm>> -> memref<128x128xf32, #tpu.memory_space<hbm>>
      tpu.wait_dma2 semaphore(%run_scoped3A : memref<!tpu.dma_semaphore, #tpu.memory_space<semaphore_mem>>) src(%arg8 : memref<128x128xf32, #tpu.memory_space<vmem>>) dst(%dma_wait3A_58 : memref<128x128xf32, #tpu.memory_space<hbm>>)
      tpu.yield
    }) : () -> ()
    %add3A_37 = arith.constant 256 : i32
    %add3A_38 = arith.addi %mul3A_28, %add3A_37 : i32
    "tpu.region"() ({
      %run_scoped3A = tpu.sem_alloc : memref<!tpu.dma_semaphore, #tpu.memory_space<semaphore_mem>>
      %dma_start3A = arith.constant 0 : i32
      %dma_start3A_49 = tpu.memref_slice %arg9[%add3A_38, %dma_start3A] : memref<10240x128xf32, #tpu.memory_space<vmem_shared>> -> memref<128x128xf32, #tpu.memory_space<vmem_shared>>
      %dma_start3A_50 = arith.constant 0 : i32
      %dma_start3A_51 = tpu.memref_slice %arg9[%add3A_38, %dma_start3A_50] : memref<10240x128xf32, #tpu.memory_space<vmem_shared>> -> memref<128x128xf32, #tpu.memory_space<vmem_shared>>
      tpu.enqueue_dma source(%dma_start3A_51 : memref<128x128xf32, #tpu.memory_space<vmem_shared>>) target(%arg8 : memref<128x128xf32, #tpu.memory_space<vmem>>) target_semaphore(%run_scoped3A : memref<!tpu.dma_semaphore, #tpu.memory_space<semaphore_mem>>)
      %dma_wait3A = arith.constant 0 : i32
      %dma_wait3A_52 = tpu.memref_slice %arg9[%add3A_38, %dma_wait3A] : memref<10240x128xf32, #tpu.memory_space<vmem_shared>> -> memref<128x128xf32, #tpu.memory_space<vmem_shared>>
      %dma_wait3A_53 = arith.constant 0 : i32
      %dma_wait3A_54 = tpu.memref_slice %arg9[%add3A_38, %dma_wait3A_53] : memref<10240x128xf32, #tpu.memory_space<vmem_shared>> -> memref<128x128xf32, #tpu.memory_space<vmem_shared>>
      tpu.wait_dma2 semaphore(%run_scoped3A : memref<!tpu.dma_semaphore, #tpu.memory_space<semaphore_mem>>) src(%dma_wait3A_54 : memref<128x128xf32, #tpu.memory_space<vmem_shared>>) dst(%arg8 : memref<128x128xf32, #tpu.memory_space<vmem>>)
      tpu.yield
    }) : () -> ()
    %add3A_39 = arith.constant 256 : i32
    %add3A_40 = arith.addi %mul3A_28, %add3A_39 : i32
    "tpu.region"() ({
      %run_scoped3A = tpu.sem_alloc : memref<!tpu.dma_semaphore, #tpu.memory_space<semaphore_mem>>
      %dma_start3A = arith.constant 0 : i32
      %dma_start3A_49 = tpu.memref_slice %arg5[%arg0, %add3A_40, %dma_start3A] : memref<2x10240x128xf32, #tpu.memory_space<hbm>> -> memref<1x128x128xf32, #tpu.memory_space<hbm>>
      %dma_start3A_50 = tpu.memref_squeeze %dma_start3A_49 : memref<1x128x128xf32, #tpu.memory_space<hbm>> -> memref<128x128xf32, #tpu.memory_space<hbm>>
      %dma_start3A_51 = arith.constant 0 : i32
      %dma_start3A_52 = tpu.memref_slice %arg5[%arg0, %add3A_40, %dma_start3A_51] : memref<2x10240x128xf32, #tpu.memory_space<hbm>> -> memref<1x128x128xf32, #tpu.memory_space<hbm>>
      %dma_start3A_53 = tpu.memref_squeeze %dma_start3A_52 : memref<1x128x128xf32, #tpu.memory_space<hbm>> -> memref<128x128xf32, #tpu.memory_space<hbm>>
      tpu.enqueue_dma source(%arg8 : memref<128x128xf32, #tpu.memory_space<vmem>>) target(%dma_start3A_53 : memref<128x128xf32, #tpu.memory_space<hbm>>) target_semaphore(%run_scoped3A : memref<!tpu.dma_semaphore, #tpu.memory_space<semaphore_mem>>)
      %dma_wait3A = arith.constant 0 : i32
      %dma_wait3A_54 = tpu.memref_slice %arg5[%arg0, %add3A_40, %dma_wait3A] : memref<2x10240x128xf32, #tpu.memory_space<hbm>> -> memref<1x128x128xf32, #tpu.memory_space<hbm>>
      %dma_wait3A_55 = tpu.memref_squeeze %dma_wait3A_54 : memref<1x128x128xf32, #tpu.memory_space<hbm>> -> memref<128x128xf32, #tpu.memory_space<hbm>>
      %dma_wait3A_56 = arith.constant 0 : i32
      %dma_wait3A_57 = tpu.memref_slice %arg5[%arg0, %add3A_40, %dma_wait3A_56] : memref<2x10240x128xf32, #tpu.memory_space<hbm>> -> memref<1x128x128xf32, #tpu.memory_space<hbm>>
      %dma_wait3A_58 = tpu.memref_squeeze %dma_wait3A_57 : memref<1x128x128xf32, #tpu.memory_space<hbm>> -> memref<128x128xf32, #tpu.memory_space<hbm>>
      tpu.wait_dma2 semaphore(%run_scoped3A : memref<!tpu.dma_semaphore, #tpu.memory_space<semaphore_mem>>) src(%arg8 : memref<128x128xf32, #tpu.memory_space<vmem>>) dst(%dma_wait3A_58 : memref<128x128xf32, #tpu.memory_space<hbm>>)
      tpu.yield
    }) : () -> ()
    %add3A_41 = arith.constant 384 : i32
    %add3A_42 = arith.addi %mul3A_28, %add3A_41 : i32
    "tpu.region"() ({
      %run_scoped3A = tpu.sem_alloc : memref<!tpu.dma_semaphore, #tpu.memory_space<semaphore_mem>>
      %dma_start3A = arith.constant 0 : i32
      %dma_start3A_49 = tpu.memref_slice %arg9[%add3A_42, %dma_start3A] : memref<10240x128xf32, #tpu.memory_space<vmem_shared>> -> memref<128x128xf32, #tpu.memory_space<vmem_shared>>
      %dma_start3A_50 = arith.constant 0 : i32
      %dma_start3A_51 = tpu.memref_slice %arg9[%add3A_42, %dma_start3A_50] : memref<10240x128xf32, #tpu.memory_space<vmem_shared>> -> memref<128x128xf32, #tpu.memory_space<vmem_shared>>
      tpu.enqueue_dma source(%dma_start3A_51 : memref<128x128xf32, #tpu.memory_space<vmem_shared>>) target(%arg8 : memref<128x128xf32, #tpu.memory_space<vmem>>) target_semaphore(%run_scoped3A : memref<!tpu.dma_semaphore, #tpu.memory_space<semaphore_mem>>)
      %dma_wait3A = arith.constant 0 : i32
      %dma_wait3A_52 = tpu.memref_slice %arg9[%add3A_42, %dma_wait3A] : memref<10240x128xf32, #tpu.memory_space<vmem_shared>> -> memref<128x128xf32, #tpu.memory_space<vmem_shared>>
      %dma_wait3A_53 = arith.constant 0 : i32
      %dma_wait3A_54 = tpu.memref_slice %arg9[%add3A_42, %dma_wait3A_53] : memref<10240x128xf32, #tpu.memory_space<vmem_shared>> -> memref<128x128xf32, #tpu.memory_space<vmem_shared>>
      tpu.wait_dma2 semaphore(%run_scoped3A : memref<!tpu.dma_semaphore, #tpu.memory_space<semaphore_mem>>) src(%dma_wait3A_54 : memref<128x128xf32, #tpu.memory_space<vmem_shared>>) dst(%arg8 : memref<128x128xf32, #tpu.memory_space<vmem>>)
      tpu.yield
    }) : () -> ()
    %add3A_43 = arith.constant 384 : i32
    %add3A_44 = arith.addi %mul3A_28, %add3A_43 : i32
    "tpu.region"() ({
      %run_scoped3A = tpu.sem_alloc : memref<!tpu.dma_semaphore, #tpu.memory_space<semaphore_mem>>
      %dma_start3A = arith.constant 0 : i32
      %dma_start3A_49 = tpu.memref_slice %arg5[%arg0, %add3A_44, %dma_start3A] : memref<2x10240x128xf32, #tpu.memory_space<hbm>> -> memref<1x128x128xf32, #tpu.memory_space<hbm>>
      %dma_start3A_50 = tpu.memref_squeeze %dma_start3A_49 : memref<1x128x128xf32, #tpu.memory_space<hbm>> -> memref<128x128xf32, #tpu.memory_space<hbm>>
      %dma_start3A_51 = arith.constant 0 : i32
      %dma_start3A_52 = tpu.memref_slice %arg5[%arg0, %add3A_44, %dma_start3A_51] : memref<2x10240x128xf32, #tpu.memory_space<hbm>> -> memref<1x128x128xf32, #tpu.memory_space<hbm>>
      %dma_start3A_53 = tpu.memref_squeeze %dma_start3A_52 : memref<1x128x128xf32, #tpu.memory_space<hbm>> -> memref<128x128xf32, #tpu.memory_space<hbm>>
      tpu.enqueue_dma source(%arg8 : memref<128x128xf32, #tpu.memory_space<vmem>>) target(%dma_start3A_53 : memref<128x128xf32, #tpu.memory_space<hbm>>) target_semaphore(%run_scoped3A : memref<!tpu.dma_semaphore, #tpu.memory_space<semaphore_mem>>)
      %dma_wait3A = arith.constant 0 : i32
      %dma_wait3A_54 = tpu.memref_slice %arg5[%arg0, %add3A_44, %dma_wait3A] : memref<2x10240x128xf32, #tpu.memory_space<hbm>> -> memref<1x128x128xf32, #tpu.memory_space<hbm>>
      %dma_wait3A_55 = tpu.memref_squeeze %dma_wait3A_54 : memref<1x128x128xf32, #tpu.memory_space<hbm>> -> memref<128x128xf32, #tpu.memory_space<hbm>>
      %dma_wait3A_56 = arith.constant 0 : i32
      %dma_wait3A_57 = tpu.memref_slice %arg5[%arg0, %add3A_44, %dma_wait3A_56] : memref<2x10240x128xf32, #tpu.memory_space<hbm>> -> memref<1x128x128xf32, #tpu.memory_space<hbm>>
      %dma_wait3A_58 = tpu.memref_squeeze %dma_wait3A_57 : memref<1x128x128xf32, #tpu.memory_space<hbm>> -> memref<128x128xf32, #tpu.memory_space<hbm>>
      tpu.wait_dma2 semaphore(%run_scoped3A : memref<!tpu.dma_semaphore, #tpu.memory_space<semaphore_mem>>) src(%arg8 : memref<128x128xf32, #tpu.memory_space<vmem>>) dst(%dma_wait3A_58 : memref<128x128xf32, #tpu.memory_space<hbm>>)
      tpu.yield
    }) : () -> ()
    %add3A_45 = arith.constant 512 : i32
    %add3A_46 = arith.addi %mul3A_28, %add3A_45 : i32
    "tpu.region"() ({
      %run_scoped3A = tpu.sem_alloc : memref<!tpu.dma_semaphore, #tpu.memory_space<semaphore_mem>>
      %dma_start3A = arith.constant 0 : i32
      %dma_start3A_49 = tpu.memref_slice %arg9[%add3A_46, %dma_start3A] : memref<10240x128xf32, #tpu.memory_space<vmem_shared>> -> memref<128x128xf32, #tpu.memory_space<vmem_shared>>
      %dma_start3A_50 = arith.constant 0 : i32
      %dma_start3A_51 = tpu.memref_slice %arg9[%add3A_46, %dma_start3A_50] : memref<10240x128xf32, #tpu.memory_space<vmem_shared>> -> memref<128x128xf32, #tpu.memory_space<vmem_shared>>
      tpu.enqueue_dma source(%dma_start3A_51 : memref<128x128xf32, #tpu.memory_space<vmem_shared>>) target(%arg8 : memref<128x128xf32, #tpu.memory_space<vmem>>) target_semaphore(%run_scoped3A : memref<!tpu.dma_semaphore, #tpu.memory_space<semaphore_mem>>)
      %dma_wait3A = arith.constant 0 : i32
      %dma_wait3A_52 = tpu.memref_slice %arg9[%add3A_46, %dma_wait3A] : memref<10240x128xf32, #tpu.memory_space<vmem_shared>> -> memref<128x128xf32, #tpu.memory_space<vmem_shared>>
      %dma_wait3A_53 = arith.constant 0 : i32
      %dma_wait3A_54 = tpu.memref_slice %arg9[%add3A_46, %dma_wait3A_53] : memref<10240x128xf32, #tpu.memory_space<vmem_shared>> -> memref<128x128xf32, #tpu.memory_space<vmem_shared>>
      tpu.wait_dma2 semaphore(%run_scoped3A : memref<!tpu.dma_semaphore, #tpu.memory_space<semaphore_mem>>) src(%dma_wait3A_54 : memref<128x128xf32, #tpu.memory_space<vmem_shared>>) dst(%arg8 : memref<128x128xf32, #tpu.memory_space<vmem>>)
      tpu.yield
    }) : () -> ()
    %add3A_47 = arith.constant 512 : i32
    %add3A_48 = arith.addi %mul3A_28, %add3A_47 : i32
    "tpu.region"() ({
      %run_scoped3A = tpu.sem_alloc : memref<!tpu.dma_semaphore, #tpu.memory_space<semaphore_mem>>
      %dma_start3A = arith.constant 0 : i32
      %dma_start3A_49 = tpu.memref_slice %arg5[%arg0, %add3A_48, %dma_start3A] : memref<2x10240x128xf32, #tpu.memory_space<hbm>> -> memref<1x128x128xf32, #tpu.memory_space<hbm>>
      %dma_start3A_50 = tpu.memref_squeeze %dma_start3A_49 : memref<1x128x128xf32, #tpu.memory_space<hbm>> -> memref<128x128xf32, #tpu.memory_space<hbm>>
      %dma_start3A_51 = arith.constant 0 : i32
      %dma_start3A_52 = tpu.memref_slice %arg5[%arg0, %add3A_48, %dma_start3A_51] : memref<2x10240x128xf32, #tpu.memory_space<hbm>> -> memref<1x128x128xf32, #tpu.memory_space<hbm>>
      %dma_start3A_53 = tpu.memref_squeeze %dma_start3A_52 : memref<1x128x128xf32, #tpu.memory_space<hbm>> -> memref<128x128xf32, #tpu.memory_space<hbm>>
      tpu.enqueue_dma source(%arg8 : memref<128x128xf32, #tpu.memory_space<vmem>>) target(%dma_start3A_53 : memref<128x128xf32, #tpu.memory_space<hbm>>) target_semaphore(%run_scoped3A : memref<!tpu.dma_semaphore, #tpu.memory_space<semaphore_mem>>)
      %dma_wait3A = arith.constant 0 : i32
      %dma_wait3A_54 = tpu.memref_slice %arg5[%arg0, %add3A_48, %dma_wait3A] : memref<2x10240x128xf32, #tpu.memory_space<hbm>> -> memref<1x128x128xf32, #tpu.memory_space<hbm>>
      %dma_wait3A_55 = tpu.memref_squeeze %dma_wait3A_54 : memref<1x128x128xf32, #tpu.memory_space<hbm>> -> memref<128x128xf32, #tpu.memory_space<hbm>>
      %dma_wait3A_56 = arith.constant 0 : i32
      %dma_wait3A_57 = tpu.memref_slice %arg5[%arg0, %add3A_48, %dma_wait3A_56] : memref<2x10240x128xf32, #tpu.memory_space<hbm>> -> memref<1x128x128xf32, #tpu.memory_space<hbm>>
      %dma_wait3A_58 = tpu.memref_squeeze %dma_wait3A_57 : memref<1x128x128xf32, #tpu.memory_space<hbm>> -> memref<128x128xf32, #tpu.memory_space<hbm>>
      tpu.wait_dma2 semaphore(%run_scoped3A : memref<!tpu.dma_semaphore, #tpu.memory_space<semaphore_mem>>) src(%arg8 : memref<128x128xf32, #tpu.memory_space<vmem>>) dst(%dma_wait3A_58 : memref<128x128xf32, #tpu.memory_space<hbm>>)
      tpu.yield
    }) : () -> ()
    return
  }
}

module attributes {stable_mosaic.version = 14 : i64} {
  func.func @_tc_first_body(%arg0: i32, %arg1: memref<1000x1xf32, #tpu.memory_space<vmem>>, %arg2: memref<1000x1xf32, #tpu.memory_space<vmem>>, %arg3: memref<1000x128xf32, #tpu.memory_space<vmem>>, %arg4: memref<128x128xf32, #tpu.memory_space<vmem>>, %arg5: memref<1000x128xf32, #tpu.memory_space<vmem>>, %arg6: memref<1000x1xf32, #tpu.memory_space<vmem>>) attributes {dimension_semantics = [#tpu.dimension_semantics<arbitrary>], iteration_bounds = array<i64: 10>, scalar_prefetch = 0 : i64, scratch_operands = 0 : i64, tpu.core_type = #tpu.core_type<tc>, window_params = [{transform_indices = @transform_0, window_bounds = array<i64: 1000, 1>}, {transform_indices = @transform_1, window_bounds = array<i64: 1000, 1>}, {transform_indices = @transform_2, window_bounds = array<i64: 1000, 128>}, {pipeline_mode = #tpu.pipeline_mode<synchronous>, transform_indices = @transform_3, window_bounds = array<i64: 128, 128>}, {transform_indices = @transform_4, window_bounds = array<i64: 1000, 128>}, {transform_indices = @transform_5, window_bounds = array<i64: 1000, 1>}]} {
    %get3A = arith.constant 0 : index
    %get3A_0 = arith.constant 0 : index
    %get3A_1 = vector.load %arg1[%get3A, %get3A_0] : memref<1000x1xf32, #tpu.memory_space<vmem>>, vector<1000x1xf32>
    %get3A_2 = arith.constant 0 : index
    %get3A_3 = arith.constant 0 : index
    %get3A_4 = vector.load %arg2[%get3A_2, %get3A_3] : memref<1000x1xf32, #tpu.memory_space<vmem>>, vector<1000x1xf32>
    %add3A = arith.addf %get3A_1, %get3A_4 : vector<1000x1xf32>
    %add3A_5 = arith.constant 1.000000e+00 : f32
    %add3A_6 = vector.broadcast %add3A_5 : f32 to vector<1000x1xf32>
    %add3A_7 = arith.addf %add3A, %add3A_6 : vector<1000x1xf32>
    %max3A = arith.constant 1.000000e+00 : f32
    %max3A_8 = vector.broadcast %max3A : f32 to vector<1000x1xf32>
    %max3A_9 = arith.maximumf %add3A_7, %max3A_8 : vector<1000x1xf32>
    %rsqrt3A = math.rsqrt %max3A_9 : vector<1000x1xf32>
    %get3A_10 = arith.constant 0 : index
    %get3A_11 = arith.constant 0 : index
    %get3A_12 = vector.load %arg3[%get3A_10, %get3A_11] : memref<1000x128xf32, #tpu.memory_space<vmem>>, vector<1000x128xf32>
    %get3A_13 = arith.constant 0 : index
    %get3A_14 = arith.constant 0 : index
    %get3A_15 = vector.load %arg4[%get3A_13, %get3A_14] : memref<128x128xf32, #tpu.memory_space<vmem>>, vector<128x128xf32>
    %dot_general3A = arith.constant dense<0.000000e+00> : vector<1000x128xf32>
    %dot_general3A_16 = tpu.matmul %get3A_12, %get3A_15, %dot_general3A {dimension_numbers = #tpu.dot_dimension_numbers<[1], [0], [0], [1], [0, 0, 1, 1], [], []>, transpose_lhs_hint = false} : vector<1000x128xf32>, vector<128x128xf32>, vector<1000x128xf32> -> vector<1000x128xf32>
    %mul3A = vector.broadcast %rsqrt3A : vector<1000x1xf32> to vector<1000x128xf32>
    %mul3A_17 = arith.mulf %mul3A, %dot_general3A_16 : vector<1000x128xf32>
    %swap3A = arith.constant 0 : index
    %swap3A_18 = arith.constant 0 : index
    %swap3A_19 = vector.load %arg5[%swap3A, %swap3A_18] : memref<1000x128xf32, #tpu.memory_space<vmem>>, vector<1000x128xf32>
    tpu.vector_store %arg5[%swap3A, %swap3A_18], %mul3A_17 {strides = array<i32>} : memref<1000x128xf32, #tpu.memory_space<vmem>>, vector<1000x128xf32>,
    %swap3A_20 = arith.constant 0 : index
    %swap3A_21 = arith.constant 0 : index
    %swap3A_22 = vector.load %arg6[%swap3A_20, %swap3A_21] : memref<1000x1xf32, #tpu.memory_space<vmem>>, vector<1000x1xf32>
    tpu.vector_store %arg6[%swap3A_20, %swap3A_21], %rsqrt3A {strides = array<i32>} : memref<1000x1xf32, #tpu.memory_space<vmem>>, vector<1000x1xf32>,
    return
  }
  func.func @transform_0(%arg0: i32) -> (i32, i32) {
    %c0_i32 = arith.constant 0 : i32
    %c0_i32_0 = arith.constant 0 : i32
    return %arg0, %c0_i32 : i32, i32
  }
  func.func @transform_1(%arg0: i32) -> (i32, i32) {
    %c0_i32 = arith.constant 0 : i32
    %c0_i32_0 = arith.constant 0 : i32
    return %arg0, %c0_i32 : i32, i32
  }
  func.func @transform_2(%arg0: i32) -> (i32, i32) {
    %c0_i32 = arith.constant 0 : i32
    %c0_i32_0 = arith.constant 0 : i32
    return %arg0, %c0_i32 : i32, i32
  }
  func.func @transform_3(%arg0: i32) -> (i32, i32) {
    %c0_i32 = arith.constant 0 : i32
    %c0_i32_0 = arith.constant 0 : i32
    %c0_i32_1 = arith.constant 0 : i32
    return %c0_i32, %c0_i32_0 : i32, i32
  }
  func.func @transform_4(%arg0: i32) -> (i32, i32) {
    %c0_i32 = arith.constant 0 : i32
    %c0_i32_0 = arith.constant 0 : i32
    return %arg0, %c0_i32 : i32, i32
  }
  func.func @transform_5(%arg0: i32) -> (i32, i32) {
    %c0_i32 = arith.constant 0 : i32
    %c0_i32_0 = arith.constant 0 : i32
    return %arg0, %c0_i32 : i32, i32
  }
}

module attributes {stable_mosaic.version = 14 : i64} {
  func.func @_tc_mid_body(%arg0: i32, %arg1: memref<1000x128xf32, #tpu.memory_space<vmem>>, %arg2: memref<1000x128xf32, #tpu.memory_space<vmem>>, %arg3: memref<1000x128xf32, #tpu.memory_space<vmem>>, %arg4: memref<1000x1xf32, #tpu.memory_space<vmem>>, %arg5: memref<1x128xf32, #tpu.memory_space<vmem>>, %arg6: memref<128x128xf32, #tpu.memory_space<vmem>>, %arg7: memref<1000x128xf32, #tpu.memory_space<vmem>>) attributes {dimension_semantics = [#tpu.dimension_semantics<arbitrary>], iteration_bounds = array<i64: 10>, scalar_prefetch = 0 : i64, scratch_operands = 0 : i64, tpu.core_type = #tpu.core_type<tc>, window_params = [{transform_indices = @transform_0, window_bounds = array<i64: 1000, 128>}, {transform_indices = @transform_1, window_bounds = array<i64: 1000, 128>}, {transform_indices = @transform_2, window_bounds = array<i64: 1000, 128>}, {transform_indices = @transform_3, window_bounds = array<i64: 1000, 1>}, {pipeline_mode = #tpu.pipeline_mode<synchronous>, transform_indices = @transform_4, window_bounds = array<i64: 1, 128>}, {pipeline_mode = #tpu.pipeline_mode<synchronous>, transform_indices = @transform_5, window_bounds = array<i64: 128, 128>}, {transform_indices = @transform_6, window_bounds = array<i64: 1000, 128>}]} {
    %get3A = arith.constant 0 : index
    %get3A_0 = arith.constant 0 : index
    %get3A_1 = vector.load %arg4[%get3A, %get3A_0] : memref<1000x1xf32, #tpu.memory_space<vmem>>, vector<1000x1xf32>
    %get3A_2 = arith.constant 0 : index
    %get3A_3 = arith.constant 0 : index
    %get3A_4 = vector.load %arg1[%get3A_2, %get3A_3] : memref<1000x128xf32, #tpu.memory_space<vmem>>, vector<1000x128xf32>
    %get3A_5 = arith.constant 0 : index
    %get3A_6 = arith.constant 0 : index
    %get3A_7 = vector.load %arg2[%get3A_5, %get3A_6] : memref<1000x128xf32, #tpu.memory_space<vmem>>, vector<1000x128xf32>
    %add3A = arith.addf %get3A_4, %get3A_7 : vector<1000x128xf32>
    %get3A_8 = arith.constant 0 : index
    %get3A_9 = arith.constant 0 : index
    %get3A_10 = vector.load %arg3[%get3A_8, %get3A_9] : memref<1000x128xf32, #tpu.memory_space<vmem>>, vector<1000x128xf32>
    %add3A_11 = arith.addf %add3A, %get3A_10 : vector<1000x128xf32>
    %mul3A = vector.broadcast %get3A_1 : vector<1000x1xf32> to vector<1000x128xf32>
    %mul3A_12 = arith.mulf %mul3A, %add3A_11 : vector<1000x128xf32>
    %get3A_13 = arith.constant 0 : index
    %get3A_14 = arith.constant 0 : index
    %get3A_15 = vector.load %arg5[%get3A_13, %get3A_14] : memref<1x128xf32, #tpu.memory_space<vmem>>, vector<1x128xf32>
    %add3A_16 = vector.broadcast %get3A_15 : vector<1x128xf32> to vector<1000x128xf32>
    %add3A_17 = arith.addf %mul3A_12, %add3A_16 : vector<1000x128xf32>
    %max3A = arith.constant 0.000000e+00 : f32
    %max3A_18 = vector.broadcast %max3A : f32 to vector<1000x128xf32>
    %max3A_19 = arith.maximumf %add3A_17, %max3A_18 : vector<1000x128xf32>
    %get3A_20 = arith.constant 0 : index
    %get3A_21 = arith.constant 0 : index
    %get3A_22 = vector.load %arg6[%get3A_20, %get3A_21] : memref<128x128xf32, #tpu.memory_space<vmem>>, vector<128x128xf32>
    %dot_general3A = arith.constant dense<0.000000e+00> : vector<1000x128xf32>
    %dot_general3A_23 = tpu.matmul %max3A_19, %get3A_22, %dot_general3A {dimension_numbers = #tpu.dot_dimension_numbers<[1], [0], [0], [1], [0, 0, 1, 1], [], []>, transpose_lhs_hint = false} : vector<1000x128xf32>, vector<128x128xf32>, vector<1000x128xf32> -> vector<1000x128xf32>
    %mul3A_24 = vector.broadcast %get3A_1 : vector<1000x1xf32> to vector<1000x128xf32>
    %mul3A_25 = arith.mulf %mul3A_24, %dot_general3A_23 : vector<1000x128xf32>
    %swap3A = arith.constant 0 : index
    %swap3A_26 = arith.constant 0 : index
    %swap3A_27 = vector.load %arg7[%swap3A, %swap3A_26] : memref<1000x128xf32, #tpu.memory_space<vmem>>, vector<1000x128xf32>
    tpu.vector_store %arg7[%swap3A, %swap3A_26], %mul3A_25 {strides = array<i32>} : memref<1000x128xf32, #tpu.memory_space<vmem>>, vector<1000x128xf32>,
    return
  }
  func.func @transform_0(%arg0: i32) -> (i32, i32) {
    %c0_i32 = arith.constant 0 : i32
    %c0_i32_0 = arith.constant 0 : i32
    return %arg0, %c0_i32 : i32, i32
  }
  func.func @transform_1(%arg0: i32) -> (i32, i32) {
    %c0_i32 = arith.constant 0 : i32
    %c0_i32_0 = arith.constant 0 : i32
    return %arg0, %c0_i32 : i32, i32
  }
  func.func @transform_2(%arg0: i32) -> (i32, i32) {
    %c0_i32 = arith.constant 0 : i32
    %c0_i32_0 = arith.constant 0 : i32
    return %arg0, %c0_i32 : i32, i32
  }
  func.func @transform_3(%arg0: i32) -> (i32, i32) {
    %c0_i32 = arith.constant 0 : i32
    %c0_i32_0 = arith.constant 0 : i32
    return %arg0, %c0_i32 : i32, i32
  }
  func.func @transform_4(%arg0: i32) -> (i32, i32) {
    %c0_i32 = arith.constant 0 : i32
    %c0_i32_0 = arith.constant 0 : i32
    %c0_i32_1 = arith.constant 0 : i32
    return %c0_i32, %c0_i32_0 : i32, i32
  }
  func.func @transform_5(%arg0: i32) -> (i32, i32) {
    %c0_i32 = arith.constant 0 : i32
    %c0_i32_0 = arith.constant 0 : i32
    %c0_i32_1 = arith.constant 0 : i32
    return %c0_i32, %c0_i32_0 : i32, i32
  }
  func.func @transform_6(%arg0: i32) -> (i32, i32) {
    %c0_i32 = arith.constant 0 : i32
    %c0_i32_0 = arith.constant 0 : i32
    return %arg0, %c0_i32 : i32, i32
  }
}

module attributes {stable_mosaic.version = 14 : i64} {
  func.func @_tc_final_body(%arg0: i32, %arg1: memref<1000x128xf32, #tpu.memory_space<vmem>>, %arg2: memref<1000x128xf32, #tpu.memory_space<vmem>>, %arg3: memref<1000x128xf32, #tpu.memory_space<vmem>>, %arg4: memref<1000x1xf32, #tpu.memory_space<vmem>>, %arg5: memref<1x128xf32, #tpu.memory_space<vmem>>, %arg6: memref<1000x128xf32, #tpu.memory_space<vmem>>) attributes {dimension_semantics = [#tpu.dimension_semantics<arbitrary>], iteration_bounds = array<i64: 10>, scalar_prefetch = 0 : i64, scratch_operands = 0 : i64, tpu.core_type = #tpu.core_type<tc>, window_params = [{transform_indices = @transform_0, window_bounds = array<i64: 1000, 128>}, {transform_indices = @transform_1, window_bounds = array<i64: 1000, 128>}, {transform_indices = @transform_2, window_bounds = array<i64: 1000, 128>}, {transform_indices = @transform_3, window_bounds = array<i64: 1000, 1>}, {pipeline_mode = #tpu.pipeline_mode<synchronous>, transform_indices = @transform_4, window_bounds = array<i64: 1, 128>}, {transform_indices = @transform_5, window_bounds = array<i64: 1000, 128>}]} {
    %get3A = arith.constant 0 : index
    %get3A_0 = arith.constant 0 : index
    %get3A_1 = vector.load %arg1[%get3A, %get3A_0] : memref<1000x128xf32, #tpu.memory_space<vmem>>, vector<1000x128xf32>
    %get3A_2 = arith.constant 0 : index
    %get3A_3 = arith.constant 0 : index
    %get3A_4 = vector.load %arg2[%get3A_2, %get3A_3] : memref<1000x128xf32, #tpu.memory_space<vmem>>, vector<1000x128xf32>
    %add3A = arith.addf %get3A_1, %get3A_4 : vector<1000x128xf32>
    %get3A_5 = arith.constant 0 : index
    %get3A_6 = arith.constant 0 : index
    %get3A_7 = vector.load %arg3[%get3A_5, %get3A_6] : memref<1000x128xf32, #tpu.memory_space<vmem>>, vector<1000x128xf32>
    %add3A_8 = arith.addf %add3A, %get3A_7 : vector<1000x128xf32>
    %get3A_9 = arith.constant 0 : index
    %get3A_10 = arith.constant 0 : index
    %get3A_11 = vector.load %arg4[%get3A_9, %get3A_10] : memref<1000x1xf32, #tpu.memory_space<vmem>>, vector<1000x1xf32>
    %mul3A = vector.broadcast %get3A_11 : vector<1000x1xf32> to vector<1000x128xf32>
    %mul3A_12 = arith.mulf %mul3A, %add3A_8 : vector<1000x128xf32>
    %get3A_13 = arith.constant 0 : index
    %get3A_14 = arith.constant 0 : index
    %get3A_15 = vector.load %arg5[%get3A_13, %get3A_14] : memref<1x128xf32, #tpu.memory_space<vmem>>, vector<1x128xf32>
    %add3A_16 = vector.broadcast %get3A_15 : vector<1x128xf32> to vector<1000x128xf32>
    %add3A_17 = arith.addf %mul3A_12, %add3A_16 : vector<1000x128xf32>
    %swap3A = arith.constant 0 : index
    %swap3A_18 = arith.constant 0 : index
    %swap3A_19 = vector.load %arg6[%swap3A, %swap3A_18] : memref<1000x128xf32, #tpu.memory_space<vmem>>, vector<1000x128xf32>
    tpu.vector_store %arg6[%swap3A, %swap3A_18], %add3A_17 {strides = array<i32>} : memref<1000x128xf32, #tpu.memory_space<vmem>>, vector<1000x128xf32>,
    return
  }
  func.func @transform_0(%arg0: i32) -> (i32, i32) {
    %c0_i32 = arith.constant 0 : i32
    %c0_i32_0 = arith.constant 0 : i32
    return %arg0, %c0_i32 : i32, i32
  }
  func.func @transform_1(%arg0: i32) -> (i32, i32) {
    %c0_i32 = arith.constant 0 : i32
    %c0_i32_0 = arith.constant 0 : i32
    return %arg0, %c0_i32 : i32, i32
  }
  func.func @transform_2(%arg0: i32) -> (i32, i32) {
    %c0_i32 = arith.constant 0 : i32
    %c0_i32_0 = arith.constant 0 : i32
    return %arg0, %c0_i32 : i32, i32
  }
  func.func @transform_3(%arg0: i32) -> (i32, i32) {
    %c0_i32 = arith.constant 0 : i32
    %c0_i32_0 = arith.constant 0 : i32
    return %arg0, %c0_i32 : i32, i32
  }
  func.func @transform_4(%arg0: i32) -> (i32, i32) {
    %c0_i32 = arith.constant 0 : i32
    %c0_i32_0 = arith.constant 0 : i32
    %c0_i32_1 = arith.constant 0 : i32
    return %c0_i32, %c0_i32_0 : i32, i32
  }
  func.func @transform_5(%arg0: i32) -> (i32, i32) {
    %c0_i32 = arith.constant 0 : i32
    %c0_i32_0 = arith.constant 0 : i32
    return %arg0, %c0_i32 : i32, i32
  }
}

</mosaic_0001>

<sc_bundles>
// kernel: kernel.10.cloned.1.call-start
scs
__scs_entry_jumppad:
0x0: {  	(pc) =	sbr.rel $0x88, $3  }
0x1: {  	(tag) =	ssettag $0x0;
	lr =	simm.s32 $0x1  }
0x2: {  	[smem:$0x3F99] =	sst lr;
	_ =	strace $0xD0000000  }
0x3: {  	_ = 	snop  }
0x4: {  	_ = 	snop  }
0x5: {  	_ = 	snop  }
0x6: {  	_ = 	snop  }
0x7: {  	_ = 	snop  }
__scs_overlays_trampoline_lowered:
0x8: {  	[smem:$0x3FA8] =	sst s0  }
0x9: {  	[smem:$0x3FA9] =	sst s1  }
0xa: {  	[smem:$0x3FAA] =	sst s2  }
0xb: {  	[smem:$0x3FAB] =	sst s3  }
0xc: {  	[smem:$0x3FAC] =	sst s4  }
0xd: {  	[smem:$0x3FAD] =	sst s5  }
0xe: {  	[smem:$0x3FAE] =	sst s6  }
0xf: {  	[smem:$0x3FAF] =	sst s7  }
0x10: {  	[smem:$0x3FB0] =	sst s8  }
0x11: {  	[smem:$0x3FB1] =	sst s9;
	s0 =	simm.s32 @!p0 $0x0  }
0x12: {  	s1 =	sld [smem:$0x3F97];
	s0 =	simm.s32 @p0 $0x1  }
0x13: {  	[smem:$0x3FB2] =	sst s0;
	s0 =	simm.s32 @!p1 $0x0  }
0x14: {  	s2 =	sld [smem:$0x3F96];
	s0 =	simm.s32 @p1 $0x1  }
0x15: {  	[smem:$0x3FB3] =	sst s0;
	s0 =	simm.s32 @!p2 $0x0  }
0x16: {  	s3 =	sld [smem:$0x3FDB];
	s0 =	simm.s32 @p2 $0x1  }
0x17: {  	s4 =	simm.s32 $0x1BF5;
	[smem:$0x3FB5] =	sst s0  }
0x18: {  	s0 =	sld [smem:$0x3F98];
	_ =	swait.ge [sflag:s4], $0x0  }
0x19: {  	s7 =	sld [smem:$0x3F99]  }
0x1a: {  	s8 =	sadd.s32 $0xFFFFE003, lr  }
0x1b: {  	s9 =	sadd.s32 $0xFFFFFEF7, lr;
	s5 =	simm.s32 $0xFFFFFFFF;
	p2 =	slt.u32 s8, $0xFFFFF086  }
0x1c: {  	p1 =	slt.u32 s9, $0xF7A;
	s5 =	simm.s32 @!p2 $0x0  }
0x1d: {  	s5 =	simm.s32 @p1 $0x1;
	p0 =	seq.s32 s7, s2  }
0x1e: {  	s7 =	smul.u32 @!p0 $0xF7A, s2;
	p2 =	seq.s32 @!p0 s5, $0x0  }
0x1f: {  	s9 =	smul.u32 $0xF7A, s1;
	s8 =	simm.s32 @!p0 $0x1BF5;
	p2 =	por !p2, p0  }
0x20: {  	[sflag:s8] =	ssyncset.s32 @!p0 $0xFFFFF086;
	s6 =	sadd.s32 @!p0 s3, s7;
	s7 =	simm.s32 @!p0 $0x108  }
0x21: {  	s3 =	sadd.s32 s3, s9;
	s6 =	sadd.s32 @!p0 $0x88, s6;
	s7 =	simm.s32 @p2 $0x1082  }
0x22: {  	[simem:s7], [sflag:s8] =	dma.local @!p0 [hbm:s6], $0xF7A  }
0x23: {  	s9 =	sor.u32 $0xD0000000, s2;
	s6 =	simm.s32 $0x108;
	_ =	swait.ge @!p0 [sflag:s8], $0x0  }
0x24: {  	s3 =	sadd.s32 $0x88, s3;
	s6 =	simm.s32 @!p1 $0x1082;
	[sflag:s4] =	ssyncset.s32 $0xFFFFF086  }
0x25: {  	[simem:s6], [sflag:s4] =	dma.local [hbm:s3], $0xF7A  }
0x26: {  	[smem:$0x3F99] =	sst s1;
	(tag) =	ssettag s2;
	_ =	strace s9  }
0x27: {  	s1 =	sld [smem:$0x3FA9]  }
0x28: {  	s2 =	sld [smem:$0x3FAA]  }
0x29: {  	s4 =	sld [smem:$0x3FAC]  }
0x2a: {  	p0 =	seq.s32 s5, $0x0;
	s5 =	sld [smem:$0x3FAD]  }
0x2b: {  	s6 =	sld [smem:$0x3FAE]  }
0x2c: {  	s7 =	sld [smem:$0x3FAF]  }
0x2d: {  	s3 =	simm.s32 $0x108;
	s8 =	sld [smem:$0x3FB0]  }
0x2e: {  	s3 =	simm.s32 @!p0 $0x1082;
	s9 =	sld [smem:$0x3FB1]  }
0x2f: {  	lr =	sadd.s32 s0, s3;
	s0 =	sld [smem:$0x3FA8]  }
0x30: {  	s3 =	sld [smem:$0x3FAB]  }
0x31: {  	[smem:$0x3FB4] =	sst s10  }
0x32: {  	s10 =	sld [smem:$0x3FB2];
	_ =	sdelay $0x3  }
0x33: {  	p0 =	seq.s32 s10, $0x1;
	s10 =	sld [smem:$0x3FB4];
	_ =	sdelay $0x3  }
0x34: {  	[smem:$0x3FB4] =	sst s10  }
0x35: {  	s10 =	sld [smem:$0x3FB3];
	_ =	sdelay $0x3  }
0x36: {  	p1 =	seq.s32 s10, $0x1;
	s10 =	sld [smem:$0x3FB4];
	_ =	sdelay $0x3  }
0x37: {  	[smem:$0x3FB4] =	sst s10  }
0x38: {  	s10 =	sld [smem:$0x3FB5]  }
0x39: {  	_ = 	snop;
	(pc) =	sbr.ind lr, $3  }
0x3a: {  	_ = 	snop  }
0x3b: {  	_ = 	snop  }
0x3c: {  	p2 =	seq.s32 s10, $0x1;
	s10 =	sld [smem:$0x3FB4]  }
0x3d: {  	_ =	shalt  }
0x3e: {  	_ =	shalt  }
0x3f: {  	_ =	shalt  }
0x40: {  	_ =	shalt  }
0x41: {  	_ =	shalt  }
0x42: {  	_ =	shalt  }
0x43: {  	_ =	shalt  }
0x44: {  	_ =	shalt  }
0x45: {  	_ =	shalt  }
0x46: {  	_ =	shalt  }
0x47: {  	_ =	shalt  }
0x48: {  	_ =	shalt  }
0x49: {  	_ =	shalt  }
0x4a: {  	_ =	shalt  }
0x4b: {  	_ =	shalt  }
0x4c: {  	_ =	shalt  }
0x4d: {  	_ =	shalt  }
0x4e: {  	_ =	shalt  }
0x4f: {  	_ =	shalt  }
0x50: {  	_ =	shalt  }
0x51: {  	_ =	shalt  }
0x52: {  	_ =	shalt  }
0x53: {  	_ =	shalt  }
0x54: {  	_ =	shalt  }
0x55: {  	_ =	shalt  }
0x56: {  	_ =	shalt  }
0x57: {  	_ =	shalt  }
0x58: {  	_ =	shalt  }
0x59: {  	_ =	shalt  }
0x5a: {  	_ =	shalt  }
0x5b: {  	_ =	shalt  }
0x5c: {  	_ =	shalt  }
0x5d: {  	_ =	shalt  }
0x5e: {  	_ =	shalt  }
0x5f: {  	_ =	shalt  }
0x60: {  	_ =	shalt  }
0x61: {  	_ =	shalt  }
0x62: {  	_ =	shalt  }
0x63: {  	_ =	shalt  }
0x64: {  	_ =	shalt  }
0x65: {  	_ =	shalt  }
0x66: {  	_ =	shalt  }
0x67: {  	_ =	shalt  }
0x68: {  	_ =	shalt  }
0x69: {  	_ =	shalt  }
0x6a: {  	_ =	shalt  }
0x6b: {  	_ =	shalt  }
0x6c: {  	_ =	shalt  }
0x6d: {  	_ =	shalt  }
0x6e: {  	_ =	shalt  }
0x6f: {  	_ =	shalt  }
0x70: {  	_ =	shalt  }
0x71: {  	_ =	shalt  }
0x72: {  	_ =	shalt  }
0x73: {  	_ =	shalt  }
0x74: {  	_ =	shalt  }
0x75: {  	_ =	shalt  }
0x76: {  	_ =	shalt  }
0x77: {  	_ =	shalt  }
0x78: {  	_ =	shalt  }
0x79: {  	_ =	shalt  }
0x7a: {  	_ =	shalt  }
0x7b: {  	_ =	shalt  }
0x7c: {  	_ =	shalt  }
0x7d: {  	_ =	shalt  }
0x7e: {  	_ =	shalt  }
0x7f: {  	_ =	shalt  }
0x80: {  	_ =	shalt  }
0x81: {  	_ =	shalt  }
0x82: {  	_ =	shalt  }
0x83: {  	_ =	shalt  }
0x84: {  	_ =	shalt  }
0x85: {  	_ =	shalt  }
0x86: {  	_ =	shalt  }
0x87: {  	_ =	shalt  }
.Lfunc_end0:
.L_simem_size_0:
called_computation_lowered:
.L_overlay_start_0:
0x88: {  	s2 =	sld [smem:$0x3FD9]  }
0x89: {  	s3 =	sld [smem:$0x3FFE];
	_ =	sdelay $0x1  }
0x8a: {  	s1 =	srdreg.scid  }
0x8b: {  	s0 =	sand.u32 $0x1, s1  }
0x8c: {  	s17 =	sshll.u32 s0, $0xA;
	s2 =	sadd.s32 s3, s2  }
0x8d: {  	s2 =	sadd.s32 s2, s17  }
0x8e: {  	[smem:$0x3FC0] =	sst s2  }
0x8f: {  	_ = 	snop  }
0x90: {  	s2 =	sld [smem:$0x3FD0];
	(tm) =	ssettm $0x1  }
0x91: {  	s18 =	sld [smem:$0x3FFB];
	_ =	sdelay $0x3  }
0x92: {  	_ =	strace s18  }
0x93: {  	s3 =	sld [smem:$0x3FFC];
	_ =	sdelay $0x3  }
0x94: {  	_ =	strace s3  }
0x95: {  	s3 =	sld [smem:$0x3FFD];
	_ =	sdelay $0x3  }
0x96: {  	_ =	strace s3  }
0x97: {  	_ =	strace $0x8FFFFFFF  }
0x98: {  	s19 =	sld [smem:$0x3FDB];
	_ =	sdelay $0x1  }
0x99: {  	s4 =	simm.s32 $_scs_section_size  }
0x9a: {  	s5 =	simm.s32 $_size__tile_overlayer_lowered;
	s6 =	simm.s32 $_tile_overlayer_lowered  }
0x9b: {  	s22 =	simm.s32 $0x1BFF;
	s21 =	sshll.u32 s6, $0x1;
	s3 =	sadd.s32 s4, s19  }
0x9c: {  	s7 =	simm.s32 $0x0;
	s20 =	sshll.u32 s5, $0x1;
	s5 =	sadd.s32 s21, s3  }
0x9d: {  	[timem:s7], [sflag:s22] =	dma.local [hbm:s5], s20  }
0x9e: {  	_ =	swait.ge [sflag:s22], s20  }
0x9f: {  	s4 =	ssub.s32 $0x0, s20;
	[sflag:s22] =	ssyncset.done $0x0  }
0xa0: {  	[sflag:s22] =	ssyncadd.s32 s4;
	_ =	sdelay $0x1  }
0xa1: {  	s23 =	simm.s32 $0x1B8B  }
0xa2: {  	_ =	swait.ge [sflag:s23], $0x1  }
0xa3: {  	[sflag:s23] =	ssyncset.done $0x0  }
0xa4: {  	s25 =	simm.s32 $0x1B8E;
	s24 =	sld [smem:$0x3FFE];
	[sflag:s23] =	ssyncadd.s32 $0xFFFFFFFF  }
0xa5: {  	s26 =	simm.s32 $execute0_lowered;
	[smem:$0x3FD2] =	sst s25  }
0xa6: {  	s5 =	sshll.u32 s26, $0x1;
	_ =	strace $0x80000046;
	[dreg:$0x1] =	wrdreg $0xFFFFFFFF  }
0xa7: {  	s28 =	simm.s32 $_size_execute0_lowered;
	s3 =	sadd.s32 s3, s5;
	[dreg:$0x0] =	wrdreg $0x0  }
0xa8: {  	s5 =	sshll.u32 s28, $0x1;
	[dreg:$0x2] =	wrdreg s3  }
0xa9: {  	[dreg:$0x3] =	wrdreg s5  }
0xaa: {  	[dreg:$0x4] =	wrdreg $0xC0  }
0xab: {  	_ =	task [dreg:s7], $0x5FFFF  }
0xac: {  	[dreg:$0x1] =	wrdreg $0xFFFFFFFF  }
0xad: {  	[dreg:$0x0] =	wrdreg $0x60  }
0xae: {  	[dreg:$0x2] =	wrdreg s24  }
0xaf: {  	[dreg:$0x3] =	wrdreg s2  }
0xb0: {  	[dreg:$0x4] =	wrdreg $0x2B000  }
0xb1: {  	[dreg:$0x5] =	wrdreg $0x9  }
0xb2: {  	_ =	task.clear_ibuf [dreg:s7], $0x6FFFF;
	_ =	strace $0x90000046  }
0xb3: {  	s29 =	simm.s32 $0x9;
	_ =	strace $0x80000048  }
0xb4: {  	_ =	swait.ge [sflag:s29], $0x1  }
0xb5: {  	[sflag:s29] =	ssyncadd.s32 $0xFFFFFFFF  }
0xb6: {  	_ =	strace $0x90000048  }
0xb7: {  	_ =	sfence  }
0xb8: {  	s30 =	sld [smem:$0x0];
	_ =	sdelay $0x2  }
0xb9: {  	s31 =	sshll.u32 s1, $0xD;
	s1 =	sshrl.u32 s1, $0x2  }
0xba: {  	s3 =	sand.u32 $0x4000, s31;
	s1 =	sadd.s32 s1, s30  }
0xbb: {  	s0 =	sor.u32 s3, s0;
	s1 =	sshll.u32 s1, $0x11  }
0xbc: {  	s0 =	sor.u32 s1, s0  }
0xbd: {  	s0 =	sadd.s32 $0x8F2B, s0  }
0xbe: {  	[sflag:s0] =	ssyncadd.remote.s32 $0x1  }
0xbf: {  	_ =	sfence.sel $0xFFFF  }
0xc0: {  	[dreg:$0x0] =	wrdreg $0xFFFFFFFF;
	(pc) =	sbr.abs _section_cstart, $3  }
0xc1: {  	[dreg:$0x1] =	wrdreg $0xFFFFFFFF  }
0xc2: {  	_ =	task.clear_ibuf [dreg:s7], $0x2FFFF;
	_ =	strace $0x9FFFFFFF  }
0xc3: {  	(tm) =	ssettm $0x7FFFFFFF  }
tec
execute0_lowered:
.L_overlay_start_1:
0x0: {  	(tag) =	ssettag $0x1  }
0x1: {  	s4 =	rddreg [dreg:$0x0]  }
0x2: {  	s6 =	rddreg [dreg:$0x1]  }
0x3: {  	s2 =	rddreg [dreg:$0x2]  }
0x4: {  	s0 =	rddreg [dreg:$0x3]  }
0x5: {  	s3 =	srdreg.scid;
	s1 =	stileid.u32  }
0x6: {  	s11 =	simm.s32 $0x2A80;
	s12 =	simm.s32 $0x0;
	s5 =	sand.u32 $0x1, s3  }
0x7: {  	s7 =	sshll.u32 s1, $0x1;
	s8 =	smul.u32 $0x278, s1;
	s3 =	simm.s32 $0x0  }
0x8: {  	s7 =	sor.u32 s5, s7;
	s9 =	smul.u32 $0x2780, s5;
	s5 =	ssub.s32 $0x2, s5  }
0x9: {  	[smem:$0x7FF] =	sst s3;
	s7 =	smul.u32 $0x500, s7;
	s10 =	sshrl.u32 s5, $0x1  }
0xa: {  	_ =	strace $0x80000047;
	s9 =	sadd.s32 s8, s9;
	s10 =	ssub.s32 s5, s10  }
0xb: {  	s7 =	sadd.s32 s7, s4;
	s9 =	sshrl.u32 s9, $0x3;
	s4 =	sadd.s32 s8, s2  }
0xc: {  	s8 =	simm.s32 $0x2800;
	s5 =	sadd.s32 $0x4000, s7;
	s6 =	sadd.s32 s6, s9  }
0xd: {  	v0 =	vimm.f32 $0.0e+00;
	v1 =	vimm.f32 $1.000000000e+00;
	s7 =	smax.u32 s10, $0x1;
	s9 =	simm.s32 $0x1;
	s10 =	simm.s32 $0x80  }
.LBB2_1:
0xe: {  	[tilespmem:$0x2800] =	vst v0  }
0xf: {  	[tilespmem:$0x2810] =	vst v0  }
0x10: {  	[tilespmem:$0x2820] =	vst v0  }
0x11: {  	[tilespmem:$0x2830] =	vst v0  }
0x12: {  	[tilespmem:$0x2840] =	vst v0  }
0x13: {  	[tilespmem:$0x2850] =	vst v0  }
0x14: {  	[tilespmem:$0x2860] =	vst v0  }
0x15: {  	[tilespmem:$0x2870] =	vst v0  }
0x16: {  	[tilespmem:$0x2880] =	vst v0  }
0x17: {  	[tilespmem:$0x2890] =	vst v0  }
0x18: {  	[tilespmem:$0x28A0] =	vst v0  }
0x19: {  	[tilespmem:$0x28B0] =	vst v0  }
0x1a: {  	[tilespmem:$0x28C0] =	vst v0  }
0x1b: {  	[tilespmem:$0x28D0] =	vst v0  }
0x1c: {  	[tilespmem:$0x28E0] =	vst v0  }
0x1d: {  	[tilespmem:$0x28F0] =	vst v0  }
0x1e: {  	[tilespmem:$0x2900] =	vst v0  }
0x1f: {  	[tilespmem:$0x2910] =	vst v0  }
0x20: {  	[tilespmem:$0x2920] =	vst v0  }
0x21: {  	[tilespmem:$0x2930] =	vst v0  }
0x22: {  	[tilespmem:$0x2940] =	vst v0  }
0x23: {  	[tilespmem:$0x2950] =	vst v0  }
0x24: {  	[tilespmem:$0x2960] =	vst v0  }
0x25: {  	[tilespmem:$0x2970] =	vst v0  }
0x26: {  	[tilespmem:$0x2980] =	vst v0  }
0x27: {  	[tilespmem:$0x2990] =	vst v0  }
0x28: {  	[tilespmem:$0x29A0] =	vst v0  }
0x29: {  	[tilespmem:$0x29B0] =	vst v0  }
0x2a: {  	[tilespmem:$0x29C0] =	vst v0  }
0x2b: {  	[tilespmem:$0x29D0] =	vst v0  }
0x2c: {  	[tilespmem:$0x29E0] =	vst v0  }
0x2d: {  	[tilespmem:$0x29F0] =	vst v0  }
0x2e: {  	[tilespmem:$0x2A00] =	vst v0  }
0x2f: {  	[tilespmem:$0x2A10] =	vst v0  }
0x30: {  	[tilespmem:$0x2A20] =	vst v0  }
0x31: {  	[tilespmem:$0x2A30] =	vst v0  }
0x32: {  	[tilespmem:$0x2A40] =	vst v0  }
0x33: {  	[tilespmem:$0x2A50] =	vst v0  }
0x34: {  	[tilespmem:$0x2A60] =	vst v0  }
0x35: {  	[tilespmem:$0x2A70] =	vst v0  }
0x36: {  	[tilespmem:$0x2A80] =	vst v1  }
0x37: {  	[tilespmem:$0x2A90] =	vst v1  }
0x38: {  	[tilespmem:$0x2AA0] =	vst v1  }
0x39: {  	[tilespmem:$0x2AB0] =	vst v1  }
0x3a: {  	[tilespmem:$0x2AC0] =	vst v1  }
0x3b: {  	[tilespmem:$0x2AD0] =	vst v1  }
0x3c: {  	[tilespmem:$0x2AE0] =	vst v1  }
0x3d: {  	[tilespmem:$0x2AF0] =	vst v1  }
0x3e: {  	[spmem:s4] =	stream.linear.scatter [tilespmem:s8], [sflag:$0x1], $0x278, $0x38;
	[tilespmem:$0x2D78] =	vst v63  }
0x3f: {  	_ =	swait.ge [sflag:s9], $0x278  }
0x40: {  	[sflag:s9] =	ssyncset.done $0x0  }
0x41: {  	[sflag:s9] =	ssyncadd.s32 $0xFFFFFD88  }
0x42: {  	[bflag:$0x0] =	sbarrier.arrive $0xFFFF  }
0x43: {  	[tilespmem:s3], [sflag:$0x1] =	stream.linear.gather [hbm4b:s5+s3], $0x2780, $0x38;
	[tilespmem:$0x2D78] =	vst v63  }
0x44: {  	_ =	swait.ge [sflag:s9], $0x2780  }
0x45: {  	[sflag:s9] =	ssyncset.done $0x0  }
0x46: {  	s13 =	simm.s32 $0x0;
	[sflag:s9] =	ssyncadd.s32 $0xFFFFD880  }
0x47: {  	[spmem:s2] =	stream.indirect.scatter.add.f32 [tilespmem:s11], [sflag:$0x1], $0x1, s13, s10, $0xb8;
	[tilespmem:$0x2D78] =	vst v63  }
0x48: {  	_ =	swait.ge [sflag:s9], $0x80  }
0x49: {  	s13 =	simm.s32 $0x200;
	[sflag:s9] =	ssyncset.done $0x0  }
.LBB2_2:
0x4a: {  	s14 =	sshra.s32 s13, $0x2;
	[sflag:s9] =	ssyncadd.s32 $0xFFFFFF80;
	p0 =	sne.s32 s13, $0x9C00  }
0x4b: {  	[spmem:s2] =	stream.indirect.scatter.add.f32 [tilespmem:s11], [sflag:$0x1], $0x1, s14, s10, $0xb8;
	[tilespmem:$0x2D78] =	vst v63  }
.Ltmp0:
0x4c: {  	_ = 	snop;
	(pc) =	sbr.rel @p0 .LBB2_2-.Ltmp0, $4  }
0x4d: {  	_ = 	snop  }
0x4e: {  	s13 =	sadd.s32 $0x200, s13  }
0x4f: {  	_ =	swait.ge [sflag:s9], $0x80  }
0x50: {  	[sflag:s9] =	ssyncset.done $0x0  }
0x51: {  	[sflag:s9] =	ssyncadd.s32 $0xFFFFFF80  }
0x52: {  	[bflag:$0x0] =	sbarrier.arrive $0xFFFF  }
0x53: {  	[tilespmem:s8], [sflag:$0x1] =	stream.linear.gather [spmem:s4], $0x278, $0x38;
	[tilespmem:$0x2D78] =	vst v63  }
0x54: {  	s12 =	sadd.s32 $0x1, s12;
	_ =	swait.ge [sflag:s9], $0x278  }
0x55: {  	p0 =	sne.s32 s12, s7;
	[sflag:s9] =	ssyncset.done $0x0  }
.Ltmp1:
0x56: {  	[sflag:s9] =	ssyncadd.s32 $0xFFFFFD88;
	(pc) =	sbr.rel @p0 .LBB2_1-.Ltmp1, $4  }
0x57: {  	[hbm4b:s6+s3] =	stream.linear.scatter [tilespmem:s8], [sflag:$0x1], $0x278, $0x38;
	[tilespmem:$0x2D78] =	vst v63  }
0x58: {  	_ =	swait.ge [sflag:s9], $0x278  }
0x59: {  	[sflag:s9] =	ssyncset.done $0x0  }
0x5a: {  	[sflag:s9] =	ssyncadd.s32 $0xFFFFFD88  }
0x5b: {  	_ =	sfence.sel $0x180000  }
0x5c: {  	[bflag:$0x0] =	sbarrier.arrive $0xFFFF  }
0x5d: {  	p0 =	sne.s32 s1, $0x0;
	_ =	strace $0x90000047  }
0x5e: {  	s0 =	sadd.s32 @!p0 $0x100000, s0;
	[bflag:$0x2] =	sbarrier.arrive $0xFFFF  }
0x5f: {  	[sflag:s0] =	ssyncadd.tile.s32 @!p0 $0x1;
	_ =	shalt  }
.Lfunc_end2:
_tile_overlayer_lowered:
.L_overlay_start_2:
0x60: {  	(tag) =	ssettag $0x2  }
0x61: {  	s0 =	rddreg [dreg:$0x0];
	s2 =	stileid.u32  }
0x62: {  	s1 =	rddreg [dreg:$0x1];
	p0 =	sne.s32 s2, $0x0  }
0x63: {  	s3 =	rddreg [dreg:$0x2];
	[bflag:$0x3] =	sbarrier.arrive $0xFFFF;
	s2 =	simm.s32 @!p0 $0x1C01  }
0x64: {  	[timem:s3], [sflag:s2] =	dma.local @!p0 [hbm:s0], s1  }
0x65: {  	s0 =	simm.s32 @!p0 $0x1  }
0x66: {  	_ =	swait.ge @!p0 [sflag:s0], s1  }
0x67: {  	s1 =	ssub.s32 @!p0 $0x0, s1;
	[sflag:s0] =	ssyncset.done @!p0 $0x0  }
0x68: {  	[sflag:s0] =	ssyncadd.s32 @!p0 s1  }
0x69: {  	[bflag:$0x3] =	sbarrier.arrive $0xFFFF  }
0x6a: {  	_ =	shalt  }

// kernel: kernel.13.cloned.1.call-start
scs
__scs_entry_jumppad:
0x0: {  	(pc) =	sbr.rel $0x88, $3  }
0x1: {  	(tag) =	ssettag $0x0;
	lr =	simm.s32 $0x1  }
0x2: {  	[smem:$0x3F99] =	sst lr;
	_ =	strace $0xD0000000  }
0x3: {  	_ = 	snop  }
0x4: {  	_ = 	snop  }
0x5: {  	_ = 	snop  }
0x6: {  	_ = 	snop  }
0x7: {  	_ = 	snop  }
__scs_overlays_trampoline_lowered:
0x8: {  	[smem:$0x3FA8] =	sst s0  }
0x9: {  	[smem:$0x3FA9] =	sst s1  }
0xa: {  	[smem:$0x3FAA] =	sst s2  }
0xb: {  	[smem:$0x3FAB] =	sst s3  }
0xc: {  	[smem:$0x3FAC] =	sst s4  }
0xd: {  	[smem:$0x3FAD] =	sst s5  }
0xe: {  	[smem:$0x3FAE] =	sst s6  }
0xf: {  	[smem:$0x3FAF] =	sst s7  }
0x10: {  	[smem:$0x3FB0] =	sst s8  }
0x11: {  	[smem:$0x3FB1] =	sst s9;
	s0 =	simm.s32 @!p0 $0x0  }
0x12: {  	s1 =	sld [smem:$0x3F97];
	s0 =	simm.s32 @p0 $0x1  }
0x13: {  	[smem:$0x3FB2] =	sst s0;
	s0 =	simm.s32 @!p1 $0x0  }
0x14: {  	s2 =	sld [smem:$0x3F96];
	s0 =	simm.s32 @p1 $0x1  }
0x15: {  	[smem:$0x3FB3] =	sst s0;
	s0 =	simm.s32 @!p2 $0x0  }
0x16: {  	s3 =	sld [smem:$0x3FDB];
	s0 =	simm.s32 @p2 $0x1  }
0x17: {  	s4 =	simm.s32 $0x1BF5;
	[smem:$0x3FB5] =	sst s0  }
0x18: {  	s0 =	sld [smem:$0x3F98];
	_ =	swait.ge [sflag:s4], $0x0  }
0x19: {  	s7 =	sld [smem:$0x3F99]  }
0x1a: {  	s8 =	sadd.s32 $0xFFFFE003, lr  }
0x1b: {  	s9 =	sadd.s32 $0xFFFFFEF7, lr;
	s5 =	simm.s32 $0xFFFFFFFF;
	p2 =	slt.u32 s8, $0xFFFFF086  }
0x1c: {  	p1 =	slt.u32 s9, $0xF7A;
	s5 =	simm.s32 @!p2 $0x0  }
0x1d: {  	s5 =	simm.s32 @p1 $0x1;
	p0 =	seq.s32 s7, s2  }
0x1e: {  	s7 =	smul.u32 @!p0 $0xF7A, s2;
	p2 =	seq.s32 @!p0 s5, $0x0  }
0x1f: {  	s9 =	smul.u32 $0xF7A, s1;
	s8 =	simm.s32 @!p0 $0x1BF5;
	p2 =	por !p2, p0  }
0x20: {  	[sflag:s8] =	ssyncset.s32 @!p0 $0xFFFFF086;
	s6 =	sadd.s32 @!p0 s3, s7;
	s7 =	simm.s32 @!p0 $0x108  }
0x21: {  	s3 =	sadd.s32 s3, s9;
	s6 =	sadd.s32 @!p0 $0x88, s6;
	s7 =	simm.s32 @p2 $0x1082  }
0x22: {  	[simem:s7], [sflag:s8] =	dma.local @!p0 [hbm:s6], $0xF7A  }
0x23: {  	s9 =	sor.u32 $0xD0000000, s2;
	s6 =	simm.s32 $0x108;
	_ =	swait.ge @!p0 [sflag:s8], $0x0  }
0x24: {  	s3 =	sadd.s32 $0x88, s3;
	s6 =	simm.s32 @!p1 $0x1082;
	[sflag:s4] =	ssyncset.s32 $0xFFFFF086  }
0x25: {  	[simem:s6], [sflag:s4] =	dma.local [hbm:s3], $0xF7A  }
0x26: {  	[smem:$0x3F99] =	sst s1;
	(tag) =	ssettag s2;
	_ =	strace s9  }
0x27: {  	s1 =	sld [smem:$0x3FA9]  }
0x28: {  	s2 =	sld [smem:$0x3FAA]  }
0x29: {  	s4 =	sld [smem:$0x3FAC]  }
0x2a: {  	p0 =	seq.s32 s5, $0x0;
	s5 =	sld [smem:$0x3FAD]  }
0x2b: {  	s6 =	sld [smem:$0x3FAE]  }
0x2c: {  	s7 =	sld [smem:$0x3FAF]  }
0x2d: {  	s3 =	simm.s32 $0x108;
	s8 =	sld [smem:$0x3FB0]  }
0x2e: {  	s3 =	simm.s32 @!p0 $0x1082;
	s9 =	sld [smem:$0x3FB1]  }
0x2f: {  	lr =	sadd.s32 s0, s3;
	s0 =	sld [smem:$0x3FA8]  }
0x30: {  	s3 =	sld [smem:$0x3FAB]  }
0x31: {  	[smem:$0x3FB4] =	sst s10  }
0x32: {  	s10 =	sld [smem:$0x3FB2];
	_ =	sdelay $0x3  }
0x33: {  	p0 =	seq.s32 s10, $0x1;
	s10 =	sld [smem:$0x3FB4];
	_ =	sdelay $0x3  }
0x34: {  	[smem:$0x3FB4] =	sst s10  }
0x35: {  	s10 =	sld [smem:$0x3FB3];
	_ =	sdelay $0x3  }
0x36: {  	p1 =	seq.s32 s10, $0x1;
	s10 =	sld [smem:$0x3FB4];
	_ =	sdelay $0x3  }
0x37: {  	[smem:$0x3FB4] =	sst s10  }
0x38: {  	s10 =	sld [smem:$0x3FB5]  }
0x39: {  	_ = 	snop;
	(pc) =	sbr.ind lr, $3  }
0x3a: {  	_ = 	snop  }
0x3b: {  	_ = 	snop  }
0x3c: {  	p2 =	seq.s32 s10, $0x1;
	s10 =	sld [smem:$0x3FB4]  }
0x3d: {  	_ =	shalt  }
0x3e: {  	_ =	shalt  }
0x3f: {  	_ =	shalt  }
0x40: {  	_ =	shalt  }
0x41: {  	_ =	shalt  }
0x42: {  	_ =	shalt  }
0x43: {  	_ =	shalt  }
0x44: {  	_ =	shalt  }
0x45: {  	_ =	shalt  }
0x46: {  	_ =	shalt  }
0x47: {  	_ =	shalt  }
0x48: {  	_ =	shalt  }
0x49: {  	_ =	shalt  }
0x4a: {  	_ =	shalt  }
0x4b: {  	_ =	shalt  }
0x4c: {  	_ =	shalt  }
0x4d: {  	_ =	shalt  }
0x4e: {  	_ =	shalt  }
0x4f: {  	_ =	shalt  }
0x50: {  	_ =	shalt  }
0x51: {  	_ =	shalt  }
0x52: {  	_ =	shalt  }
0x53: {  	_ =	shalt  }
0x54: {  	_ =	shalt  }
0x55: {  	_ =	shalt  }
0x56: {  	_ =	shalt  }
0x57: {  	_ =	shalt  }
0x58: {  	_ =	shalt  }
0x59: {  	_ =	shalt  }
0x5a: {  	_ =	shalt  }
0x5b: {  	_ =	shalt  }
0x5c: {  	_ =	shalt  }
0x5d: {  	_ =	shalt  }
0x5e: {  	_ =	shalt  }
0x5f: {  	_ =	shalt  }
0x60: {  	_ =	shalt  }
0x61: {  	_ =	shalt  }
0x62: {  	_ =	shalt  }
0x63: {  	_ =	shalt  }
0x64: {  	_ =	shalt  }
0x65: {  	_ =	shalt  }
0x66: {  	_ =	shalt  }
0x67: {  	_ =	shalt  }
0x68: {  	_ =	shalt  }
0x69: {  	_ =	shalt  }
0x6a: {  	_ =	shalt  }
0x6b: {  	_ =	shalt  }
0x6c: {  	_ =	shalt  }
0x6d: {  	_ =	shalt  }
0x6e: {  	_ =	shalt  }
0x6f: {  	_ =	shalt  }
0x70: {  	_ =	shalt  }
0x71: {  	_ =	shalt  }
0x72: {  	_ =	shalt  }
0x73: {  	_ =	shalt  }
0x74: {  	_ =	shalt  }
0x75: {  	_ =	shalt  }
0x76: {  	_ =	shalt  }
0x77: {  	_ =	shalt  }
0x78: {  	_ =	shalt  }
0x79: {  	_ =	shalt  }
0x7a: {  	_ =	shalt  }
0x7b: {  	_ =	shalt  }
0x7c: {  	_ =	shalt  }
0x7d: {  	_ =	shalt  }
0x7e: {  	_ =	shalt  }
0x7f: {  	_ =	shalt  }
0x80: {  	_ =	shalt  }
0x81: {  	_ =	shalt  }
0x82: {  	_ =	shalt  }
0x83: {  	_ =	shalt  }
0x84: {  	_ =	shalt  }
0x85: {  	_ =	shalt  }
0x86: {  	_ =	shalt  }
0x87: {  	_ =	shalt  }
.Lfunc_end0:
.L_simem_size_0:
called_computation.1_lowered:
.L_overlay_start_0:
0x88: {  	s2 =	sld [smem:$0x3FD9]  }
0x89: {  	s3 =	sld [smem:$0x3FFE];
	_ =	sdelay $0x1  }
0x8a: {  	s1 =	srdreg.scid  }
0x8b: {  	s0 =	sand.u32 $0x1, s1  }
0x8c: {  	s17 =	sshll.u32 s0, $0xA;
	s2 =	sadd.s32 s3, s2  }
0x8d: {  	s2 =	sadd.s32 s2, s17  }
0x8e: {  	[smem:$0x3FC0] =	sst s2  }
0x8f: {  	_ = 	snop  }
0x90: {  	s2 =	sld [smem:$0x3FD0];
	(tm) =	ssettm $0x1  }
0x91: {  	s18 =	sld [smem:$0x3FFB];
	_ =	sdelay $0x3  }
0x92: {  	_ =	strace s18  }
0x93: {  	s3 =	sld [smem:$0x3FFC];
	_ =	sdelay $0x3  }
0x94: {  	_ =	strace s3  }
0x95: {  	s3 =	sld [smem:$0x3FFD];
	_ =	sdelay $0x3  }
0x96: {  	_ =	strace s3  }
0x97: {  	_ =	strace $0x8FFFFFFF  }
0x98: {  	s19 =	sld [smem:$0x3FDB];
	_ =	sdelay $0x1  }
0x99: {  	s4 =	simm.s32 $_scs_section_size  }
0x9a: {  	s5 =	simm.s32 $_size__tile_overlayer_lowered;
	s6 =	simm.s32 $_tile_overlayer_lowered  }
0x9b: {  	s22 =	simm.s32 $0x1BFF;
	s21 =	sshll.u32 s6, $0x1;
	s3 =	sadd.s32 s4, s19  }
0x9c: {  	s7 =	simm.s32 $0x0;
	s20 =	sshll.u32 s5, $0x1;
	s5 =	sadd.s32 s21, s3  }
0x9d: {  	[timem:s7], [sflag:s22] =	dma.local [hbm:s5], s20  }
0x9e: {  	_ =	swait.ge [sflag:s22], s20  }
0x9f: {  	s4 =	ssub.s32 $0x0, s20;
	[sflag:s22] =	ssyncset.done $0x0  }
0xa0: {  	[sflag:s22] =	ssyncadd.s32 s4;
	_ =	sdelay $0x1  }
0xa1: {  	s23 =	simm.s32 $0x1B8B  }
0xa2: {  	_ =	swait.ge [sflag:s23], $0x1  }
0xa3: {  	[sflag:s23] =	ssyncset.done $0x0  }
0xa4: {  	s25 =	simm.s32 $0x1B8E;
	s24 =	sld [smem:$0x3FFE];
	[sflag:s23] =	ssyncadd.s32 $0xFFFFFFFF  }
0xa5: {  	s26 =	simm.s32 $execute0_lowered;
	[smem:$0x3FD2] =	sst s25  }
0xa6: {  	s5 =	sshll.u32 s26, $0x1;
	_ =	strace $0x80000049;
	[dreg:$0x1] =	wrdreg $0xFFFFFFFF  }
0xa7: {  	s28 =	simm.s32 $_size_execute0_lowered;
	s3 =	sadd.s32 s3, s5;
	[dreg:$0x0] =	wrdreg $0x0  }
0xa8: {  	s5 =	sshll.u32 s28, $0x1;
	[dreg:$0x2] =	wrdreg s3  }
0xa9: {  	[dreg:$0x3] =	wrdreg s5  }
0xaa: {  	[dreg:$0x4] =	wrdreg $0xC0  }
0xab: {  	_ =	task [dreg:s7], $0x5FFFF  }
0xac: {  	[dreg:$0x1] =	wrdreg $0xFFFFFFFF  }
0xad: {  	[dreg:$0x0] =	wrdreg $0x60  }
0xae: {  	[dreg:$0x2] =	wrdreg s2  }
0xaf: {  	[dreg:$0x3] =	wrdreg s24  }
0xb0: {  	[dreg:$0x4] =	wrdreg $0x90000  }
0xb1: {  	[dreg:$0x5] =	wrdreg $0x9  }
0xb2: {  	_ =	task.clear_ibuf [dreg:s7], $0x6FFFF;
	_ =	strace $0x90000049  }
0xb3: {  	s29 =	simm.s32 $0x9;
	_ =	strace $0x8000004B  }
0xb4: {  	_ =	swait.ge [sflag:s29], $0x1  }
0xb5: {  	[sflag:s29] =	ssyncadd.s32 $0xFFFFFFFF  }
0xb6: {  	_ =	strace $0x9000004B  }
0xb7: {  	_ =	sfence  }
0xb8: {  	s30 =	sld [smem:$0x0];
	_ =	sdelay $0x2  }
0xb9: {  	s31 =	sshll.u32 s1, $0xD;
	s1 =	sshrl.u32 s1, $0x2  }
0xba: {  	s3 =	sand.u32 $0x4000, s31;
	s1 =	sadd.s32 s1, s30  }
0xbb: {  	s0 =	sor.u32 s3, s0;
	s1 =	sshll.u32 s1, $0x11  }
0xbc: {  	s0 =	sor.u32 s1, s0  }
0xbd: {  	s0 =	sadd.s32 $0x8F2B, s0  }
0xbe: {  	[sflag:s0] =	ssyncadd.remote.s32 $0x1  }
0xbf: {  	_ =	sfence.sel $0xFFFF  }
0xc0: {  	[dreg:$0x0] =	wrdreg $0xFFFFFFFF;
	(pc) =	sbr.abs _section_cstart, $3  }
0xc1: {  	[dreg:$0x1] =	wrdreg $0xFFFFFFFF  }
0xc2: {  	_ =	task.clear_ibuf [dreg:s7], $0x2FFFF;
	_ =	strace $0x9FFFFFFF  }
0xc3: {  	(tm) =	ssettm $0x7FFFFFFF  }
tec
execute0_lowered:
.L_overlay_start_1:
0x0: {  	(tag) =	ssettag $0x1  }
0x1: {  	s1 =	rddreg [dreg:$0x0];
	s2 =	srdreg.scid  }
0x2: {  	s0 =	stileid.u32;
	s5 =	rddreg [dreg:$0x1]  }
0x3: {  	s3 =	rddreg [dreg:$0x2];
	s4 =	simm.s32 $0x0;
	s21 =	simm.s32 $0x80  }
0x4: {  	s22 =	simm.s32 $0x1;
	s23 =	simm.s32 $0x0;
	s7 =	sand.u32 $0x1, s2  }
0x5: {  	s28 =	sshll.u32 s0, $0x1;
	s2 =	rddreg [dreg:$0x3];
	s8 =	smul.u32 $0x50000, s0  }
0x6: {  	[smem:$0x7FF] =	sst s4;
	s11 =	smul.u32 $0x14000, s0;
	s16 =	sadd.s32 $0x3F200, s5  }
0x7: {  	s6 =	sor.u32 s7, s28;
	s9 =	ssub.s32 $0x2, s7;
	s19 =	smul.u32 $0x140000, s7  }
0x8: {  	_ =	strace $0x8000004A;
	s6 =	smul.u32 $0x500, s6;
	s29 =	sshrl.u32 s9, $0x1  }
0x9: {  	s30 =	sshrl.u32 s8, $0x2;
	s13 =	sadd.s32 $0x4000, s11;
	s14 =	sadd.s32 $0x8000, s11  }
0xa: {  	s15 =	sadd.s32 $0xC000, s11;
	s18 =	sadd.s32 $0x10000, s11;
	s17 =	ssub.s32 s9, s29  }
0xb: {  	s7 =	sadd.s32 s14, s3;
	s8 =	sadd.s32 s15, s3;
	s9 =	sadd.s32 s18, s3  }
0xc: {  	s20 =	sadd.s32 s11, s19;
	s14 =	sadd.s32 s19, s14;
	s15 =	sadd.s32 s19, s15  }
0xd: {  	s18 =	sadd.s32 s19, s18;
	s12 =	sadd.s32 s6, s5;
	s5 =	sadd.s32 s30, s3  }
0xe: {  	s6 =	sadd.s32 s13, s3;
	s13 =	sadd.s32 s19, s13;
	s31 =	sshrl.u32 s20, $0x3  }
0xf: {  	s14 =	sshrl.u32 s14, $0x3;
	s15 =	sshrl.u32 s15, $0x3;
	s18 =	sshrl.u32 s18, $0x3  }
0x10: {  	s17 =	smax.u32 s17, $0x1;
	s19 =	simm.s32 $0x2;
	s20 =	simm.s32 $0x2800  }
0x11: {  	s10 =	sadd.s32 $0xE000, s12;
	s11 =	sadd.s32 $0x4000, s12;
	s13 =	sshrl.u32 s13, $0x3  }
0x12: {  	s12 =	sadd.s32 s16, s31;
	s14 =	sadd.s32 s16, s14;
	s15 =	sadd.s32 s16, s15  }
0x13: {  	v0 =	vimm.f32 $0.0e+00;
	s13 =	sadd.s32 s16, s13;
	s16 =	sadd.s32 s16, s18;
	s18 =	simm.s32 $0x5000  }
.LBB2_1:
0x14: {  	s24 =	sand.u32 $0xFE00, s4  }
0x15: {  	s25 =	sand.u32 $0x70, s4;
	s26 =	sshrl.u32 s24, $0x2  }
0x16: {  	s24 =	simm.s32 $0x40;
	s26 =	sor.u32 s25, s26;
	s25 =	simm.s32 $0x0  }
.LBB2_2:
0x17: {  	p0 =	sne.s32 s24, $0xFFC0  }
0x18: {  	[tilespmem:s26+$0x5000] =	vst v0;
	s25 =	sadd.s32 $0x10, s25;
	s26 =	smov.u32 s24;
	s24 =	sadd.s32 $0x40, s24  }
.Ltmp0:
0x19: {  	(pc) =	sbr.rel @p0 .LBB2_2-.Ltmp0, $4  }
0x1a: {  	_ = 	snop  }
0x1b: {  	s26 =	sand.u32 $0xFE00, s26  }
0x1c: {  	s28 =	sand.u32 $0x70, s25;
	s26 =	sshrl.u32 s26, $0x2  }
0x1d: {  	s26 =	sor.u32 s28, s26  }
0x1e: {  	[tilespmem:s26+$0x5000] =	vst v0  }
0x1f: {  	[spmem:s5] =	stream.linear.scatter [tilespmem:s18], [sflag:$0x2], $0x4000, $0x38;
	[tilespmem:$0x1D000] =	vst v63  }
0x20: {  	_ =	swait.ge [sflag:s19], $0x4000  }
0x21: {  	[sflag:s19] =	ssyncset.done $0x0  }
0x22: {  	[sflag:s19] =	ssyncadd.s32 $0xFFFFC000  }
0x23: {  	[spmem:s6] =	stream.linear.scatter [tilespmem:s18], [sflag:$0x2], $0x4000, $0x38;
	[tilespmem:$0x1D000] =	vst v63  }
0x24: {  	_ =	swait.ge [sflag:s19], $0x4000  }
0x25: {  	[sflag:s19] =	ssyncset.done $0x0  }
0x26: {  	[sflag:s19] =	ssyncadd.s32 $0xFFFFC000  }
0x27: {  	[spmem:s7] =	stream.linear.scatter [tilespmem:s18], [sflag:$0x2], $0x4000, $0x38;
	[tilespmem:$0x1D000] =	vst v63  }
0x28: {  	_ =	swait.ge [sflag:s19], $0x4000  }
0x29: {  	[sflag:s19] =	ssyncset.done $0x0  }
0x2a: {  	[sflag:s19] =	ssyncadd.s32 $0xFFFFC000  }
0x2b: {  	[spmem:s8] =	stream.linear.scatter [tilespmem:s18], [sflag:$0x2], $0x4000, $0x38;
	[tilespmem:$0x1D000] =	vst v63  }
0x2c: {  	_ =	swait.ge [sflag:s19], $0x4000  }
0x2d: {  	[sflag:s19] =	ssyncset.done $0x0  }
0x2e: {  	[sflag:s19] =	ssyncadd.s32 $0xFFFFC000  }
0x2f: {  	[spmem:s9] =	stream.linear.scatter [tilespmem:s18], [sflag:$0x2], $0x4000, $0x38;
	[tilespmem:$0x1D000] =	vst v63  }
0x30: {  	_ =	swait.ge [sflag:s19], $0x4000  }
0x31: {  	[sflag:s19] =	ssyncset.done $0x0  }
0x32: {  	[sflag:s19] =	ssyncadd.s32 $0xFFFFC000  }
0x33: {  	s24 =	simm.s32 $0x0;
	[bflag:$0x0] =	sbarrier.arrive $0xFFFF  }
0x34: {  	[tilespmem:s24], [sflag:$0x2] =	stream.linear.gather [hbm4b:s10+s24], $0x2780, $0x38;
	[tilespmem:$0x1D000] =	vst v63  }
0x35: {  	_ =	swait.ge [sflag:s19], $0x2780  }
0x36: {  	[sflag:s19] =	ssyncset.done $0x0  }
0x37: {  	[sflag:s19] =	ssyncadd.s32 $0xFFFFD880  }
0x38: {  	[tilespmem:s20], [sflag:$0x2] =	stream.linear.gather [hbm4b:s11+s24], $0x2780, $0x38;
	[tilespmem:$0x1D000] =	vst v63  }
0x39: {  	_ =	swait.ge [sflag:s19], $0x2780  }
0x3a: {  	[sflag:s19] =	ssyncset.done $0x0  }
0x3b: {  	s30 =	simm.s32 $0x0;
	[sflag:s19] =	ssyncadd.s32 $0xFFFFD880  }
0x3c: {  	[tilespmem:s18], [sflag:$0x1] =	stream.indirect.gather [hbm4b:s1+s21], $0x80, s30, s21, $0xb8;
	[tilespmem:$0x1D000] =	vst v63  }
0x3d: {  	_ =	swait.ge [sflag:s22], $0x4000  }
0x3e: {  	[sflag:s22] =	ssyncset.done $0x0  }
0x3f: {  	s31 =	simm.s32 $0x2800;
	[sflag:s22] =	ssyncadd.s32 $0xFFFFC000  }
0x40: {  	[spmem:s3] =	stream.indirect.scatter.add.f32 [tilespmem:s18], [sflag:$0x2], $0x80, s31, s21, $0xb8;
	[tilespmem:$0x1D000] =	vst v63  }
0x41: {  	_ =	swait.ge [sflag:s19], $0x4000  }
0x42: {  	s25 =	simm.s32 $0x400;
	s24 =	simm.s32 $0x200;
	[sflag:s19] =	ssyncset.done $0x0  }
.LBB2_4:
0x43: {  	s26 =	sshra.s32 s24, $0x2  }
0x44: {  	[sflag:s19] =	ssyncadd.s32 $0xFFFFC000;
	s24 =	smov.u32 s25;
	s28 =	sadd.s32 $0x200, s25  }
0x45: {  	[tilespmem:s18], [sflag:$0x1] =	stream.indirect.gather [hbm4b:s1+s21], $0x80, s26, s21, $0xb8;
	[tilespmem:$0x1D000] =	vst v63  }
0x46: {  	p0 =	sne.s32 s25, $0x9C00;
	_ =	swait.ge [sflag:s22], $0x4000  }
.Ltmp1:
0x47: {  	[sflag:s22] =	ssyncset.done $0x0;
	(pc) =	sbr.rel @p0 .LBB2_4-.Ltmp1, $4  }
0x48: {  	s25 =	sadd.s32 $0x2800, s26;
	[sflag:s22] =	ssyncadd.s32 $0xFFFFC000  }
0x49: {  	[spmem:s3] =	stream.indirect.scatter.add.f32 [tilespmem:s18], [sflag:$0x2], $0x80, s25, s21, $0xb8;
	[tilespmem:$0x1D000] =	vst v63  }
0x4a: {  	_ =	swait.ge [sflag:s19], $0x4000  }
0x4b: {  	s25 =	smov.u32 s28;
	[sflag:s19] =	ssyncset.done $0x0  }
0x4c: {  	s24 =	sshra.s32 s24, $0x2;
	[sflag:s19] =	ssyncadd.s32 $0xFFFFC000  }
0x4d: {  	[tilespmem:s18], [sflag:$0x1] =	stream.indirect.gather [hbm4b:s1+s21], $0x80, s24, s21, $0xb8;
	[tilespmem:$0x1D000] =	vst v63  }
0x4e: {  	_ =	swait.ge [sflag:s22], $0x4000  }
0x4f: {  	[sflag:s22] =	ssyncset.done $0x0  }
0x50: {  	s24 =	sadd.s32 $0x2800, s24;
	[sflag:s22] =	ssyncadd.s32 $0xFFFFC000  }
0x51: {  	[spmem:s3] =	stream.indirect.scatter.add.f32 [tilespmem:s18], [sflag:$0x2], $0x80, s24, s21, $0xb8;
	[tilespmem:$0x1D000] =	vst v63  }
0x52: {  	_ =	swait.ge [sflag:s19], $0x4000  }
0x53: {  	[sflag:s19] =	ssyncset.done $0x0  }
0x54: {  	[sflag:s19] =	ssyncadd.s32 $0xFFFFC000  }
0x55: {  	[bflag:$0x0] =	sbarrier.arrive $0xFFFF  }
0x56: {  	[tilespmem:s18], [sflag:$0x2] =	stream.linear.gather [spmem:s5], $0x4000, $0x38;
	[tilespmem:$0x1D000] =	vst v63  }
0x57: {  	_ =	swait.ge [sflag:s19], $0x4000  }
0x58: {  	[sflag:s19] =	ssyncset.done $0x0  }
0x59: {  	[sflag:s19] =	ssyncadd.s32 $0xFFFFC000  }
0x5a: {  	[hbm4b:s12+s4] =	stream.linear.scatter [tilespmem:s18], [sflag:$0x2], $0x4000, $0x38;
	[tilespmem:$0x1D000] =	vst v63  }
0x5b: {  	_ =	swait.ge [sflag:s19], $0x4000  }
0x5c: {  	[sflag:s19] =	ssyncset.done $0x0  }
0x5d: {  	[sflag:s19] =	ssyncadd.s32 $0xFFFFC000  }
0x5e: {  	[tilespmem:s18], [sflag:$0x2] =	stream.linear.gather [spmem:s6], $0x4000, $0x38;
	[tilespmem:$0x1D000] =	vst v63  }
0x5f: {  	_ =	swait.ge [sflag:s19], $0x4000  }
0x60: {  	[sflag:s19] =	ssyncset.done $0x0  }
0x61: {  	[sflag:s19] =	ssyncadd.s32 $0xFFFFC000  }
0x62: {  	[hbm4b:s13+s4] =	stream.linear.scatter [tilespmem:s18], [sflag:$0x2], $0x4000, $0x38;
	[tilespmem:$0x1D000] =	vst v63  }
0x63: {  	_ =	swait.ge [sflag:s19], $0x4000  }
0x64: {  	[sflag:s19] =	ssyncset.done $0x0  }
0x65: {  	[sflag:s19] =	ssyncadd.s32 $0xFFFFC000  }
0x66: {  	[tilespmem:s18], [sflag:$0x2] =	stream.linear.gather [spmem:s7], $0x4000, $0x38;
	[tilespmem:$0x1D000] =	vst v63  }
0x67: {  	_ =	swait.ge [sflag:s19], $0x4000  }
0x68: {  	[sflag:s19] =	ssyncset.done $0x0  }
0x69: {  	[sflag:s19] =	ssyncadd.s32 $0xFFFFC000  }
0x6a: {  	[hbm4b:s14+s4] =	stream.linear.scatter [tilespmem:s18], [sflag:$0x2], $0x4000, $0x38;
	[tilespmem:$0x1D000] =	vst v63  }
0x6b: {  	_ =	swait.ge [sflag:s19], $0x4000  }
0x6c: {  	[sflag:s19] =	ssyncset.done $0x0  }
0x6d: {  	[sflag:s19] =	ssyncadd.s32 $0xFFFFC000  }
0x6e: {  	[tilespmem:s18], [sflag:$0x2] =	stream.linear.gather [spmem:s8], $0x4000, $0x38;
	[tilespmem:$0x1D000] =	vst v63  }
0x6f: {  	_ =	swait.ge [sflag:s19], $0x4000  }
0x70: {  	[sflag:s19] =	ssyncset.done $0x0  }
0x71: {  	[sflag:s19] =	ssyncadd.s32 $0xFFFFC000  }
0x72: {  	[hbm4b:s15+s4] =	stream.linear.scatter [tilespmem:s18], [sflag:$0x2], $0x4000, $0x38;
	[tilespmem:$0x1D000] =	vst v63  }
0x73: {  	_ =	swait.ge [sflag:s19], $0x4000  }
0x74: {  	[sflag:s19] =	ssyncset.done $0x0  }
0x75: {  	[sflag:s19] =	ssyncadd.s32 $0xFFFFC000  }
0x76: {  	[tilespmem:s18], [sflag:$0x2] =	stream.linear.gather [spmem:s9], $0x4000, $0x38;
	[tilespmem:$0x1D000] =	vst v63  }
0x77: {  	s23 =	sadd.s32 $0x1, s23;
	_ =	swait.ge [sflag:s19], $0x4000  }
0x78: {  	p0 =	sne.s32 s23, s17;
	[sflag:s19] =	ssyncset.done $0x0  }
.Ltmp2:
0x79: {  	[sflag:s19] =	ssyncadd.s32 $0xFFFFC000;
	(pc) =	sbr.rel @p0 .LBB2_1-.Ltmp2, $4  }
0x7a: {  	[hbm4b:s16+s4] =	stream.linear.scatter [tilespmem:s18], [sflag:$0x2], $0x4000, $0x38;
	[tilespmem:$0x1D000] =	vst v63  }
0x7b: {  	_ =	swait.ge [sflag:s19], $0x4000  }
0x7c: {  	[sflag:s19] =	ssyncset.done $0x0  }
0x7d: {  	[sflag:s19] =	ssyncadd.s32 $0xFFFFC000  }
0x7e: {  	_ =	sfence.sel $0x180000  }
0x7f: {  	[bflag:$0x0] =	sbarrier.arrive $0xFFFF  }
0x80: {  	p0 =	sne.s32 s0, $0x0;
	_ =	strace $0x9000004A  }
0x81: {  	s0 =	sadd.s32 @!p0 $0x100000, s2;
	[bflag:$0x2] =	sbarrier.arrive $0xFFFF  }
0x82: {  	[sflag:s0] =	ssyncadd.tile.s32 @!p0 $0x1;
	_ =	shalt  }
.Lfunc_end2:
_tile_overlayer_lowered:
.L_overlay_start_2:
0x83: {  	(tag) =	ssettag $0x2  }
0x84: {  	s0 =	rddreg [dreg:$0x0];
	s2 =	stileid.u32  }
0x85: {  	s1 =	rddreg [dreg:$0x1];
	p0 =	sne.s32 s2, $0x0  }
0x86: {  	s3 =	rddreg [dreg:$0x2];
	[bflag:$0x3] =	sbarrier.arrive $0xFFFF;
	s2 =	simm.s32 @!p0 $0x1C02  }
0x87: {  	[timem:s3], [sflag:s2] =	dma.local @!p0 [hbm:s0], s1  }
0x88: {  	s0 =	simm.s32 @!p0 $0x2  }
0x89: {  	_ =	swait.ge @!p0 [sflag:s0], s1  }
0x8a: {  	s1 =	ssub.s32 @!p0 $0x0, s1;
	[sflag:s0] =	ssyncset.done @!p0 $0x0  }
0x8b: {  	[sflag:s0] =	ssyncadd.s32 @!p0 s1  }
0x8c: {  	[bflag:$0x3] =	sbarrier.arrive $0xFFFF  }
0x8d: {  	_ =	shalt  }

// kernel: kernel.16.cloned.1.call-start
scs
__scs_entry_jumppad:
0x0: {  	(pc) =	sbr.rel $0x88, $3  }
0x1: {  	(tag) =	ssettag $0x0;
	lr =	simm.s32 $0x1  }
0x2: {  	[smem:$0x3F99] =	sst lr;
	_ =	strace $0xD0000000  }
0x3: {  	_ = 	snop  }
0x4: {  	_ = 	snop  }
0x5: {  	_ = 	snop  }
0x6: {  	_ = 	snop  }
0x7: {  	_ = 	snop  }
__scs_overlays_trampoline_lowered:
0x8: {  	[smem:$0x3FA8] =	sst s0  }
0x9: {  	[smem:$0x3FA9] =	sst s1  }
0xa: {  	[smem:$0x3FAA] =	sst s2  }
0xb: {  	[smem:$0x3FAB] =	sst s3  }
0xc: {  	[smem:$0x3FAC] =	sst s4  }
0xd: {  	[smem:$0x3FAD] =	sst s5  }
0xe: {  	[smem:$0x3FAE] =	sst s6  }
0xf: {  	[smem:$0x3FAF] =	sst s7  }
0x10: {  	[smem:$0x3FB0] =	sst s8  }
0x11: {  	[smem:$0x3FB1] =	sst s9;
	s0 =	simm.s32 @!p0 $0x0  }
0x12: {  	s1 =	sld [smem:$0x3F97];
	s0 =	simm.s32 @p0 $0x1  }
0x13: {  	[smem:$0x3FB2] =	sst s0;
	s0 =	simm.s32 @!p1 $0x0  }
0x14: {  	s2 =	sld [smem:$0x3F96];
	s0 =	simm.s32 @p1 $0x1  }
0x15: {  	[smem:$0x3FB3] =	sst s0;
	s0 =	simm.s32 @!p2 $0x0  }
0x16: {  	s3 =	sld [smem:$0x3FDB];
	s0 =	simm.s32 @p2 $0x1  }
0x17: {  	s4 =	simm.s32 $0x1BF5;
	[smem:$0x3FB5] =	sst s0  }
0x18: {  	s0 =	sld [smem:$0x3F98];
	_ =	swait.ge [sflag:s4], $0x0  }
0x19: {  	s7 =	sld [smem:$0x3F99]  }
0x1a: {  	s8 =	sadd.s32 $0xFFFFE003, lr  }
0x1b: {  	s9 =	sadd.s32 $0xFFFFFEF7, lr;
	s5 =	simm.s32 $0xFFFFFFFF;
	p2 =	slt.u32 s8, $0xFFFFF086  }
0x1c: {  	p1 =	slt.u32 s9, $0xF7A;
	s5 =	simm.s32 @!p2 $0x0  }
0x1d: {  	s5 =	simm.s32 @p1 $0x1;
	p0 =	seq.s32 s7, s2  }
0x1e: {  	s7 =	smul.u32 @!p0 $0xF7A, s2;
	p2 =	seq.s32 @!p0 s5, $0x0  }
0x1f: {  	s9 =	smul.u32 $0xF7A, s1;
	s8 =	simm.s32 @!p0 $0x1BF5;
	p2 =	por !p2, p0  }
0x20: {  	[sflag:s8] =	ssyncset.s32 @!p0 $0xFFFFF086;
	s6 =	sadd.s32 @!p0 s3, s7;
	s7 =	simm.s32 @!p0 $0x108  }
0x21: {  	s3 =	sadd.s32 s3, s9;
	s6 =	sadd.s32 @!p0 $0x88, s6;
	s7 =	simm.s32 @p2 $0x1082  }
0x22: {  	[simem:s7], [sflag:s8] =	dma.local @!p0 [hbm:s6], $0xF7A  }
0x23: {  	s9 =	sor.u32 $0xD0000000, s2;
	s6 =	simm.s32 $0x108;
	_ =	swait.ge @!p0 [sflag:s8], $0x0  }
0x24: {  	s3 =	sadd.s32 $0x88, s3;
	s6 =	simm.s32 @!p1 $0x1082;
	[sflag:s4] =	ssyncset.s32 $0xFFFFF086  }
0x25: {  	[simem:s6], [sflag:s4] =	dma.local [hbm:s3], $0xF7A  }
0x26: {  	[smem:$0x3F99] =	sst s1;
	(tag) =	ssettag s2;
	_ =	strace s9  }
0x27: {  	s1 =	sld [smem:$0x3FA9]  }
0x28: {  	s2 =	sld [smem:$0x3FAA]  }
0x29: {  	s4 =	sld [smem:$0x3FAC]  }
0x2a: {  	p0 =	seq.s32 s5, $0x0;
	s5 =	sld [smem:$0x3FAD]  }
0x2b: {  	s6 =	sld [smem:$0x3FAE]  }
0x2c: {  	s7 =	sld [smem:$0x3FAF]  }
0x2d: {  	s3 =	simm.s32 $0x108;
	s8 =	sld [smem:$0x3FB0]  }
0x2e: {  	s3 =	simm.s32 @!p0 $0x1082;
	s9 =	sld [smem:$0x3FB1]  }
0x2f: {  	lr =	sadd.s32 s0, s3;
	s0 =	sld [smem:$0x3FA8]  }
0x30: {  	s3 =	sld [smem:$0x3FAB]  }
0x31: {  	[smem:$0x3FB4] =	sst s10  }
0x32: {  	s10 =	sld [smem:$0x3FB2];
	_ =	sdelay $0x3  }
0x33: {  	p0 =	seq.s32 s10, $0x1;
	s10 =	sld [smem:$0x3FB4];
	_ =	sdelay $0x3  }
0x34: {  	[smem:$0x3FB4] =	sst s10  }
0x35: {  	s10 =	sld [smem:$0x3FB3];
	_ =	sdelay $0x3  }
0x36: {  	p1 =	seq.s32 s10, $0x1;
	s10 =	sld [smem:$0x3FB4];
	_ =	sdelay $0x3  }
0x37: {  	[smem:$0x3FB4] =	sst s10  }
0x38: {  	s10 =	sld [smem:$0x3FB5]  }
0x39: {  	_ = 	snop;
	(pc) =	sbr.ind lr, $3  }
0x3a: {  	_ = 	snop  }
0x3b: {  	_ = 	snop  }
0x3c: {  	p2 =	seq.s32 s10, $0x1;
	s10 =	sld [smem:$0x3FB4]  }
0x3d: {  	_ =	shalt  }
0x3e: {  	_ =	shalt  }
0x3f: {  	_ =	shalt  }
0x40: {  	_ =	shalt  }
0x41: {  	_ =	shalt  }
0x42: {  	_ =	shalt  }
0x43: {  	_ =	shalt  }
0x44: {  	_ =	shalt  }
0x45: {  	_ =	shalt  }
0x46: {  	_ =	shalt  }
0x47: {  	_ =	shalt  }
0x48: {  	_ =	shalt  }
0x49: {  	_ =	shalt  }
0x4a: {  	_ =	shalt  }
0x4b: {  	_ =	shalt  }
0x4c: {  	_ =	shalt  }
0x4d: {  	_ =	shalt  }
0x4e: {  	_ =	shalt  }
0x4f: {  	_ =	shalt  }
0x50: {  	_ =	shalt  }
0x51: {  	_ =	shalt  }
0x52: {  	_ =	shalt  }
0x53: {  	_ =	shalt  }
0x54: {  	_ =	shalt  }
0x55: {  	_ =	shalt  }
0x56: {  	_ =	shalt  }
0x57: {  	_ =	shalt  }
0x58: {  	_ =	shalt  }
0x59: {  	_ =	shalt  }
0x5a: {  	_ =	shalt  }
0x5b: {  	_ =	shalt  }
0x5c: {  	_ =	shalt  }
0x5d: {  	_ =	shalt  }
0x5e: {  	_ =	shalt  }
0x5f: {  	_ =	shalt  }
0x60: {  	_ =	shalt  }
0x61: {  	_ =	shalt  }
0x62: {  	_ =	shalt  }
0x63: {  	_ =	shalt  }
0x64: {  	_ =	shalt  }
0x65: {  	_ =	shalt  }
0x66: {  	_ =	shalt  }
0x67: {  	_ =	shalt  }
0x68: {  	_ =	shalt  }
0x69: {  	_ =	shalt  }
0x6a: {  	_ =	shalt  }
0x6b: {  	_ =	shalt  }
0x6c: {  	_ =	shalt  }
0x6d: {  	_ =	shalt  }
0x6e: {  	_ =	shalt  }
0x6f: {  	_ =	shalt  }
0x70: {  	_ =	shalt  }
0x71: {  	_ =	shalt  }
0x72: {  	_ =	shalt  }
0x73: {  	_ =	shalt  }
0x74: {  	_ =	shalt  }
0x75: {  	_ =	shalt  }
0x76: {  	_ =	shalt  }
0x77: {  	_ =	shalt  }
0x78: {  	_ =	shalt  }
0x79: {  	_ =	shalt  }
0x7a: {  	_ =	shalt  }
0x7b: {  	_ =	shalt  }
0x7c: {  	_ =	shalt  }
0x7d: {  	_ =	shalt  }
0x7e: {  	_ =	shalt  }
0x7f: {  	_ =	shalt  }
0x80: {  	_ =	shalt  }
0x81: {  	_ =	shalt  }
0x82: {  	_ =	shalt  }
0x83: {  	_ =	shalt  }
0x84: {  	_ =	shalt  }
0x85: {  	_ =	shalt  }
0x86: {  	_ =	shalt  }
0x87: {  	_ =	shalt  }
.Lfunc_end0:
.L_simem_size_0:
called_computation.2_lowered:
.L_overlay_start_0:
0x88: {  	s2 =	sld [smem:$0x3FD9]  }
0x89: {  	s3 =	sld [smem:$0x3FFE];
	_ =	sdelay $0x1  }
0x8a: {  	s1 =	srdreg.scid  }
0x8b: {  	s0 =	sand.u32 $0x1, s1  }
0x8c: {  	s17 =	sshll.u32 s0, $0xA;
	s2 =	sadd.s32 s3, s2  }
0x8d: {  	s2 =	sadd.s32 s2, s17  }
0x8e: {  	[smem:$0x3FC0] =	sst s2  }
0x8f: {  	_ = 	snop  }
0x90: {  	s2 =	sld [smem:$0x3FD0];
	(tm) =	ssettm $0x1  }
0x91: {  	s18 =	sld [smem:$0x3FFB];
	_ =	sdelay $0x3  }
0x92: {  	_ =	strace s18  }
0x93: {  	s3 =	sld [smem:$0x3FFC];
	_ =	sdelay $0x3  }
0x94: {  	_ =	strace s3  }
0x95: {  	s3 =	sld [smem:$0x3FFD];
	_ =	sdelay $0x3  }
0x96: {  	_ =	strace s3  }
0x97: {  	_ =	strace $0x8FFFFFFF  }
0x98: {  	s19 =	sld [smem:$0x3FDB];
	_ =	sdelay $0x1  }
0x99: {  	s4 =	simm.s32 $_scs_section_size  }
0x9a: {  	s5 =	simm.s32 $_size__tile_overlayer_lowered;
	s6 =	simm.s32 $_tile_overlayer_lowered  }
0x9b: {  	s22 =	simm.s32 $0x1BFF;
	s21 =	sshll.u32 s6, $0x1;
	s3 =	sadd.s32 s4, s19  }
0x9c: {  	s7 =	simm.s32 $0x0;
	s20 =	sshll.u32 s5, $0x1;
	s5 =	sadd.s32 s21, s3  }
0x9d: {  	[timem:s7], [sflag:s22] =	dma.local [hbm:s5], s20  }
0x9e: {  	_ =	swait.ge [sflag:s22], s20  }
0x9f: {  	s4 =	ssub.s32 $0x0, s20;
	[sflag:s22] =	ssyncset.done $0x0  }
0xa0: {  	[sflag:s22] =	ssyncadd.s32 s4;
	_ =	sdelay $0x1  }
0xa1: {  	s23 =	simm.s32 $0x1B8B  }
0xa2: {  	_ =	swait.ge [sflag:s23], $0x1  }
0xa3: {  	[sflag:s23] =	ssyncset.done $0x0  }
0xa4: {  	s25 =	simm.s32 $0x1B8E;
	s24 =	sld [smem:$0x3FFE];
	[sflag:s23] =	ssyncadd.s32 $0xFFFFFFFF  }
0xa5: {  	s26 =	simm.s32 $execute0_lowered;
	[smem:$0x3FD2] =	sst s25  }
0xa6: {  	s5 =	sshll.u32 s26, $0x1;
	_ =	strace $0x8000004C;
	[dreg:$0x1] =	wrdreg $0xFFFFFFFF  }
0xa7: {  	s28 =	simm.s32 $_size_execute0_lowered;
	s3 =	sadd.s32 s3, s5;
	[dreg:$0x0] =	wrdreg $0x0  }
0xa8: {  	s5 =	sshll.u32 s28, $0x1;
	[dreg:$0x2] =	wrdreg s3  }
0xa9: {  	[dreg:$0x3] =	wrdreg s5  }
0xaa: {  	[dreg:$0x4] =	wrdreg $0xC0  }
0xab: {  	_ =	task [dreg:s7], $0x5FFFF  }
0xac: {  	[dreg:$0x1] =	wrdreg $0xFFFFFFFF  }
0xad: {  	[dreg:$0x0] =	wrdreg $0x60  }
0xae: {  	[dreg:$0x2] =	wrdreg s2  }
0xaf: {  	[dreg:$0x3] =	wrdreg s24  }
0xb0: {  	[dreg:$0x4] =	wrdreg $0x90000  }
0xb1: {  	[dreg:$0x5] =	wrdreg $0x9  }
0xb2: {  	_ =	task.clear_ibuf [dreg:s7], $0x6FFFF;
	_ =	strace $0x9000004C  }
0xb3: {  	s29 =	simm.s32 $0x9;
	_ =	strace $0x8000004E  }
0xb4: {  	_ =	swait.ge [sflag:s29], $0x1  }
0xb5: {  	[sflag:s29] =	ssyncadd.s32 $0xFFFFFFFF  }
0xb6: {  	_ =	strace $0x9000004E  }
0xb7: {  	_ =	sfence  }
0xb8: {  	s30 =	sld [smem:$0x0];
	_ =	sdelay $0x2  }
0xb9: {  	s31 =	sshll.u32 s1, $0xD;
	s1 =	sshrl.u32 s1, $0x2  }
0xba: {  	s3 =	sand.u32 $0x4000, s31;
	s1 =	sadd.s32 s1, s30  }
0xbb: {  	s0 =	sor.u32 s3, s0;
	s1 =	sshll.u32 s1, $0x11  }
0xbc: {  	s0 =	sor.u32 s1, s0  }
0xbd: {  	s0 =	sadd.s32 $0x8F2B, s0  }
0xbe: {  	[sflag:s0] =	ssyncadd.remote.s32 $0x1  }
0xbf: {  	_ =	sfence.sel $0xFFFF  }
0xc0: {  	[dreg:$0x0] =	wrdreg $0xFFFFFFFF;
	(pc) =	sbr.abs _section_cstart, $3  }
0xc1: {  	[dreg:$0x1] =	wrdreg $0xFFFFFFFF  }
0xc2: {  	_ =	task.clear_ibuf [dreg:s7], $0x2FFFF;
	_ =	strace $0x9FFFFFFF  }
0xc3: {  	(tm) =	ssettm $0x7FFFFFFF  }
tec
execute0_lowered:
.L_overlay_start_1:
0x0: {  	(tag) =	ssettag $0x1  }
0x1: {  	s1 =	rddreg [dreg:$0x0];
	s2 =	srdreg.scid  }
0x2: {  	s0 =	stileid.u32;
	s5 =	rddreg [dreg:$0x1]  }
0x3: {  	s3 =	rddreg [dreg:$0x2];
	s4 =	simm.s32 $0x0;
	s21 =	simm.s32 $0x80  }
0x4: {  	s22 =	simm.s32 $0x1;
	s23 =	simm.s32 $0x0;
	s7 =	sand.u32 $0x1, s2  }
0x5: {  	s28 =	sshll.u32 s0, $0x1;
	s2 =	rddreg [dreg:$0x3];
	s8 =	smul.u32 $0x50000, s0  }
0x6: {  	[smem:$0x7FF] =	sst s4;
	s11 =	smul.u32 $0x14000, s0;
	s16 =	sadd.s32 $0x3F200, s5  }
0x7: {  	s6 =	sor.u32 s7, s28;
	s9 =	ssub.s32 $0x2, s7;
	s19 =	smul.u32 $0x140000, s7  }
0x8: {  	_ =	strace $0x8000004D;
	s6 =	smul.u32 $0x500, s6;
	s29 =	sshrl.u32 s9, $0x1  }
0x9: {  	s30 =	sshrl.u32 s8, $0x2;
	s13 =	sadd.s32 $0x4000, s11;
	s14 =	sadd.s32 $0x8000, s11  }
0xa: {  	s15 =	sadd.s32 $0xC000, s11;
	s18 =	sadd.s32 $0x10000, s11;
	s17 =	ssub.s32 s9, s29  }
0xb: {  	s7 =	sadd.s32 s14, s3;
	s8 =	sadd.s32 s15, s3;
	s9 =	sadd.s32 s18, s3  }
0xc: {  	s20 =	sadd.s32 s11, s19;
	s14 =	sadd.s32 s19, s14;
	s15 =	sadd.s32 s19, s15  }
0xd: {  	s18 =	sadd.s32 s19, s18;
	s12 =	sadd.s32 s6, s5;
	s5 =	sadd.s32 s30, s3  }
0xe: {  	s6 =	sadd.s32 s13, s3;
	s13 =	sadd.s32 s19, s13;
	s31 =	sshrl.u32 s20, $0x3  }
0xf: {  	s14 =	sshrl.u32 s14, $0x3;
	s15 =	sshrl.u32 s15, $0x3;
	s18 =	sshrl.u32 s18, $0x3  }
0x10: {  	s17 =	smax.u32 s17, $0x1;
	s19 =	simm.s32 $0x2;
	s20 =	simm.s32 $0x2800  }
0x11: {  	s10 =	sadd.s32 $0xE000, s12;
	s11 =	sadd.s32 $0x4000, s12;
	s13 =	sshrl.u32 s13, $0x3  }
0x12: {  	s12 =	sadd.s32 s16, s31;
	s14 =	sadd.s32 s16, s14;
	s15 =	sadd.s32 s16, s15  }
0x13: {  	v0 =	vimm.f32 $0.0e+00;
	s13 =	sadd.s32 s16, s13;
	s16 =	sadd.s32 s16, s18;
	s18 =	simm.s32 $0x5000  }
.LBB2_1:
0x14: {  	s24 =	sand.u32 $0xFE00, s4  }
0x15: {  	s25 =	sand.u32 $0x70, s4;
	s26 =	sshrl.u32 s24, $0x2  }
0x16: {  	s24 =	simm.s32 $0x40;
	s26 =	sor.u32 s25, s26;
	s25 =	simm.s32 $0x0  }
.LBB2_2:
0x17: {  	p0 =	sne.s32 s24, $0xFFC0  }
0x18: {  	[tilespmem:s26+$0x5000] =	vst v0;
	s25 =	sadd.s32 $0x10, s25;
	s26 =	smov.u32 s24;
	s24 =	sadd.s32 $0x40, s24  }
.Ltmp0:
0x19: {  	(pc) =	sbr.rel @p0 .LBB2_2-.Ltmp0, $4  }
0x1a: {  	_ = 	snop  }
0x1b: {  	s26 =	sand.u32 $0xFE00, s26  }
0x1c: {  	s28 =	sand.u32 $0x70, s25;
	s26 =	sshrl.u32 s26, $0x2  }
0x1d: {  	s26 =	sor.u32 s28, s26  }
0x1e: {  	[tilespmem:s26+$0x5000] =	vst v0  }
0x1f: {  	[spmem:s5] =	stream.linear.scatter [tilespmem:s18], [sflag:$0x2], $0x4000, $0x38;
	[tilespmem:$0x1D000] =	vst v63  }
0x20: {  	_ =	swait.ge [sflag:s19], $0x4000  }
0x21: {  	[sflag:s19] =	ssyncset.done $0x0  }
0x22: {  	[sflag:s19] =	ssyncadd.s32 $0xFFFFC000  }
0x23: {  	[spmem:s6] =	stream.linear.scatter [tilespmem:s18], [sflag:$0x2], $0x4000, $0x38;
	[tilespmem:$0x1D000] =	vst v63  }
0x24: {  	_ =	swait.ge [sflag:s19], $0x4000  }
0x25: {  	[sflag:s19] =	ssyncset.done $0x0  }
0x26: {  	[sflag:s19] =	ssyncadd.s32 $0xFFFFC000  }
0x27: {  	[spmem:s7] =	stream.linear.scatter [tilespmem:s18], [sflag:$0x2], $0x4000, $0x38;
	[tilespmem:$0x1D000] =	vst v63  }
0x28: {  	_ =	swait.ge [sflag:s19], $0x4000  }
0x29: {  	[sflag:s19] =	ssyncset.done $0x0  }
0x2a: {  	[sflag:s19] =	ssyncadd.s32 $0xFFFFC000  }
0x2b: {  	[spmem:s8] =	stream.linear.scatter [tilespmem:s18], [sflag:$0x2], $0x4000, $0x38;
	[tilespmem:$0x1D000] =	vst v63  }
0x2c: {  	_ =	swait.ge [sflag:s19], $0x4000  }
0x2d: {  	[sflag:s19] =	ssyncset.done $0x0  }
0x2e: {  	[sflag:s19] =	ssyncadd.s32 $0xFFFFC000  }
0x2f: {  	[spmem:s9] =	stream.linear.scatter [tilespmem:s18], [sflag:$0x2], $0x4000, $0x38;
	[tilespmem:$0x1D000] =	vst v63  }
0x30: {  	_ =	swait.ge [sflag:s19], $0x4000  }
0x31: {  	[sflag:s19] =	ssyncset.done $0x0  }
0x32: {  	[sflag:s19] =	ssyncadd.s32 $0xFFFFC000  }
0x33: {  	s24 =	simm.s32 $0x0;
	[bflag:$0x0] =	sbarrier.arrive $0xFFFF  }
0x34: {  	[tilespmem:s24], [sflag:$0x2] =	stream.linear.gather [hbm4b:s10+s24], $0x2780, $0x38;
	[tilespmem:$0x1D000] =	vst v63  }
0x35: {  	_ =	swait.ge [sflag:s19], $0x2780  }
0x36: {  	[sflag:s19] =	ssyncset.done $0x0  }
0x37: {  	[sflag:s19] =	ssyncadd.s32 $0xFFFFD880  }
0x38: {  	[tilespmem:s20], [sflag:$0x2] =	stream.linear.gather [hbm4b:s11+s24], $0x2780, $0x38;
	[tilespmem:$0x1D000] =	vst v63  }
0x39: {  	_ =	swait.ge [sflag:s19], $0x2780  }
0x3a: {  	[sflag:s19] =	ssyncset.done $0x0  }
0x3b: {  	s30 =	simm.s32 $0x0;
	[sflag:s19] =	ssyncadd.s32 $0xFFFFD880  }
0x3c: {  	[tilespmem:s18], [sflag:$0x1] =	stream.indirect.gather [hbm4b:s1+s21], $0x80, s30, s21, $0xb8;
	[tilespmem:$0x1D000] =	vst v63  }
0x3d: {  	_ =	swait.ge [sflag:s22], $0x4000  }
0x3e: {  	[sflag:s22] =	ssyncset.done $0x0  }
0x3f: {  	s31 =	simm.s32 $0x2800;
	[sflag:s22] =	ssyncadd.s32 $0xFFFFC000  }
0x40: {  	[spmem:s3] =	stream.indirect.scatter.add.f32 [tilespmem:s18], [sflag:$0x2], $0x80, s31, s21, $0xb8;
	[tilespmem:$0x1D000] =	vst v63  }
0x41: {  	_ =	swait.ge [sflag:s19], $0x4000  }
0x42: {  	s25 =	simm.s32 $0x400;
	s24 =	simm.s32 $0x200;
	[sflag:s19] =	ssyncset.done $0x0  }
.LBB2_4:
0x43: {  	s26 =	sshra.s32 s24, $0x2  }
0x44: {  	[sflag:s19] =	ssyncadd.s32 $0xFFFFC000;
	s24 =	smov.u32 s25;
	s28 =	sadd.s32 $0x200, s25  }
0x45: {  	[tilespmem:s18], [sflag:$0x1] =	stream.indirect.gather [hbm4b:s1+s21], $0x80, s26, s21, $0xb8;
	[tilespmem:$0x1D000] =	vst v63  }
0x46: {  	p0 =	sne.s32 s25, $0x9C00;
	_ =	swait.ge [sflag:s22], $0x4000  }
.Ltmp1:
0x47: {  	[sflag:s22] =	ssyncset.done $0x0;
	(pc) =	sbr.rel @p0 .LBB2_4-.Ltmp1, $4  }
0x48: {  	s25 =	sadd.s32 $0x2800, s26;
	[sflag:s22] =	ssyncadd.s32 $0xFFFFC000  }
0x49: {  	[spmem:s3] =	stream.indirect.scatter.add.f32 [tilespmem:s18], [sflag:$0x2], $0x80, s25, s21, $0xb8;
	[tilespmem:$0x1D000] =	vst v63  }
0x4a: {  	_ =	swait.ge [sflag:s19], $0x4000  }
0x4b: {  	s25 =	smov.u32 s28;
	[sflag:s19] =	ssyncset.done $0x0  }
0x4c: {  	s24 =	sshra.s32 s24, $0x2;
	[sflag:s19] =	ssyncadd.s32 $0xFFFFC000  }
0x4d: {  	[tilespmem:s18], [sflag:$0x1] =	stream.indirect.gather [hbm4b:s1+s21], $0x80, s24, s21, $0xb8;
	[tilespmem:$0x1D000] =	vst v63  }
0x4e: {  	_ =	swait.ge [sflag:s22], $0x4000  }
0x4f: {  	[sflag:s22] =	ssyncset.done $0x0  }
0x50: {  	s24 =	sadd.s32 $0x2800, s24;
	[sflag:s22] =	ssyncadd.s32 $0xFFFFC000  }
0x51: {  	[spmem:s3] =	stream.indirect.scatter.add.f32 [tilespmem:s18], [sflag:$0x2], $0x80, s24, s21, $0xb8;
	[tilespmem:$0x1D000] =	vst v63  }
0x52: {  	_ =	swait.ge [sflag:s19], $0x4000  }
0x53: {  	[sflag:s19] =	ssyncset.done $0x0  }
0x54: {  	[sflag:s19] =	ssyncadd.s32 $0xFFFFC000  }
0x55: {  	[bflag:$0x0] =	sbarrier.arrive $0xFFFF  }
0x56: {  	[tilespmem:s18], [sflag:$0x2] =	stream.linear.gather [spmem:s5], $0x4000, $0x38;
	[tilespmem:$0x1D000] =	vst v63  }
0x57: {  	_ =	swait.ge [sflag:s19], $0x4000  }
0x58: {  	[sflag:s19] =	ssyncset.done $0x0  }
0x59: {  	[sflag:s19] =	ssyncadd.s32 $0xFFFFC000  }
0x5a: {  	[hbm4b:s12+s4] =	stream.linear.scatter [tilespmem:s18], [sflag:$0x2], $0x4000, $0x38;
	[tilespmem:$0x1D000] =	vst v63  }
0x5b: {  	_ =	swait.ge [sflag:s19], $0x4000  }
0x5c: {  	[sflag:s19] =	ssyncset.done $0x0  }
0x5d: {  	[sflag:s19] =	ssyncadd.s32 $0xFFFFC000  }
0x5e: {  	[tilespmem:s18], [sflag:$0x2] =	stream.linear.gather [spmem:s6], $0x4000, $0x38;
	[tilespmem:$0x1D000] =	vst v63  }
0x5f: {  	_ =	swait.ge [sflag:s19], $0x4000  }
0x60: {  	[sflag:s19] =	ssyncset.done $0x0  }
0x61: {  	[sflag:s19] =	ssyncadd.s32 $0xFFFFC000  }
0x62: {  	[hbm4b:s13+s4] =	stream.linear.scatter [tilespmem:s18], [sflag:$0x2], $0x4000, $0x38;
	[tilespmem:$0x1D000] =	vst v63  }
0x63: {  	_ =	swait.ge [sflag:s19], $0x4000  }
0x64: {  	[sflag:s19] =	ssyncset.done $0x0  }
0x65: {  	[sflag:s19] =	ssyncadd.s32 $0xFFFFC000  }
0x66: {  	[tilespmem:s18], [sflag:$0x2] =	stream.linear.gather [spmem:s7], $0x4000, $0x38;
	[tilespmem:$0x1D000] =	vst v63  }
0x67: {  	_ =	swait.ge [sflag:s19], $0x4000  }
0x68: {  	[sflag:s19] =	ssyncset.done $0x0  }
0x69: {  	[sflag:s19] =	ssyncadd.s32 $0xFFFFC000  }
0x6a: {  	[hbm4b:s14+s4] =	stream.linear.scatter [tilespmem:s18], [sflag:$0x2], $0x4000, $0x38;
	[tilespmem:$0x1D000] =	vst v63  }
0x6b: {  	_ =	swait.ge [sflag:s19], $0x4000  }
0x6c: {  	[sflag:s19] =	ssyncset.done $0x0  }
0x6d: {  	[sflag:s19] =	ssyncadd.s32 $0xFFFFC000  }
0x6e: {  	[tilespmem:s18], [sflag:$0x2] =	stream.linear.gather [spmem:s8], $0x4000, $0x38;
	[tilespmem:$0x1D000] =	vst v63  }
0x6f: {  	_ =	swait.ge [sflag:s19], $0x4000  }
0x70: {  	[sflag:s19] =	ssyncset.done $0x0  }
0x71: {  	[sflag:s19] =	ssyncadd.s32 $0xFFFFC000  }
0x72: {  	[hbm4b:s15+s4] =	stream.linear.scatter [tilespmem:s18], [sflag:$0x2], $0x4000, $0x38;
	[tilespmem:$0x1D000] =	vst v63  }
0x73: {  	_ =	swait.ge [sflag:s19], $0x4000  }
0x74: {  	[sflag:s19] =	ssyncset.done $0x0  }
0x75: {  	[sflag:s19] =	ssyncadd.s32 $0xFFFFC000  }
0x76: {  	[tilespmem:s18], [sflag:$0x2] =	stream.linear.gather [spmem:s9], $0x4000, $0x38;
	[tilespmem:$0x1D000] =	vst v63  }
0x77: {  	s23 =	sadd.s32 $0x1, s23;
	_ =	swait.ge [sflag:s19], $0x4000  }
0x78: {  	p0 =	sne.s32 s23, s17;
	[sflag:s19] =	ssyncset.done $0x0  }
.Ltmp2:
0x79: {  	[sflag:s19] =	ssyncadd.s32 $0xFFFFC000;
	(pc) =	sbr.rel @p0 .LBB2_1-.Ltmp2, $4  }
0x7a: {  	[hbm4b:s16+s4] =	stream.linear.scatter [tilespmem:s18], [sflag:$0x2], $0x4000, $0x38;
	[tilespmem:$0x1D000] =	vst v63  }
0x7b: {  	_ =	swait.ge [sflag:s19], $0x4000  }
0x7c: {  	[sflag:s19] =	ssyncset.done $0x0  }
0x7d: {  	[sflag:s19] =	ssyncadd.s32 $0xFFFFC000  }
0x7e: {  	_ =	sfence.sel $0x180000  }
0x7f: {  	[bflag:$0x0] =	sbarrier.arrive $0xFFFF  }
0x80: {  	p0 =	sne.s32 s0, $0x0;
	_ =	strace $0x9000004D  }
0x81: {  	s0 =	sadd.s32 @!p0 $0x100000, s2;
	[bflag:$0x2] =	sbarrier.arrive $0xFFFF  }
0x82: {  	[sflag:s0] =	ssyncadd.tile.s32 @!p0 $0x1;
	_ =	shalt  }
.Lfunc_end2:
_tile_overlayer_lowered:
.L_overlay_start_2:
0x83: {  	(tag) =	ssettag $0x2  }
0x84: {  	s0 =	rddreg [dreg:$0x0];
	s2 =	stileid.u32  }
0x85: {  	s1 =	rddreg [dreg:$0x1];
	p0 =	sne.s32 s2, $0x0  }
0x86: {  	s3 =	rddreg [dreg:$0x2];
	[bflag:$0x3] =	sbarrier.arrive $0xFFFF;
	s2 =	simm.s32 @!p0 $0x1C02  }
0x87: {  	[timem:s3], [sflag:s2] =	dma.local @!p0 [hbm:s0], s1  }
0x88: {  	s0 =	simm.s32 @!p0 $0x2  }
0x89: {  	_ =	swait.ge @!p0 [sflag:s0], s1  }
0x8a: {  	s1 =	ssub.s32 @!p0 $0x0, s1;
	[sflag:s0] =	ssyncset.done @!p0 $0x0  }
0x8b: {  	[sflag:s0] =	ssyncadd.s32 @!p0 s1  }
0x8c: {  	[bflag:$0x3] =	sbarrier.arrive $0xFFFF  }
0x8d: {  	_ =	shalt  }

// kernel: kernel.19.cloned.1.call-start
scs
__scs_entry_jumppad:
0x0: {  	(pc) =	sbr.rel $0x88, $3  }
0x1: {  	(tag) =	ssettag $0x0;
	lr =	simm.s32 $0x1  }
0x2: {  	[smem:$0x3F99] =	sst lr;
	_ =	strace $0xD0000000  }
0x3: {  	_ = 	snop  }
0x4: {  	_ = 	snop  }
0x5: {  	_ = 	snop  }
0x6: {  	_ = 	snop  }
0x7: {  	_ = 	snop  }
__scs_overlays_trampoline_lowered:
0x8: {  	[smem:$0x3FA8] =	sst s0  }
0x9: {  	[smem:$0x3FA9] =	sst s1  }
0xa: {  	[smem:$0x3FAA] =	sst s2  }
0xb: {  	[smem:$0x3FAB] =	sst s3  }
0xc: {  	[smem:$0x3FAC] =	sst s4  }
0xd: {  	[smem:$0x3FAD] =	sst s5  }
0xe: {  	[smem:$0x3FAE] =	sst s6  }
0xf: {  	[smem:$0x3FAF] =	sst s7  }
0x10: {  	[smem:$0x3FB0] =	sst s8  }
0x11: {  	[smem:$0x3FB1] =	sst s9;
	s0 =	simm.s32 @!p0 $0x0  }
0x12: {  	s1 =	sld [smem:$0x3F97];
	s0 =	simm.s32 @p0 $0x1  }
0x13: {  	[smem:$0x3FB2] =	sst s0;
	s0 =	simm.s32 @!p1 $0x0  }
0x14: {  	s2 =	sld [smem:$0x3F96];
	s0 =	simm.s32 @p1 $0x1  }
0x15: {  	[smem:$0x3FB3] =	sst s0;
	s0 =	simm.s32 @!p2 $0x0  }
0x16: {  	s3 =	sld [smem:$0x3FDB];
	s0 =	simm.s32 @p2 $0x1  }
0x17: {  	s4 =	simm.s32 $0x1BF5;
	[smem:$0x3FB5] =	sst s0  }
0x18: {  	s0 =	sld [smem:$0x3F98];
	_ =	swait.ge [sflag:s4], $0x0  }
0x19: {  	s7 =	sld [smem:$0x3F99]  }
0x1a: {  	s8 =	sadd.s32 $0xFFFFE003, lr  }
0x1b: {  	s9 =	sadd.s32 $0xFFFFFEF7, lr;
	s5 =	simm.s32 $0xFFFFFFFF;
	p2 =	slt.u32 s8, $0xFFFFF086  }
0x1c: {  	p1 =	slt.u32 s9, $0xF7A;
	s5 =	simm.s32 @!p2 $0x0  }
0x1d: {  	s5 =	simm.s32 @p1 $0x1;
	p0 =	seq.s32 s7, s2  }
0x1e: {  	s7 =	smul.u32 @!p0 $0xF7A, s2;
	p2 =	seq.s32 @!p0 s5, $0x0  }
0x1f: {  	s9 =	smul.u32 $0xF7A, s1;
	s8 =	simm.s32 @!p0 $0x1BF5;
	p2 =	por !p2, p0  }
0x20: {  	[sflag:s8] =	ssyncset.s32 @!p0 $0xFFFFF086;
	s6 =	sadd.s32 @!p0 s3, s7;
	s7 =	simm.s32 @!p0 $0x108  }
0x21: {  	s3 =	sadd.s32 s3, s9;
	s6 =	sadd.s32 @!p0 $0x88, s6;
	s7 =	simm.s32 @p2 $0x1082  }
0x22: {  	[simem:s7], [sflag:s8] =	dma.local @!p0 [hbm:s6], $0xF7A  }
0x23: {  	s9 =	sor.u32 $0xD0000000, s2;
	s6 =	simm.s32 $0x108;
	_ =	swait.ge @!p0 [sflag:s8], $0x0  }
0x24: {  	s3 =	sadd.s32 $0x88, s3;
	s6 =	simm.s32 @!p1 $0x1082;
	[sflag:s4] =	ssyncset.s32 $0xFFFFF086  }
0x25: {  	[simem:s6], [sflag:s4] =	dma.local [hbm:s3], $0xF7A  }
0x26: {  	[smem:$0x3F99] =	sst s1;
	(tag) =	ssettag s2;
	_ =	strace s9  }
0x27: {  	s1 =	sld [smem:$0x3FA9]  }
0x28: {  	s2 =	sld [smem:$0x3FAA]  }
0x29: {  	s4 =	sld [smem:$0x3FAC]  }
0x2a: {  	p0 =	seq.s32 s5, $0x0;
	s5 =	sld [smem:$0x3FAD]  }
0x2b: {  	s6 =	sld [smem:$0x3FAE]  }
0x2c: {  	s7 =	sld [smem:$0x3FAF]  }
0x2d: {  	s3 =	simm.s32 $0x108;
	s8 =	sld [smem:$0x3FB0]  }
0x2e: {  	s3 =	simm.s32 @!p0 $0x1082;
	s9 =	sld [smem:$0x3FB1]  }
0x2f: {  	lr =	sadd.s32 s0, s3;
	s0 =	sld [smem:$0x3FA8]  }
0x30: {  	s3 =	sld [smem:$0x3FAB]  }
0x31: {  	[smem:$0x3FB4] =	sst s10  }
0x32: {  	s10 =	sld [smem:$0x3FB2];
	_ =	sdelay $0x3  }
0x33: {  	p0 =	seq.s32 s10, $0x1;
	s10 =	sld [smem:$0x3FB4];
	_ =	sdelay $0x3  }
0x34: {  	[smem:$0x3FB4] =	sst s10  }
0x35: {  	s10 =	sld [smem:$0x3FB3];
	_ =	sdelay $0x3  }
0x36: {  	p1 =	seq.s32 s10, $0x1;
	s10 =	sld [smem:$0x3FB4];
	_ =	sdelay $0x3  }
0x37: {  	[smem:$0x3FB4] =	sst s10  }
0x38: {  	s10 =	sld [smem:$0x3FB5]  }
0x39: {  	_ = 	snop;
	(pc) =	sbr.ind lr, $3  }
0x3a: {  	_ = 	snop  }
0x3b: {  	_ = 	snop  }
0x3c: {  	p2 =	seq.s32 s10, $0x1;
	s10 =	sld [smem:$0x3FB4]  }
0x3d: {  	_ =	shalt  }
0x3e: {  	_ =	shalt  }
0x3f: {  	_ =	shalt  }
0x40: {  	_ =	shalt  }
0x41: {  	_ =	shalt  }
0x42: {  	_ =	shalt  }
0x43: {  	_ =	shalt  }
0x44: {  	_ =	shalt  }
0x45: {  	_ =	shalt  }
0x46: {  	_ =	shalt  }
0x47: {  	_ =	shalt  }
0x48: {  	_ =	shalt  }
0x49: {  	_ =	shalt  }
0x4a: {  	_ =	shalt  }
0x4b: {  	_ =	shalt  }
0x4c: {  	_ =	shalt  }
0x4d: {  	_ =	shalt  }
0x4e: {  	_ =	shalt  }
0x4f: {  	_ =	shalt  }
0x50: {  	_ =	shalt  }
0x51: {  	_ =	shalt  }
0x52: {  	_ =	shalt  }
0x53: {  	_ =	shalt  }
0x54: {  	_ =	shalt  }
0x55: {  	_ =	shalt  }
0x56: {  	_ =	shalt  }
0x57: {  	_ =	shalt  }
0x58: {  	_ =	shalt  }
0x59: {  	_ =	shalt  }
0x5a: {  	_ =	shalt  }
0x5b: {  	_ =	shalt  }
0x5c: {  	_ =	shalt  }
0x5d: {  	_ =	shalt  }
0x5e: {  	_ =	shalt  }
0x5f: {  	_ =	shalt  }
0x60: {  	_ =	shalt  }
0x61: {  	_ =	shalt  }
0x62: {  	_ =	shalt  }
0x63: {  	_ =	shalt  }
0x64: {  	_ =	shalt  }
0x65: {  	_ =	shalt  }
0x66: {  	_ =	shalt  }
0x67: {  	_ =	shalt  }
0x68: {  	_ =	shalt  }
0x69: {  	_ =	shalt  }
0x6a: {  	_ =	shalt  }
0x6b: {  	_ =	shalt  }
0x6c: {  	_ =	shalt  }
0x6d: {  	_ =	shalt  }
0x6e: {  	_ =	shalt  }
0x6f: {  	_ =	shalt  }
0x70: {  	_ =	shalt  }
0x71: {  	_ =	shalt  }
0x72: {  	_ =	shalt  }
0x73: {  	_ =	shalt  }
0x74: {  	_ =	shalt  }
0x75: {  	_ =	shalt  }
0x76: {  	_ =	shalt  }
0x77: {  	_ =	shalt  }
0x78: {  	_ =	shalt  }
0x79: {  	_ =	shalt  }
0x7a: {  	_ =	shalt  }
0x7b: {  	_ =	shalt  }
0x7c: {  	_ =	shalt  }
0x7d: {  	_ =	shalt  }
0x7e: {  	_ =	shalt  }
0x7f: {  	_ =	shalt  }
0x80: {  	_ =	shalt  }
0x81: {  	_ =	shalt  }
0x82: {  	_ =	shalt  }
0x83: {  	_ =	shalt  }
0x84: {  	_ =	shalt  }
0x85: {  	_ =	shalt  }
0x86: {  	_ =	shalt  }
0x87: {  	_ =	shalt  }
.Lfunc_end0:
.L_simem_size_0:
called_computation.3_lowered:
.L_overlay_start_0:
0x88: {  	s2 =	sld [smem:$0x3FD9]  }
0x89: {  	s3 =	sld [smem:$0x3FFE];
	_ =	sdelay $0x1  }
0x8a: {  	s1 =	srdreg.scid  }
0x8b: {  	s0 =	sand.u32 $0x1, s1  }
0x8c: {  	s17 =	sshll.u32 s0, $0xA;
	s2 =	sadd.s32 s3, s2  }
0x8d: {  	s2 =	sadd.s32 s2, s17  }
0x8e: {  	[smem:$0x3FC0] =	sst s2  }
0x8f: {  	_ = 	snop  }
0x90: {  	s2 =	sld [smem:$0x3FD0];
	(tm) =	ssettm $0x1  }
0x91: {  	s18 =	sld [smem:$0x3FFB];
	_ =	sdelay $0x3  }
0x92: {  	_ =	strace s18  }
0x93: {  	s3 =	sld [smem:$0x3FFC];
	_ =	sdelay $0x3  }
0x94: {  	_ =	strace s3  }
0x95: {  	s3 =	sld [smem:$0x3FFD];
	_ =	sdelay $0x3  }
0x96: {  	_ =	strace s3  }
0x97: {  	_ =	strace $0x8FFFFFFF  }
0x98: {  	s19 =	sld [smem:$0x3FDB];
	_ =	sdelay $0x1  }
0x99: {  	s4 =	simm.s32 $_scs_section_size  }
0x9a: {  	s5 =	simm.s32 $_size__tile_overlayer_lowered;
	s6 =	simm.s32 $_tile_overlayer_lowered  }
0x9b: {  	s22 =	simm.s32 $0x1BFF;
	s21 =	sshll.u32 s6, $0x1;
	s3 =	sadd.s32 s4, s19  }
0x9c: {  	s7 =	simm.s32 $0x0;
	s20 =	sshll.u32 s5, $0x1;
	s5 =	sadd.s32 s21, s3  }
0x9d: {  	[timem:s7], [sflag:s22] =	dma.local [hbm:s5], s20  }
0x9e: {  	_ =	swait.ge [sflag:s22], s20  }
0x9f: {  	s4 =	ssub.s32 $0x0, s20;
	[sflag:s22] =	ssyncset.done $0x0  }
0xa0: {  	[sflag:s22] =	ssyncadd.s32 s4;
	_ =	sdelay $0x1  }
0xa1: {  	s23 =	simm.s32 $0x1B8B  }
0xa2: {  	_ =	swait.ge [sflag:s23], $0x1  }
0xa3: {  	[sflag:s23] =	ssyncset.done $0x0  }
0xa4: {  	s25 =	simm.s32 $0x1B8E;
	s24 =	sld [smem:$0x3FFE];
	[sflag:s23] =	ssyncadd.s32 $0xFFFFFFFF  }
0xa5: {  	s26 =	simm.s32 $execute0_lowered;
	[smem:$0x3FD2] =	sst s25  }
0xa6: {  	s5 =	sshll.u32 s26, $0x1;
	_ =	strace $0x8000004F;
	[dreg:$0x1] =	wrdreg $0xFFFFFFFF  }
0xa7: {  	s28 =	simm.s32 $_size_execute0_lowered;
	s3 =	sadd.s32 s3, s5;
	[dreg:$0x0] =	wrdreg $0x0  }
0xa8: {  	s5 =	sshll.u32 s28, $0x1;
	[dreg:$0x2] =	wrdreg s3  }
0xa9: {  	[dreg:$0x3] =	wrdreg s5  }
0xaa: {  	[dreg:$0x4] =	wrdreg $0xC0  }
0xab: {  	_ =	task [dreg:s7], $0x5FFFF  }
0xac: {  	[dreg:$0x1] =	wrdreg $0xFFFFFFFF  }
0xad: {  	[dreg:$0x0] =	wrdreg $0x60  }
0xae: {  	[dreg:$0x2] =	wrdreg s2  }
0xaf: {  	[dreg:$0x3] =	wrdreg s24  }
0xb0: {  	[dreg:$0x4] =	wrdreg $0x90000  }
0xb1: {  	[dreg:$0x5] =	wrdreg $0x9  }
0xb2: {  	_ =	task.clear_ibuf [dreg:s7], $0x6FFFF;
	_ =	strace $0x9000004F  }
0xb3: {  	s29 =	simm.s32 $0x9;
	_ =	strace $0x80000051  }
0xb4: {  	_ =	swait.ge [sflag:s29], $0x1  }
0xb5: {  	[sflag:s29] =	ssyncadd.s32 $0xFFFFFFFF  }
0xb6: {  	_ =	strace $0x90000051  }
0xb7: {  	_ =	sfence  }
0xb8: {  	s30 =	sld [smem:$0x0];
	_ =	sdelay $0x2  }
0xb9: {  	s31 =	sshll.u32 s1, $0xD;
	s1 =	sshrl.u32 s1, $0x2  }
0xba: {  	s3 =	sand.u32 $0x4000, s31;
	s1 =	sadd.s32 s1, s30  }
0xbb: {  	s0 =	sor.u32 s3, s0;
	s1 =	sshll.u32 s1, $0x11  }
0xbc: {  	s0 =	sor.u32 s1, s0  }
0xbd: {  	s0 =	sadd.s32 $0x8F2B, s0  }
0xbe: {  	[sflag:s0] =	ssyncadd.remote.s32 $0x1  }
0xbf: {  	_ =	sfence.sel $0xFFFF  }
0xc0: {  	[dreg:$0x0] =	wrdreg $0xFFFFFFFF;
	(pc) =	sbr.abs _section_cstart, $3  }
0xc1: {  	[dreg:$0x1] =	wrdreg $0xFFFFFFFF  }
0xc2: {  	_ =	task.clear_ibuf [dreg:s7], $0x2FFFF;
	_ =	strace $0x9FFFFFFF  }
0xc3: {  	(tm) =	ssettm $0x7FFFFFFF  }
tec
execute0_lowered:
.L_overlay_start_1:
0x0: {  	(tag) =	ssettag $0x1  }
0x1: {  	s1 =	rddreg [dreg:$0x0];
	s2 =	srdreg.scid  }
0x2: {  	s0 =	stileid.u32;
	s5 =	rddreg [dreg:$0x1]  }
0x3: {  	s3 =	rddreg [dreg:$0x2];
	s4 =	simm.s32 $0x0;
	s21 =	simm.s32 $0x80  }
0x4: {  	s22 =	simm.s32 $0x1;
	s23 =	simm.s32 $0x0;
	s7 =	sand.u32 $0x1, s2  }
0x5: {  	s28 =	sshll.u32 s0, $0x1;
	s2 =	rddreg [dreg:$0x3];
	s8 =	smul.u32 $0x50000, s0  }
0x6: {  	[smem:$0x7FF] =	sst s4;
	s11 =	smul.u32 $0x14000, s0;
	s16 =	sadd.s32 $0x3F200, s5  }
0x7: {  	s6 =	sor.u32 s7, s28;
	s9 =	ssub.s32 $0x2, s7;
	s19 =	smul.u32 $0x140000, s7  }
0x8: {  	_ =	strace $0x80000050;
	s6 =	smul.u32 $0x500, s6;
	s29 =	sshrl.u32 s9, $0x1  }
0x9: {  	s30 =	sshrl.u32 s8, $0x2;
	s13 =	sadd.s32 $0x4000, s11;
	s14 =	sadd.s32 $0x8000, s11  }
0xa: {  	s15 =	sadd.s32 $0xC000, s11;
	s18 =	sadd.s32 $0x10000, s11;
	s17 =	ssub.s32 s9, s29  }
0xb: {  	s7 =	sadd.s32 s14, s3;
	s8 =	sadd.s32 s15, s3;
	s9 =	sadd.s32 s18, s3  }
0xc: {  	s20 =	sadd.s32 s11, s19;
	s14 =	sadd.s32 s19, s14;
	s15 =	sadd.s32 s19, s15  }
0xd: {  	s18 =	sadd.s32 s19, s18;
	s12 =	sadd.s32 s6, s5;
	s5 =	sadd.s32 s30, s3  }
0xe: {  	s6 =	sadd.s32 s13, s3;
	s13 =	sadd.s32 s19, s13;
	s31 =	sshrl.u32 s20, $0x3  }
0xf: {  	s14 =	sshrl.u32 s14, $0x3;
	s15 =	sshrl.u32 s15, $0x3;
	s18 =	sshrl.u32 s18, $0x3  }
0x10: {  	s17 =	smax.u32 s17, $0x1;
	s19 =	simm.s32 $0x2;
	s20 =	simm.s32 $0x2800  }
0x11: {  	s10 =	sadd.s32 $0xE000, s12;
	s11 =	sadd.s32 $0x4000, s12;
	s13 =	sshrl.u32 s13, $0x3  }
0x12: {  	s12 =	sadd.s32 s16, s31;
	s14 =	sadd.s32 s16, s14;
	s15 =	sadd.s32 s16, s15  }
0x13: {  	v0 =	vimm.f32 $0.0e+00;
	s13 =	sadd.s32 s16, s13;
	s16 =	sadd.s32 s16, s18;
	s18 =	simm.s32 $0x5000  }
.LBB2_1:
0x14: {  	s24 =	sand.u32 $0xFE00, s4  }
0x15: {  	s25 =	sand.u32 $0x70, s4;
	s26 =	sshrl.u32 s24, $0x2  }
0x16: {  	s24 =	simm.s32 $0x40;
	s26 =	sor.u32 s25, s26;
	s25 =	simm.s32 $0x0  }
.LBB2_2:
0x17: {  	p0 =	sne.s32 s24, $0xFFC0  }
0x18: {  	[tilespmem:s26+$0x5000] =	vst v0;
	s25 =	sadd.s32 $0x10, s25;
	s26 =	smov.u32 s24;
	s24 =	sadd.s32 $0x40, s24  }
.Ltmp0:
0x19: {  	(pc) =	sbr.rel @p0 .LBB2_2-.Ltmp0, $4  }
0x1a: {  	_ = 	snop  }
0x1b: {  	s26 =	sand.u32 $0xFE00, s26  }
0x1c: {  	s28 =	sand.u32 $0x70, s25;
	s26 =	sshrl.u32 s26, $0x2  }
0x1d: {  	s26 =	sor.u32 s28, s26  }
0x1e: {  	[tilespmem:s26+$0x5000] =	vst v0  }
0x1f: {  	[spmem:s5] =	stream.linear.scatter [tilespmem:s18], [sflag:$0x2], $0x4000, $0x38;
	[tilespmem:$0x1D000] =	vst v63  }
0x20: {  	_ =	swait.ge [sflag:s19], $0x4000  }
0x21: {  	[sflag:s19] =	ssyncset.done $0x0  }
0x22: {  	[sflag:s19] =	ssyncadd.s32 $0xFFFFC000  }
0x23: {  	[spmem:s6] =	stream.linear.scatter [tilespmem:s18], [sflag:$0x2], $0x4000, $0x38;
	[tilespmem:$0x1D000] =	vst v63  }
0x24: {  	_ =	swait.ge [sflag:s19], $0x4000  }
0x25: {  	[sflag:s19] =	ssyncset.done $0x0  }
0x26: {  	[sflag:s19] =	ssyncadd.s32 $0xFFFFC000  }
0x27: {  	[spmem:s7] =	stream.linear.scatter [tilespmem:s18], [sflag:$0x2], $0x4000, $0x38;
	[tilespmem:$0x1D000] =	vst v63  }
0x28: {  	_ =	swait.ge [sflag:s19], $0x4000  }
0x29: {  	[sflag:s19] =	ssyncset.done $0x0  }
0x2a: {  	[sflag:s19] =	ssyncadd.s32 $0xFFFFC000  }
0x2b: {  	[spmem:s8] =	stream.linear.scatter [tilespmem:s18], [sflag:$0x2], $0x4000, $0x38;
	[tilespmem:$0x1D000] =	vst v63  }
0x2c: {  	_ =	swait.ge [sflag:s19], $0x4000  }
0x2d: {  	[sflag:s19] =	ssyncset.done $0x0  }
0x2e: {  	[sflag:s19] =	ssyncadd.s32 $0xFFFFC000  }
0x2f: {  	[spmem:s9] =	stream.linear.scatter [tilespmem:s18], [sflag:$0x2], $0x4000, $0x38;
	[tilespmem:$0x1D000] =	vst v63  }
0x30: {  	_ =	swait.ge [sflag:s19], $0x4000  }
0x31: {  	[sflag:s19] =	ssyncset.done $0x0  }
0x32: {  	[sflag:s19] =	ssyncadd.s32 $0xFFFFC000  }
0x33: {  	s24 =	simm.s32 $0x0;
	[bflag:$0x0] =	sbarrier.arrive $0xFFFF  }
0x34: {  	[tilespmem:s24], [sflag:$0x2] =	stream.linear.gather [hbm4b:s10+s24], $0x2780, $0x38;
	[tilespmem:$0x1D000] =	vst v63  }
0x35: {  	_ =	swait.ge [sflag:s19], $0x2780  }
0x36: {  	[sflag:s19] =	ssyncset.done $0x0  }
0x37: {  	[sflag:s19] =	ssyncadd.s32 $0xFFFFD880  }
0x38: {  	[tilespmem:s20], [sflag:$0x2] =	stream.linear.gather [hbm4b:s11+s24], $0x2780, $0x38;
	[tilespmem:$0x1D000] =	vst v63  }
0x39: {  	_ =	swait.ge [sflag:s19], $0x2780  }
0x3a: {  	[sflag:s19] =	ssyncset.done $0x0  }
0x3b: {  	s30 =	simm.s32 $0x0;
	[sflag:s19] =	ssyncadd.s32 $0xFFFFD880  }
0x3c: {  	[tilespmem:s18], [sflag:$0x1] =	stream.indirect.gather [hbm4b:s1+s21], $0x80, s30, s21, $0xb8;
	[tilespmem:$0x1D000] =	vst v63  }
0x3d: {  	_ =	swait.ge [sflag:s22], $0x4000  }
0x3e: {  	[sflag:s22] =	ssyncset.done $0x0  }
0x3f: {  	s31 =	simm.s32 $0x2800;
	[sflag:s22] =	ssyncadd.s32 $0xFFFFC000  }
0x40: {  	[spmem:s3] =	stream.indirect.scatter.add.f32 [tilespmem:s18], [sflag:$0x2], $0x80, s31, s21, $0xb8;
	[tilespmem:$0x1D000] =	vst v63  }
0x41: {  	_ =	swait.ge [sflag:s19], $0x4000  }
0x42: {  	s25 =	simm.s32 $0x400;
	s24 =	simm.s32 $0x200;
	[sflag:s19] =	ssyncset.done $0x0  }
.LBB2_4:
0x43: {  	s26 =	sshra.s32 s24, $0x2  }
0x44: {  	[sflag:s19] =	ssyncadd.s32 $0xFFFFC000;
	s24 =	smov.u32 s25;
	s28 =	sadd.s32 $0x200, s25  }
0x45: {  	[tilespmem:s18], [sflag:$0x1] =	stream.indirect.gather [hbm4b:s1+s21], $0x80, s26, s21, $0xb8;
	[tilespmem:$0x1D000] =	vst v63  }
0x46: {  	p0 =	sne.s32 s25, $0x9C00;
	_ =	swait.ge [sflag:s22], $0x4000  }
.Ltmp1:
0x47: {  	[sflag:s22] =	ssyncset.done $0x0;
	(pc) =	sbr.rel @p0 .LBB2_4-.Ltmp1, $4  }
0x48: {  	s25 =	sadd.s32 $0x2800, s26;
	[sflag:s22] =	ssyncadd.s32 $0xFFFFC000  }
0x49: {  	[spmem:s3] =	stream.indirect.scatter.add.f32 [tilespmem:s18], [sflag:$0x2], $0x80, s25, s21, $0xb8;
	[tilespmem:$0x1D000] =	vst v63  }
0x4a: {  	_ =	swait.ge [sflag:s19], $0x4000  }
0x4b: {  	s25 =	smov.u32 s28;
	[sflag:s19] =	ssyncset.done $0x0  }
0x4c: {  	s24 =	sshra.s32 s24, $0x2;
	[sflag:s19] =	ssyncadd.s32 $0xFFFFC000  }
0x4d: {  	[tilespmem:s18], [sflag:$0x1] =	stream.indirect.gather [hbm4b:s1+s21], $0x80, s24, s21, $0xb8;
	[tilespmem:$0x1D000] =	vst v63  }
0x4e: {  	_ =	swait.ge [sflag:s22], $0x4000  }
0x4f: {  	[sflag:s22] =	ssyncset.done $0x0  }
0x50: {  	s24 =	sadd.s32 $0x2800, s24;
	[sflag:s22] =	ssyncadd.s32 $0xFFFFC000  }
0x51: {  	[spmem:s3] =	stream.indirect.scatter.add.f32 [tilespmem:s18], [sflag:$0x2], $0x80, s24, s21, $0xb8;
	[tilespmem:$0x1D000] =	vst v63  }
0x52: {  	_ =	swait.ge [sflag:s19], $0x4000  }
0x53: {  	[sflag:s19] =	ssyncset.done $0x0  }
0x54: {  	[sflag:s19] =	ssyncadd.s32 $0xFFFFC000  }
0x55: {  	[bflag:$0x0] =	sbarrier.arrive $0xFFFF  }
0x56: {  	[tilespmem:s18], [sflag:$0x2] =	stream.linear.gather [spmem:s5], $0x4000, $0x38;
	[tilespmem:$0x1D000] =	vst v63  }
0x57: {  	_ =	swait.ge [sflag:s19], $0x4000  }
0x58: {  	[sflag:s19] =	ssyncset.done $0x0  }
0x59: {  	[sflag:s19] =	ssyncadd.s32 $0xFFFFC000  }
0x5a: {  	[hbm4b:s12+s4] =	stream.linear.scatter [tilespmem:s18], [sflag:$0x2], $0x4000, $0x38;
	[tilespmem:$0x1D000] =	vst v63  }
0x5b: {  	_ =	swait.ge [sflag:s19], $0x4000  }
0x5c: {  	[sflag:s19] =	ssyncset.done $0x0  }
0x5d: {  	[sflag:s19] =	ssyncadd.s32 $0xFFFFC000  }
0x5e: {  	[tilespmem:s18], [sflag:$0x2] =	stream.linear.gather [spmem:s6], $0x4000, $0x38;
	[tilespmem:$0x1D000] =	vst v63  }
0x5f: {  	_ =	swait.ge [sflag:s19], $0x4000  }
0x60: {  	[sflag:s19] =	ssyncset.done $0x0  }
0x61: {  	[sflag:s19] =	ssyncadd.s32 $0xFFFFC000  }
0x62: {  	[hbm4b:s13+s4] =	stream.linear.scatter [tilespmem:s18], [sflag:$0x2], $0x4000, $0x38;
	[tilespmem:$0x1D000] =	vst v63  }
0x63: {  	_ =	swait.ge [sflag:s19], $0x4000  }
0x64: {  	[sflag:s19] =	ssyncset.done $0x0  }
0x65: {  	[sflag:s19] =	ssyncadd.s32 $0xFFFFC000  }
0x66: {  	[tilespmem:s18], [sflag:$0x2] =	stream.linear.gather [spmem:s7], $0x4000, $0x38;
	[tilespmem:$0x1D000] =	vst v63  }
0x67: {  	_ =	swait.ge [sflag:s19], $0x4000  }
0x68: {  	[sflag:s19] =	ssyncset.done $0x0  }
0x69: {  	[sflag:s19] =	ssyncadd.s32 $0xFFFFC000  }
0x6a: {  	[hbm4b:s14+s4] =	stream.linear.scatter [tilespmem:s18], [sflag:$0x2], $0x4000, $0x38;
	[tilespmem:$0x1D000] =	vst v63  }
0x6b: {  	_ =	swait.ge [sflag:s19], $0x4000  }
0x6c: {  	[sflag:s19] =	ssyncset.done $0x0  }
0x6d: {  	[sflag:s19] =	ssyncadd.s32 $0xFFFFC000  }
0x6e: {  	[tilespmem:s18], [sflag:$0x2] =	stream.linear.gather [spmem:s8], $0x4000, $0x38;
	[tilespmem:$0x1D000] =	vst v63  }
0x6f: {  	_ =	swait.ge [sflag:s19], $0x4000  }
0x70: {  	[sflag:s19] =	ssyncset.done $0x0  }
0x71: {  	[sflag:s19] =	ssyncadd.s32 $0xFFFFC000  }
0x72: {  	[hbm4b:s15+s4] =	stream.linear.scatter [tilespmem:s18], [sflag:$0x2], $0x4000, $0x38;
	[tilespmem:$0x1D000] =	vst v63  }
0x73: {  	_ =	swait.ge [sflag:s19], $0x4000  }
0x74: {  	[sflag:s19] =	ssyncset.done $0x0  }
0x75: {  	[sflag:s19] =	ssyncadd.s32 $0xFFFFC000  }
0x76: {  	[tilespmem:s18], [sflag:$0x2] =	stream.linear.gather [spmem:s9], $0x4000, $0x38;
	[tilespmem:$0x1D000] =	vst v63  }
0x77: {  	s23 =	sadd.s32 $0x1, s23;
	_ =	swait.ge [sflag:s19], $0x4000  }
0x78: {  	p0 =	sne.s32 s23, s17;
	[sflag:s19] =	ssyncset.done $0x0  }
.Ltmp2:
0x79: {  	[sflag:s19] =	ssyncadd.s32 $0xFFFFC000;
	(pc) =	sbr.rel @p0 .LBB2_1-.Ltmp2, $4  }
0x7a: {  	[hbm4b:s16+s4] =	stream.linear.scatter [tilespmem:s18], [sflag:$0x2], $0x4000, $0x38;
	[tilespmem:$0x1D000] =	vst v63  }
0x7b: {  	_ =	swait.ge [sflag:s19], $0x4000  }
0x7c: {  	[sflag:s19] =	ssyncset.done $0x0  }
0x7d: {  	[sflag:s19] =	ssyncadd.s32 $0xFFFFC000  }
0x7e: {  	_ =	sfence.sel $0x180000  }
0x7f: {  	[bflag:$0x0] =	sbarrier.arrive $0xFFFF  }
0x80: {  	p0 =	sne.s32 s0, $0x0;
	_ =	strace $0x90000050  }
0x81: {  	s0 =	sadd.s32 @!p0 $0x100000, s2;
	[bflag:$0x2] =	sbarrier.arrive $0xFFFF  }
0x82: {  	[sflag:s0] =	ssyncadd.tile.s32 @!p0 $0x1;
	_ =	shalt  }
.Lfunc_end2:
_tile_overlayer_lowered:
.L_overlay_start_2:
0x83: {  	(tag) =	ssettag $0x2  }
0x84: {  	s0 =	rddreg [dreg:$0x0];
	s2 =	stileid.u32  }
0x85: {  	s1 =	rddreg [dreg:$0x1];
	p0 =	sne.s32 s2, $0x0  }
0x86: {  	s3 =	rddreg [dreg:$0x2];
	[bflag:$0x3] =	sbarrier.arrive $0xFFFF;
	s2 =	simm.s32 @!p0 $0x1C02  }
0x87: {  	[timem:s3], [sflag:s2] =	dma.local @!p0 [hbm:s0], s1  }
0x88: {  	s0 =	simm.s32 @!p0 $0x2  }
0x89: {  	_ =	swait.ge @!p0 [sflag:s0], s1  }
0x8a: {  	s1 =	ssub.s32 @!p0 $0x0, s1;
	[sflag:s0] =	ssyncset.done @!p0 $0x0  }
0x8b: {  	[sflag:s0] =	ssyncadd.s32 @!p0 s1  }
0x8c: {  	[bflag:$0x3] =	sbarrier.arrive $0xFFFF  }
0x8d: {  	_ =	shalt  }

</sc_bundles>
